<compile_context>
chip_gen: v7x
topology: tpu7x:2x2x1
jax: 0.10.2.dev20260603
libtpu: 0.0.44.dev20260713+nightly
codegen_flags: <defaults>
</compile_context>

<pallas_src>
import jax
import jax.numpy as jnp
from jax import lax
from jax.experimental import pallas as pl
from jax.experimental.pallas import tpu as pltpu
from jax.experimental.pallas import tpu_sc as plsc

_B = 16384
_S = 50
_D = 32
_NC = 2
_NS = 16
_NW = _NC * _NS
_BPW = _B // _NW


def _sc_title_cat_body(cat_hbm, title_t_hbm, cat_tbl, title_tbl,
                       cat_out, pooled_out,
                       cidx_v, tidx_v, cat_rows_v, pooled_v,
                       sem_t, sem_c):
    wid = lax.axis_index("s") * _NC + lax.axis_index("c")
    base = wid * _BPW

    pltpu.sync_copy(cat_hbm.at[pl.ds(base, _BPW)], cidx_v)
    pltpu.sync_copy(title_t_hbm.at[:, pl.ds(base, _BPW)], tidx_v)

    cat_cp = pltpu.async_copy(cat_tbl.at[cidx_v], cat_rows_v, sem_c)

    zeros = jnp.zeros((16,), jnp.float32)

    def zero_body(r, carry):
        pooled_v[r, 0:16] = zeros
        pooled_v[r, 16:32] = zeros
        return carry

    lax.fori_loop(0, _BPW, zero_body, 0, unroll=8)

    def fire_body(s, carry):
        pltpu.async_copy(title_tbl.at[tidx_v.at[s]], pooled_v, sem_t, add=True)
        return carry

    lax.fori_loop(0, _S, fire_body, 0)

    def drain_body(s, carry):
        pltpu.make_async_copy(
            title_tbl.at[tidx_v.at[0]], pooled_v, sem_t).wait()
        return carry

    lax.fori_loop(0, _S, drain_body, 0)

    cat_cp.wait()

    w1 = pltpu.async_copy(cat_rows_v, cat_out.at[wid], sem_c)
    w2 = pltpu.async_copy(pooled_v, pooled_out.at[wid], sem_t)
    w1.wait()
    w2.wait()


_sc_title_cat = pl.kernel(
    _sc_title_cat_body,
    out_type=(
        jax.ShapeDtypeStruct((_NW, _BPW, _D), jnp.float32),
        jax.ShapeDtypeStruct((_NW, _BPW, _D), jnp.float32),
    ),
    mesh=plsc.VectorSubcoreMesh(core_axis_name="c", subcore_axis_name="s"),
    compiler_params=pltpu.CompilerParams(use_tc_tiling_on_sc=False),
    scratch_types=[
        pltpu.VMEM((_BPW,), jnp.int32),
        pltpu.VMEM((_S, _BPW), jnp.int32),
        pltpu.VMEM((_BPW, _D), jnp.float32),
        pltpu.VMEM((_BPW, _D), jnp.float32),
        pltpu.SemaphoreType.DMA,
        pltpu.SemaphoreType.DMA,
    ],
)


_ISTEP = 4
_NSTEP = _BPW // _ISTEP


def _sc_item_body(item_id_hbm, item_tbl_t, item_out,
                  iidx_v, buf_a, buf_b, rows_v, sem_w, sem_o):
    wid = lax.axis_index("s") * _NC + lax.axis_index("c")
    base = wid * _BPW
    iota = lax.broadcasted_iota(jnp.int32, (16,), 0)

    pltpu.sync_copy(item_id_hbm.at[pl.ds(base, _BPW)],
                    iidx_v.at[pl.ds(0, _BPW)])

    def fire(k, p, buf):
        vec = iidx_v[pl.ds(k * 2 * _ISTEP, 16)]
        for j in range(_ISTEP):
            cb = pl.multiple_of((vec[p * _ISTEP + j] // 128) * 128, 128)
            for g in range(_D // 8):
                pltpu.async_copy(
                    item_tbl_t.at[pl.ds(g * 8, 8), pl.ds(cb, 128)],
                    buf.at[pl.ds(g * 8, 8), pl.ds(j * 128, 128)], sem_w)

    def finish(k, p, buf):
        pltpu.make_async_copy(item_tbl_t.at[:, pl.ds(0, _ISTEP * 128)],
                              buf, sem_w).wait()
        vec = iidx_v[pl.ds(k * 2 * _ISTEP, 16)]
        for j in range(_ISTEP):
            row = vec[p * _ISTEP + j]
            lane = row - (row // 128) * 128
            lane_v = jnp.full((16,), lane, jnp.int32)
            slot = (2 * k + p) * _ISTEP + j
            lane_j = lane_v + j * 128
            rows_v[pl.ds(slot * _D, 16)] = plsc.load_gather(
                buf, [iota, lane_j])
            rows_v[pl.ds(slot * _D + 16, 16)] = plsc.load_gather(
                buf, [iota + 16, lane_j])

    fire(0, 0, buf_a)

    def body(k, carry):
        fire(k, 1, buf_b)
        finish(k, 0, buf_a)

        @pl.when(k < _NSTEP // 2 - 1)
        def _():
            fire(k + 1, 0, buf_a)

        finish(k, 1, buf_b)
        nw = 2 * _ISTEP * _D
        pltpu.async_copy(
            rows_v.at[pl.ds(k * nw, nw)],
            item_out.at[pl.ds(base * _D + k * nw, nw)], sem_o)
        return carry

    lax.fori_loop(0, _NSTEP // 2, body, 0)

    pltpu.make_async_copy(rows_v, item_out.at[pl.ds(0, _BPW * _D)],
                          sem_o).wait()


_sc_item = pl.kernel(
    _sc_item_body,
    out_type=jax.ShapeDtypeStruct((_B * _D,), jnp.float32),
    mesh=plsc.VectorSubcoreMesh(core_axis_name="c", subcore_axis_name="s"),
    compiler_params=pltpu.CompilerParams(use_tc_tiling_on_sc=True,
                                         needs_layout_passes=False),
    scratch_types=[
        pltpu.VMEM((_BPW + 16, ), jnp.int32),
        pltpu.VMEM((_D, _ISTEP * 128), jnp.float32),
        pltpu.VMEM((_D, _ISTEP * 128), jnp.float32),
        pltpu.VMEM((_BPW * _D,), jnp.float32),
        pltpu.SemaphoreType.DMA,
        pltpu.SemaphoreType.DMA,
    ],
)


def _dense_body(item_ref, cat_ref, pooled_ref, wi_ref, wc_ref, wp_ref,
                b_ref, out_ref):
    y = (jnp.dot(item_ref[...], wi_ref[...],
                 preferred_element_type=jnp.float32)
         + jnp.dot(cat_ref[...], wc_ref[...],
                   preferred_element_type=jnp.float32)
         + jnp.dot(pooled_ref[...], wp_ref[...],
                   preferred_element_type=jnp.float32))
    out_ref[...] = jnp.maximum(y + b_ref[...], 0.0)


_PK = 128 // _D


def kernel(item_id, category, title, item_table, category_table, title_table,
           W, b):
    cat_emb, pooled = _sc_title_cat(
        category.astype(jnp.int32),
        title.astype(jnp.int32).T,
        category_table, title_table)
    item_emb = _sc_item(item_id.astype(jnp.int32), item_table.T)

    b4 = _B // _PK
    item4 = item_emb.reshape(b4, _PK * _D)
    cat4 = cat_emb.reshape(b4, _PK * _D)
    pooled4 = pooled.reshape(b4, _PK * _D)

    eye = jnp.eye(_PK, dtype=jnp.float32)
    wi4 = jnp.kron(eye, W[0:_D, :])
    wc4 = jnp.kron(eye, W[_D:2 * _D, :])
    wp4 = jnp.kron(eye, W[2 * _D:, :] * (1.0 / _S))
    b4v = jnp.tile(b, _PK).reshape(1, _PK * 64)

    bb4 = 1024
    dense = pl.pallas_call(
        _dense_body,
        grid=(b4 // bb4,),
        in_specs=[
            pl.BlockSpec((bb4, _PK * _D), lambda i: (i, 0)),
            pl.BlockSpec((bb4, _PK * _D), lambda i: (i, 0)),
            pl.BlockSpec((bb4, _PK * _D), lambda i: (i, 0)),
            pl.BlockSpec((_PK * _D, _PK * 64), lambda i: (0, 0)),
            pl.BlockSpec((_PK * _D, _PK * 64), lambda i: (0, 0)),
            pl.BlockSpec((_PK * _D, _PK * 64), lambda i: (0, 0)),
            pl.BlockSpec((1, _PK * 64), lambda i: (0, 0)),
        ],
        out_specs=pl.BlockSpec((bb4, _PK * 64), lambda i: (i, 0)),
        out_shape=jax.ShapeDtypeStruct((b4, _PK * 64), jnp.float32),
    )
    out4 = dense(item4, cat4, pooled4, wi4, wc4, wp4, b4v)
    return out4.reshape(_B, 64)

# --- scband reference (transcript-rebuilt; emitter-appended) ---
"""Pipeline reference for scband-item-tower-62285615727314 (READ-ONLY COPY).

The authoritative reference and input builder live on the scoring server;
editing this copy changes nothing except your own understanding.
"""

import jax, jax.numpy as jnp
import numpy as np

BATCH = 16384
SEQ = 50
ITEM_VOCAB = 1000000
CAT_VOCAB = 1000
TITLE_VOCAB = 100000
EMBED_DIM = 32
DENSE_OUT = 64


def setup_inputs(seed: int = 0) -> dict:
    key = jax.random.key(seed)
    ks = jax.random.split(key, 8)
    item_id = jax.random.randint(ks[0], (BATCH,), 0, ITEM_VOCAB, dtype=jnp.int64 if jax.config.jax_enable_x64 else jnp.int32)
    category = jax.random.randint(ks[1], (BATCH,), 0, CAT_VOCAB, dtype=jnp.int32)
    title = jax.random.randint(ks[2], (BATCH, SEQ), 0, TITLE_VOCAB, dtype=jnp.int32)
    item_table = jax.random.normal(ks[3], (ITEM_VOCAB, EMBED_DIM), dtype=jnp.float32) * 0.05
    category_table = jax.random.normal(ks[4], (CAT_VOCAB, EMBED_DIM), dtype=jnp.float32) * 0.05
    title_table = jax.random.normal(ks[5], (TITLE_VOCAB, EMBED_DIM), dtype=jnp.float32) * 0.05
    W = jax.random.normal(ks[6], (3 * EMBED_DIM, DENSE_OUT), dtype=jnp.float32) * (1.0 / np.sqrt(3 * EMBED_DIM))
    b = jnp.zeros((DENSE_OUT,), dtype=jnp.float32)
    return {"item_id": item_id, "category": category, "title": title,
            "item_table": item_table, "category_table": category_table,
            "title_table": title_table, "W": W, "b": b}


def reference(item_id, category, title, item_table, category_table, title_table, W, b):
    # Embedding lookups (StringLookup is modeled as precomputed integer indices)
    item_emb = jnp.take(item_table, item_id, axis=0)            # [B, D]
    category_emb = jnp.take(category_table, category, axis=0)   # [B, D]
    title_emb = jnp.take(title_table, title, axis=0)            # [B, S, D]
    # MeanPoolingLayer: mean over sequence axis
    title_pooled = jnp.mean(title_emb, axis=1)                  # [B, D]
    concat = jnp.concatenate([item_emb, category_emb, title_pooled], axis=1)  # [B, 3D]
    out = jax.nn.relu(concat @ W + b)                           # [B, 64]
    return out

if __name__ == "__main__":
    import jax
    _d = setup_inputs()
    print(jax.jit(kernel)(*tuple(_d.values())))

</pallas_src>

<mosaic_0001>
#map = affine_map<(d0, d1) -> (0)>
#map1 = affine_map<(d0, d1) -> (0, 0)>
module attributes {stable_mosaic.version = 14 : i64} {
  func.func @_sc_item_body(%arg0: i32, %arg1: i32, %arg2: memref<16384xi32, #tpu.memory_space<hbm>>, %arg3: memref<32x1000000xf32, #tpu.memory_space<hbm>>, %arg4: memref<524288xf32, #tpu.memory_space<hbm>>, %arg5: memref<528xi32, #tpu.memory_space<vmem>>, %arg6: memref<32x512xf32, #tpu.memory_space<vmem>>, %arg7: memref<32x512xf32, #tpu.memory_space<vmem>>, %arg8: memref<16384xf32, #tpu.memory_space<vmem>>, %arg9: memref<!tpu.dma_semaphore, #tpu.memory_space<semaphore_mem>>, %arg10: memref<!tpu.dma_semaphore, #tpu.memory_space<semaphore_mem>>) attributes {dimension_semantics = [#tpu.dimension_semantics<core_parallel>, #tpu.dimension_semantics<subcore_parallel>], iteration_bounds = array<i64: 2, 16>, scalar_prefetch = 0 : i64, scratch_operands = 6 : i64, tpu.core_type = #tpu.core_type<sc_vector_subcore>, window_params = [{transform_indices = #map}, {transform_indices = #map1}, {transform_indices = #map}]} {
    %mul3A = arith.constant 2 : i32
    %mul3A_0 = arith.muli %arg1, %mul3A : i32
    %add3A = arith.addi %mul3A_0, %arg0 : i32
    %mul3A_1 = arith.constant 512 : i32
    %mul3A_2 = arith.muli %add3A, %mul3A_1 : i32
    %iota3A = tpu.iota {dimensions = array<i32: 0>} : vector<16xi32>
    "tpu.region"() ({
      %run_scoped3A = tpu.sem_alloc : memref<!tpu.dma_semaphore, #tpu.memory_space<semaphore_mem>>
      %dma_start3A_276 = arith.constant 0 : i32
      %dma_start3A_277 = tpu.memref_slice %arg5[%dma_start3A_276] : memref<528xi32, #tpu.memory_space<vmem>> -> memref<512xi32, #tpu.memory_space<vmem>>
      %dma_start3A_278 = tpu.memref_slice %arg2[%mul3A_2] : memref<16384xi32, #tpu.memory_space<hbm>> -> memref<512xi32, #tpu.memory_space<hbm>>
      %dma_start3A_279 = arith.constant 0 : i32
      %dma_start3A_280 = tpu.memref_slice %arg5[%dma_start3A_279] : memref<528xi32, #tpu.memory_space<vmem>> -> memref<512xi32, #tpu.memory_space<vmem>>
      %dma_start3A_281 = tpu.memref_slice %arg2[%mul3A_2] : memref<16384xi32, #tpu.memory_space<hbm>> -> memref<512xi32, #tpu.memory_space<hbm>>
      tpu.enqueue_dma source(%dma_start3A_281 : memref<512xi32, #tpu.memory_space<hbm>>) target(%dma_start3A_280 : memref<512xi32, #tpu.memory_space<vmem>>) target_semaphore(%run_scoped3A : memref<!tpu.dma_semaphore, #tpu.memory_space<semaphore_mem>>)
      %dma_wait3A_282 = arith.constant 0 : i32
      %dma_wait3A_283 = tpu.memref_slice %arg5[%dma_wait3A_282] : memref<528xi32, #tpu.memory_space<vmem>> -> memref<512xi32, #tpu.memory_space<vmem>>
      %dma_wait3A_284 = tpu.memref_slice %arg2[%mul3A_2] : memref<16384xi32, #tpu.memory_space<hbm>> -> memref<512xi32, #tpu.memory_space<hbm>>
      %dma_wait3A_285 = arith.constant 0 : i32
      %dma_wait3A_286 = tpu.memref_slice %arg5[%dma_wait3A_285] : memref<528xi32, #tpu.memory_space<vmem>> -> memref<512xi32, #tpu.memory_space<vmem>>
      %dma_wait3A_287 = tpu.memref_slice %arg2[%mul3A_2] : memref<16384xi32, #tpu.memory_space<hbm>> -> memref<512xi32, #tpu.memory_space<hbm>>
      tpu.wait_dma2 semaphore(%run_scoped3A : memref<!tpu.dma_semaphore, #tpu.memory_space<semaphore_mem>>) src(%dma_wait3A_287 : memref<512xi32, #tpu.memory_space<hbm>>) dst(%dma_wait3A_286 : memref<512xi32, #tpu.memory_space<vmem>>)
      tpu.yield
    }) : () -> ()
    %get3A = arith.constant 0 : index
    %get3A_3 = tpu.vector_load %arg5[%get3A] {strides = array<i32>} : memref<528xi32, #tpu.memory_space<vmem>>, vector<16xi32>,
    %slice3A = vector.extract_strided_slice %get3A_3 {offsets = [0], sizes = [1], strides = [1]} : vector<16xi32> to vector<1xi32>
    %squeeze3A = vector.extract %slice3A[0] : i32 from vector<1xi32>
    %jit3A = arith.constant 128 : i32
    %div3A = arith.divsi %squeeze3A, %jit3A : i32
    %sign3A = arith.constant 0 : i32
    %sign3A_4 = arith.cmpi sgt, %squeeze3A, %sign3A : i32
    %sign3A_5 = arith.extui %sign3A_4 : i1 to i32
    %sign3A_6 = arith.constant 0 : i32
    %sign3A_7 = arith.cmpi slt, %squeeze3A, %sign3A_6 : i32
    %sign3A_8 = arith.extui %sign3A_7 : i1 to i32
    %sign3A_9 = arith.subi %sign3A_5, %sign3A_8 : i32
    %sign3A_10 = arith.constant 0 : i32
    %sign3A_11 = arith.cmpi sgt, %jit3A, %sign3A_10 : i32
    %sign3A_12 = arith.extui %sign3A_11 : i1 to i32
    %sign3A_13 = arith.constant 0 : i32
    %sign3A_14 = arith.cmpi slt, %jit3A, %sign3A_13 : i32
    %sign3A_15 = arith.extui %sign3A_14 : i1 to i32
    %sign3A_16 = arith.subi %sign3A_12, %sign3A_15 : i32
    %ne3A = arith.cmpi ne, %sign3A_9, %sign3A_16 : i32
    %rem3A = arith.remsi %squeeze3A, %jit3A : i32
    %ne3A_17 = arith.constant 0 : i32
    %ne3A_18 = arith.cmpi ne, %rem3A, %ne3A_17 : i32
    %and3A = arith.andi %ne3A, %ne3A_18 : i1
    %sub3A = arith.constant 1 : i32
    %sub3A_19 = arith.subi %div3A, %sub3A : i32
    %select_n3A = arith.select %and3A, %sub3A_19, %div3A : i32
    %mul3A_20 = arith.constant 128 : i32
    %mul3A_21 = arith.muli %select_n3A, %mul3A_20 : i32
    %multiple_of3A = tpu.assume_multiple %mul3A_21, 128 : i32
    %dma_start3A = arith.constant 0 : i32
    %dma_start3A_22 = arith.constant 0 : i32
    %dma_start3A_23 = tpu.memref_slice %arg6[%dma_start3A, %dma_start3A_22] : memref<32x512xf32, #tpu.memory_space<vmem>> -> memref<8x128xf32, #tpu.memory_space<vmem>>
    %dma_start3A_24 = arith.constant 0 : i32
    %dma_start3A_25 = tpu.memref_slice %arg3[%dma_start3A_24, %multiple_of3A] : memref<32x1000000xf32, #tpu.memory_space<hbm>> -> memref<8x128xf32, #tpu.memory_space<hbm>>
    %dma_start3A_26 = arith.constant 0 : i32
    %dma_start3A_27 = arith.constant 0 : i32
    %dma_start3A_28 = tpu.memref_slice %arg6[%dma_start3A_26, %dma_start3A_27] : memref<32x512xf32, #tpu.memory_space<vmem>> -> memref<8x128xf32, #tpu.memory_space<vmem>>
    %dma_start3A_29 = arith.constant 0 : i32
    %dma_start3A_30 = tpu.memref_slice %arg3[%dma_start3A_29, %multiple_of3A] : memref<32x1000000xf32, #tpu.memory_space<hbm>> -> memref<8x128xf32, #tpu.memory_space<hbm>>
    tpu.enqueue_dma source(%dma_start3A_30 : memref<8x128xf32, #tpu.memory_space<hbm>>) target(%dma_start3A_28 : memref<8x128xf32, #tpu.memory_space<vmem>>) target_semaphore(%arg9 : memref<!tpu.dma_semaphore, #tpu.memory_space<semaphore_mem>>)
    %dma_start3A_31 = arith.constant 8 : i32
    %dma_start3A_32 = arith.constant 0 : i32
    %dma_start3A_33 = tpu.memref_slice %arg6[%dma_start3A_31, %dma_start3A_32] : memref<32x512xf32, #tpu.memory_space<vmem>> -> memref<8x128xf32, #tpu.memory_space<vmem>>
    %dma_start3A_34 = arith.constant 8 : i32
    %dma_start3A_35 = tpu.memref_slice %arg3[%dma_start3A_34, %multiple_of3A] : memref<32x1000000xf32, #tpu.memory_space<hbm>> -> memref<8x128xf32, #tpu.memory_space<hbm>>
    %dma_start3A_36 = arith.constant 8 : i32
    %dma_start3A_37 = arith.constant 0 : i32
    %dma_start3A_38 = tpu.memref_slice %arg6[%dma_start3A_36, %dma_start3A_37] : memref<32x512xf32, #tpu.memory_space<vmem>> -> memref<8x128xf32, #tpu.memory_space<vmem>>
    %dma_start3A_39 = arith.constant 8 : i32
    %dma_start3A_40 = tpu.memref_slice %arg3[%dma_start3A_39, %multiple_of3A] : memref<32x1000000xf32, #tpu.memory_space<hbm>> -> memref<8x128xf32, #tpu.memory_space<hbm>>
    tpu.enqueue_dma source(%dma_start3A_40 : memref<8x128xf32, #tpu.memory_space<hbm>>) target(%dma_start3A_38 : memref<8x128xf32, #tpu.memory_space<vmem>>) target_semaphore(%arg9 : memref<!tpu.dma_semaphore, #tpu.memory_space<semaphore_mem>>)
    %dma_start3A_41 = arith.constant 16 : i32
    %dma_start3A_42 = arith.constant 0 : i32
    %dma_start3A_43 = tpu.memref_slice %arg6[%dma_start3A_41, %dma_start3A_42] : memref<32x512xf32, #tpu.memory_space<vmem>> -> memref<8x128xf32, #tpu.memory_space<vmem>>
    %dma_start3A_44 = arith.constant 16 : i32
    %dma_start3A_45 = tpu.memref_slice %arg3[%dma_start3A_44, %multiple_of3A] : memref<32x1000000xf32, #tpu.memory_space<hbm>> -> memref<8x128xf32, #tpu.memory_space<hbm>>
    %dma_start3A_46 = arith.constant 16 : i32
    %dma_start3A_47 = arith.constant 0 : i32
    %dma_start3A_48 = tpu.memref_slice %arg6[%dma_start3A_46, %dma_start3A_47] : memref<32x512xf32, #tpu.memory_space<vmem>> -> memref<8x128xf32, #tpu.memory_space<vmem>>
    %dma_start3A_49 = arith.constant 16 : i32
    %dma_start3A_50 = tpu.memref_slice %arg3[%dma_start3A_49, %multiple_of3A] : memref<32x1000000xf32, #tpu.memory_space<hbm>> -> memref<8x128xf32, #tpu.memory_space<hbm>>
    tpu.enqueue_dma source(%dma_start3A_50 : memref<8x128xf32, #tpu.memory_space<hbm>>) target(%dma_start3A_48 : memref<8x128xf32, #tpu.memory_space<vmem>>) target_semaphore(%arg9 : memref<!tpu.dma_semaphore, #tpu.memory_space<semaphore_mem>>)
    %dma_start3A_51 = arith.constant 24 : i32
    %dma_start3A_52 = arith.constant 0 : i32
    %dma_start3A_53 = tpu.memref_slice %arg6[%dma_start3A_51, %dma_start3A_52] : memref<32x512xf32, #tpu.memory_space<vmem>> -> memref<8x128xf32, #tpu.memory_space<vmem>>
    %dma_start3A_54 = arith.constant 24 : i32
    %dma_start3A_55 = tpu.memref_slice %arg3[%dma_start3A_54, %multiple_of3A] : memref<32x1000000xf32, #tpu.memory_space<hbm>> -> memref<8x128xf32, #tpu.memory_space<hbm>>
    %dma_start3A_56 = arith.constant 24 : i32
    %dma_start3A_57 = arith.constant 0 : i32
    %dma_start3A_58 = tpu.memref_slice %arg6[%dma_start3A_56, %dma_start3A_57] : memref<32x512xf32, #tpu.memory_space<vmem>> -> memref<8x128xf32, #tpu.memory_space<vmem>>
    %dma_start3A_59 = arith.constant 24 : i32
    %dma_start3A_60 = tpu.memref_slice %arg3[%dma_start3A_59, %multiple_of3A] : memref<32x1000000xf32, #tpu.memory_space<hbm>> -> memref<8x128xf32, #tpu.memory_space<hbm>>
    tpu.enqueue_dma source(%dma_start3A_60 : memref<8x128xf32, #tpu.memory_space<hbm>>) target(%dma_start3A_58 : memref<8x128xf32, #tpu.memory_space<vmem>>) target_semaphore(%arg9 : memref<!tpu.dma_semaphore, #tpu.memory_space<semaphore_mem>>)
    %slice3A_61 = vector.extract_strided_slice %get3A_3 {offsets = [1], sizes = [1], strides = [1]} : vector<16xi32> to vector<1xi32>
    %squeeze3A_62 = vector.extract %slice3A_61[0] : i32 from vector<1xi32>
    %jit3A_63 = arith.constant 128 : i32
    %div3A_64 = arith.divsi %squeeze3A_62, %jit3A_63 : i32
    %sign3A_65 = arith.constant 0 : i32
    %sign3A_66 = arith.cmpi sgt, %squeeze3A_62, %sign3A_65 : i32
    %sign3A_67 = arith.extui %sign3A_66 : i1 to i32
    %sign3A_68 = arith.constant 0 : i32
    %sign3A_69 = arith.cmpi slt, %squeeze3A_62, %sign3A_68 : i32
    %sign3A_70 = arith.extui %sign3A_69 : i1 to i32
    %sign3A_71 = arith.subi %sign3A_67, %sign3A_70 : i32
    %sign3A_72 = arith.constant 0 : i32
    %sign3A_73 = arith.cmpi sgt, %jit3A_63, %sign3A_72 : i32
    %sign3A_74 = arith.extui %sign3A_73 : i1 to i32
    %sign3A_75 = arith.constant 0 : i32
    %sign3A_76 = arith.cmpi slt, %jit3A_63, %sign3A_75 : i32
    %sign3A_77 = arith.extui %sign3A_76 : i1 to i32
    %sign3A_78 = arith.subi %sign3A_74, %sign3A_77 : i32
    %ne3A_79 = arith.cmpi ne, %sign3A_71, %sign3A_78 : i32
    %rem3A_80 = arith.remsi %squeeze3A_62, %jit3A_63 : i32
    %ne3A_81 = arith.constant 0 : i32
    %ne3A_82 = arith.cmpi ne, %rem3A_80, %ne3A_81 : i32
    %and3A_83 = arith.andi %ne3A_79, %ne3A_82 : i1
    %sub3A_84 = arith.constant 1 : i32
    %sub3A_85 = arith.subi %div3A_64, %sub3A_84 : i32
    %select_n3A_86 = arith.select %and3A_83, %sub3A_85, %div3A_64 : i32
    %mul3A_87 = arith.constant 128 : i32
    %mul3A_88 = arith.muli %select_n3A_86, %mul3A_87 : i32
    %multiple_of3A_89 = tpu.assume_multiple %mul3A_88, 128 : i32
    %dma_start3A_90 = arith.constant 0 : i32
    %dma_start3A_91 = arith.constant 128 : i32
    %dma_start3A_92 = tpu.memref_slice %arg6[%dma_start3A_90, %dma_start3A_91] : memref<32x512xf32, #tpu.memory_space<vmem>> -> memref<8x128xf32, #tpu.memory_space<vmem>>
    %dma_start3A_93 = arith.constant 0 : i32
    %dma_start3A_94 = tpu.memref_slice %arg3[%dma_start3A_93, %multiple_of3A_89] : memref<32x1000000xf32, #tpu.memory_space<hbm>> -> memref<8x128xf32, #tpu.memory_space<hbm>>
    %dma_start3A_95 = arith.constant 0 : i32
    %dma_start3A_96 = arith.constant 128 : i32
    %dma_start3A_97 = tpu.memref_slice %arg6[%dma_start3A_95, %dma_start3A_96] : memref<32x512xf32, #tpu.memory_space<vmem>> -> memref<8x128xf32, #tpu.memory_space<vmem>>
    %dma_start3A_98 = arith.constant 0 : i32
    %dma_start3A_99 = tpu.memref_slice %arg3[%dma_start3A_98, %multiple_of3A_89] : memref<32x1000000xf32, #tpu.memory_space<hbm>> -> memref<8x128xf32, #tpu.memory_space<hbm>>
    tpu.enqueue_dma source(%dma_start3A_99 : memref<8x128xf32, #tpu.memory_space<hbm>>) target(%dma_start3A_97 : memref<8x128xf32, #tpu.memory_space<vmem>>) target_semaphore(%arg9 : memref<!tpu.dma_semaphore, #tpu.memory_space<semaphore_mem>>)
    %dma_start3A_100 = arith.constant 8 : i32
    %dma_start3A_101 = arith.constant 128 : i32
    %dma_start3A_102 = tpu.memref_slice %arg6[%dma_start3A_100, %dma_start3A_101] : memref<32x512xf32, #tpu.memory_space<vmem>> -> memref<8x128xf32, #tpu.memory_space<vmem>>
    %dma_start3A_103 = arith.constant 8 : i32
    %dma_start3A_104 = tpu.memref_slice %arg3[%dma_start3A_103, %multiple_of3A_89] : memref<32x1000000xf32, #tpu.memory_space<hbm>> -> memref<8x128xf32, #tpu.memory_space<hbm>>
    %dma_start3A_105 = arith.constant 8 : i32
    %dma_start3A_106 = arith.constant 128 : i32
    %dma_start3A_107 = tpu.memref_slice %arg6[%dma_start3A_105, %dma_start3A_106] : memref<32x512xf32, #tpu.memory_space<vmem>> -> memref<8x128xf32, #tpu.memory_space<vmem>>
    %dma_start3A_108 = arith.constant 8 : i32
    %dma_start3A_109 = tpu.memref_slice %arg3[%dma_start3A_108, %multiple_of3A_89] : memref<32x1000000xf32, #tpu.memory_space<hbm>> -> memref<8x128xf32, #tpu.memory_space<hbm>>
    tpu.enqueue_dma source(%dma_start3A_109 : memref<8x128xf32, #tpu.memory_space<hbm>>) target(%dma_start3A_107 : memref<8x128xf32, #tpu.memory_space<vmem>>) target_semaphore(%arg9 : memref<!tpu.dma_semaphore, #tpu.memory_space<semaphore_mem>>)
    %dma_start3A_110 = arith.constant 16 : i32
    %dma_start3A_111 = arith.constant 128 : i32
    %dma_start3A_112 = tpu.memref_slice %arg6[%dma_start3A_110, %dma_start3A_111] : memref<32x512xf32, #tpu.memory_space<vmem>> -> memref<8x128xf32, #tpu.memory_space<vmem>>
    %dma_start3A_113 = arith.constant 16 : i32
    %dma_start3A_114 = tpu.memref_slice %arg3[%dma_start3A_113, %multiple_of3A_89] : memref<32x1000000xf32, #tpu.memory_space<hbm>> -> memref<8x128xf32, #tpu.memory_space<hbm>>
    %dma_start3A_115 = arith.constant 16 : i32
    %dma_start3A_116 = arith.constant 128 : i32
    %dma_start3A_117 = tpu.memref_slice %arg6[%dma_start3A_115, %dma_start3A_116] : memref<32x512xf32, #tpu.memory_space<vmem>> -> memref<8x128xf32, #tpu.memory_space<vmem>>
    %dma_start3A_118 = arith.constant 16 : i32
    %dma_start3A_119 = tpu.memref_slice %arg3[%dma_start3A_118, %multiple_of3A_89] : memref<32x1000000xf32, #tpu.memory_space<hbm>> -> memref<8x128xf32, #tpu.memory_space<hbm>>
    tpu.enqueue_dma source(%dma_start3A_119 : memref<8x128xf32, #tpu.memory_space<hbm>>) target(%dma_start3A_117 : memref<8x128xf32, #tpu.memory_space<vmem>>) target_semaphore(%arg9 : memref<!tpu.dma_semaphore, #tpu.memory_space<semaphore_mem>>)
    %dma_start3A_120 = arith.constant 24 : i32
    %dma_start3A_121 = arith.constant 128 : i32
    %dma_start3A_122 = tpu.memref_slice %arg6[%dma_start3A_120, %dma_start3A_121] : memref<32x512xf32, #tpu.memory_space<vmem>> -> memref<8x128xf32, #tpu.memory_space<vmem>>
    %dma_start3A_123 = arith.constant 24 : i32
    %dma_start3A_124 = tpu.memref_slice %arg3[%dma_start3A_123, %multiple_of3A_89] : memref<32x1000000xf32, #tpu.memory_space<hbm>> -> memref<8x128xf32, #tpu.memory_space<hbm>>
    %dma_start3A_125 = arith.constant 24 : i32
    %dma_start3A_126 = arith.constant 128 : i32
    %dma_start3A_127 = tpu.memref_slice %arg6[%dma_start3A_125, %dma_start3A_126] : memref<32x512xf32, #tpu.memory_space<vmem>> -> memref<8x128xf32, #tpu.memory_space<vmem>>
    %dma_start3A_128 = arith.constant 24 : i32
    %dma_start3A_129 = tpu.memref_slice %arg3[%dma_start3A_128, %multiple_of3A_89] : memref<32x1000000xf32, #tpu.memory_space<hbm>> -> memref<8x128xf32, #tpu.memory_space<hbm>>
    tpu.enqueue_dma source(%dma_start3A_129 : memref<8x128xf32, #tpu.memory_space<hbm>>) target(%dma_start3A_127 : memref<8x128xf32, #tpu.memory_space<vmem>>) target_semaphore(%arg9 : memref<!tpu.dma_semaphore, #tpu.memory_space<semaphore_mem>>)
    %slice3A_130 = vector.extract_strided_slice %get3A_3 {offsets = [2], sizes = [1], strides = [1]} : vector<16xi32> to vector<1xi32>
    %squeeze3A_131 = vector.extract %slice3A_130[0] : i32 from vector<1xi32>
    %jit3A_132 = arith.constant 128 : i32
    %div3A_133 = arith.divsi %squeeze3A_131, %jit3A_132 : i32
    %sign3A_134 = arith.constant 0 : i32
    %sign3A_135 = arith.cmpi sgt, %squeeze3A_131, %sign3A_134 : i32
    %sign3A_136 = arith.extui %sign3A_135 : i1 to i32
    %sign3A_137 = arith.constant 0 : i32
    %sign3A_138 = arith.cmpi slt, %squeeze3A_131, %sign3A_137 : i32
    %sign3A_139 = arith.extui %sign3A_138 : i1 to i32
    %sign3A_140 = arith.subi %sign3A_136, %sign3A_139 : i32
    %sign3A_141 = arith.constant 0 : i32
    %sign3A_142 = arith.cmpi sgt, %jit3A_132, %sign3A_141 : i32
    %sign3A_143 = arith.extui %sign3A_142 : i1 to i32
    %sign3A_144 = arith.constant 0 : i32
    %sign3A_145 = arith.cmpi slt, %jit3A_132, %sign3A_144 : i32
    %sign3A_146 = arith.extui %sign3A_145 : i1 to i32
    %sign3A_147 = arith.subi %sign3A_143, %sign3A_146 : i32
    %ne3A_148 = arith.cmpi ne, %sign3A_140, %sign3A_147 : i32
    %rem3A_149 = arith.remsi %squeeze3A_131, %jit3A_132 : i32
    %ne3A_150 = arith.constant 0 : i32
    %ne3A_151 = arith.cmpi ne, %rem3A_149, %ne3A_150 : i32
    %and3A_152 = arith.andi %ne3A_148, %ne3A_151 : i1
    %sub3A_153 = arith.constant 1 : i32
    %sub3A_154 = arith.subi %div3A_133, %sub3A_153 : i32
    %select_n3A_155 = arith.select %and3A_152, %sub3A_154, %div3A_133 : i32
    %mul3A_156 = arith.constant 128 : i32
    %mul3A_157 = arith.muli %select_n3A_155, %mul3A_156 : i32
    %multiple_of3A_158 = tpu.assume_multiple %mul3A_157, 128 : i32
    %dma_start3A_159 = arith.constant 0 : i32
    %dma_start3A_160 = arith.constant 256 : i32
    %dma_start3A_161 = tpu.memref_slice %arg6[%dma_start3A_159, %dma_start3A_160] : memref<32x512xf32, #tpu.memory_space<vmem>> -> memref<8x128xf32, #tpu.memory_space<vmem>>
    %dma_start3A_162 = arith.constant 0 : i32
    %dma_start3A_163 = tpu.memref_slice %arg3[%dma_start3A_162, %multiple_of3A_158] : memref<32x1000000xf32, #tpu.memory_space<hbm>> -> memref<8x128xf32, #tpu.memory_space<hbm>>
    %dma_start3A_164 = arith.constant 0 : i32
    %dma_start3A_165 = arith.constant 256 : i32
    %dma_start3A_166 = tpu.memref_slice %arg6[%dma_start3A_164, %dma_start3A_165] : memref<32x512xf32, #tpu.memory_space<vmem>> -> memref<8x128xf32, #tpu.memory_space<vmem>>
    %dma_start3A_167 = arith.constant 0 : i32
    %dma_start3A_168 = tpu.memref_slice %arg3[%dma_start3A_167, %multiple_of3A_158] : memref<32x1000000xf32, #tpu.memory_space<hbm>> -> memref<8x128xf32, #tpu.memory_space<hbm>>
    tpu.enqueue_dma source(%dma_start3A_168 : memref<8x128xf32, #tpu.memory_space<hbm>>) target(%dma_start3A_166 : memref<8x128xf32, #tpu.memory_space<vmem>>) target_semaphore(%arg9 : memref<!tpu.dma_semaphore, #tpu.memory_space<semaphore_mem>>)
    %dma_start3A_169 = arith.constant 8 : i32
    %dma_start3A_170 = arith.constant 256 : i32
    %dma_start3A_171 = tpu.memref_slice %arg6[%dma_start3A_169, %dma_start3A_170] : memref<32x512xf32, #tpu.memory_space<vmem>> -> memref<8x128xf32, #tpu.memory_space<vmem>>
    %dma_start3A_172 = arith.constant 8 : i32
    %dma_start3A_173 = tpu.memref_slice %arg3[%dma_start3A_172, %multiple_of3A_158] : memref<32x1000000xf32, #tpu.memory_space<hbm>> -> memref<8x128xf32, #tpu.memory_space<hbm>>
    %dma_start3A_174 = arith.constant 8 : i32
    %dma_start3A_175 = arith.constant 256 : i32
    %dma_start3A_176 = tpu.memref_slice %arg6[%dma_start3A_174, %dma_start3A_175] : memref<32x512xf32, #tpu.memory_space<vmem>> -> memref<8x128xf32, #tpu.memory_space<vmem>>
    %dma_start3A_177 = arith.constant 8 : i32
    %dma_start3A_178 = tpu.memref_slice %arg3[%dma_start3A_177, %multiple_of3A_158] : memref<32x1000000xf32, #tpu.memory_space<hbm>> -> memref<8x128xf32, #tpu.memory_space<hbm>>
    tpu.enqueue_dma source(%dma_start3A_178 : memref<8x128xf32, #tpu.memory_space<hbm>>) target(%dma_start3A_176 : memref<8x128xf32, #tpu.memory_space<vmem>>) target_semaphore(%arg9 : memref<!tpu.dma_semaphore, #tpu.memory_space<semaphore_mem>>)
    %dma_start3A_179 = arith.constant 16 : i32
    %dma_start3A_180 = arith.constant 256 : i32
    %dma_start3A_181 = tpu.memref_slice %arg6[%dma_start3A_179, %dma_start3A_180] : memref<32x512xf32, #tpu.memory_space<vmem>> -> memref<8x128xf32, #tpu.memory_space<vmem>>
    %dma_start3A_182 = arith.constant 16 : i32
    %dma_start3A_183 = tpu.memref_slice %arg3[%dma_start3A_182, %multiple_of3A_158] : memref<32x1000000xf32, #tpu.memory_space<hbm>> -> memref<8x128xf32, #tpu.memory_space<hbm>>
    %dma_start3A_184 = arith.constant 16 : i32
    %dma_start3A_185 = arith.constant 256 : i32
    %dma_start3A_186 = tpu.memref_slice %arg6[%dma_start3A_184, %dma_start3A_185] : memref<32x512xf32, #tpu.memory_space<vmem>> -> memref<8x128xf32, #tpu.memory_space<vmem>>
    %dma_start3A_187 = arith.constant 16 : i32
    %dma_start3A_188 = tpu.memref_slice %arg3[%dma_start3A_187, %multiple_of3A_158] : memref<32x1000000xf32, #tpu.memory_space<hbm>> -> memref<8x128xf32, #tpu.memory_space<hbm>>
    tpu.enqueue_dma source(%dma_start3A_188 : memref<8x128xf32, #tpu.memory_space<hbm>>) target(%dma_start3A_186 : memref<8x128xf32, #tpu.memory_space<vmem>>) target_semaphore(%arg9 : memref<!tpu.dma_semaphore, #tpu.memory_space<semaphore_mem>>)
    %dma_start3A_189 = arith.constant 24 : i32
    %dma_start3A_190 = arith.constant 256 : i32
    %dma_start3A_191 = tpu.memref_slice %arg6[%dma_start3A_189, %dma_start3A_190] : memref<32x512xf32, #tpu.memory_space<vmem>> -> memref<8x128xf32, #tpu.memory_space<vmem>>
    %dma_start3A_192 = arith.constant 24 : i32
    %dma_start3A_193 = tpu.memref_slice %arg3[%dma_start3A_192, %multiple_of3A_158] : memref<32x1000000xf32, #tpu.memory_space<hbm>> -> memref<8x128xf32, #tpu.memory_space<hbm>>
    %dma_start3A_194 = arith.constant 24 : i32
    %dma_start3A_195 = arith.constant 256 : i32
    %dma_start3A_196 = tpu.memref_slice %arg6[%dma_start3A_194, %dma_start3A_195] : memref<32x512xf32, #tpu.memory_space<vmem>> -> memref<8x128xf32, #tpu.memory_space<vmem>>
    %dma_start3A_197 = arith.constant 24 : i32
    %dma_start3A_198 = tpu.memref_slice %arg3[%dma_start3A_197, %multiple_of3A_158] : memref<32x1000000xf32, #tpu.memory_space<hbm>> -> memref<8x128xf32, #tpu.memory_space<hbm>>
    tpu.enqueue_dma source(%dma_start3A_198 : memref<8x128xf32, #tpu.memory_space<hbm>>) target(%dma_start3A_196 : memref<8x128xf32, #tpu.memory_space<vmem>>) target_semaphore(%arg9 : memref<!tpu.dma_semaphore, #tpu.memory_space<semaphore_mem>>)
    %slice3A_199 = vector.extract_strided_slice %get3A_3 {offsets = [3], sizes = [1], strides = [1]} : vector<16xi32> to vector<1xi32>
    %squeeze3A_200 = vector.extract %slice3A_199[0] : i32 from vector<1xi32>
    %jit3A_201 = arith.constant 128 : i32
    %div3A_202 = arith.divsi %squeeze3A_200, %jit3A_201 : i32
    %sign3A_203 = arith.constant 0 : i32
    %sign3A_204 = arith.cmpi sgt, %squeeze3A_200, %sign3A_203 : i32
    %sign3A_205 = arith.extui %sign3A_204 : i1 to i32
    %sign3A_206 = arith.constant 0 : i32
    %sign3A_207 = arith.cmpi slt, %squeeze3A_200, %sign3A_206 : i32
    %sign3A_208 = arith.extui %sign3A_207 : i1 to i32
    %sign3A_209 = arith.subi %sign3A_205, %sign3A_208 : i32
    %sign3A_210 = arith.constant 0 : i32
    %sign3A_211 = arith.cmpi sgt, %jit3A_201, %sign3A_210 : i32
    %sign3A_212 = arith.extui %sign3A_211 : i1 to i32
    %sign3A_213 = arith.constant 0 : i32
    %sign3A_214 = arith.cmpi slt, %jit3A_201, %sign3A_213 : i32
    %sign3A_215 = arith.extui %sign3A_214 : i1 to i32
    %sign3A_216 = arith.subi %sign3A_212, %sign3A_215 : i32
    %ne3A_217 = arith.cmpi ne, %sign3A_209, %sign3A_216 : i32
    %rem3A_218 = arith.remsi %squeeze3A_200, %jit3A_201 : i32
    %ne3A_219 = arith.constant 0 : i32
    %ne3A_220 = arith.cmpi ne, %rem3A_218, %ne3A_219 : i32
    %and3A_221 = arith.andi %ne3A_217, %ne3A_220 : i1
    %sub3A_222 = arith.constant 1 : i32
    %sub3A_223 = arith.subi %div3A_202, %sub3A_222 : i32
    %select_n3A_224 = arith.select %and3A_221, %sub3A_223, %div3A_202 : i32
    %mul3A_225 = arith.constant 128 : i32
    %mul3A_226 = arith.muli %select_n3A_224, %mul3A_225 : i32
    %multiple_of3A_227 = tpu.assume_multiple %mul3A_226, 128 : i32
    %dma_start3A_228 = arith.constant 0 : i32
    %dma_start3A_229 = arith.constant 384 : i32
    %dma_start3A_230 = tpu.memref_slice %arg6[%dma_start3A_228, %dma_start3A_229] : memref<32x512xf32, #tpu.memory_space<vmem>> -> memref<8x128xf32, #tpu.memory_space<vmem>>
    %dma_start3A_231 = arith.constant 0 : i32
    %dma_start3A_232 = tpu.memref_slice %arg3[%dma_start3A_231, %multiple_of3A_227] : memref<32x1000000xf32, #tpu.memory_space<hbm>> -> memref<8x128xf32, #tpu.memory_space<hbm>>
    %dma_start3A_233 = arith.constant 0 : i32
    %dma_start3A_234 = arith.constant 384 : i32
    %dma_start3A_235 = tpu.memref_slice %arg6[%dma_start3A_233, %dma_start3A_234] : memref<32x512xf32, #tpu.memory_space<vmem>> -> memref<8x128xf32, #tpu.memory_space<vmem>>
    %dma_start3A_236 = arith.constant 0 : i32
    %dma_start3A_237 = tpu.memref_slice %arg3[%dma_start3A_236, %multiple_of3A_227] : memref<32x1000000xf32, #tpu.memory_space<hbm>> -> memref<8x128xf32, #tpu.memory_space<hbm>>
    tpu.enqueue_dma source(%dma_start3A_237 : memref<8x128xf32, #tpu.memory_space<hbm>>) target(%dma_start3A_235 : memref<8x128xf32, #tpu.memory_space<vmem>>) target_semaphore(%arg9 : memref<!tpu.dma_semaphore, #tpu.memory_space<semaphore_mem>>)
    %dma_start3A_238 = arith.constant 8 : i32
    %dma_start3A_239 = arith.constant 384 : i32
    %dma_start3A_240 = tpu.memref_slice %arg6[%dma_start3A_238, %dma_start3A_239] : memref<32x512xf32, #tpu.memory_space<vmem>> -> memref<8x128xf32, #tpu.memory_space<vmem>>
    %dma_start3A_241 = arith.constant 8 : i32
    %dma_start3A_242 = tpu.memref_slice %arg3[%dma_start3A_241, %multiple_of3A_227] : memref<32x1000000xf32, #tpu.memory_space<hbm>> -> memref<8x128xf32, #tpu.memory_space<hbm>>
    %dma_start3A_243 = arith.constant 8 : i32
    %dma_start3A_244 = arith.constant 384 : i32
    %dma_start3A_245 = tpu.memref_slice %arg6[%dma_start3A_243, %dma_start3A_244] : memref<32x512xf32, #tpu.memory_space<vmem>> -> memref<8x128xf32, #tpu.memory_space<vmem>>
    %dma_start3A_246 = arith.constant 8 : i32
    %dma_start3A_247 = tpu.memref_slice %arg3[%dma_start3A_246, %multiple_of3A_227] : memref<32x1000000xf32, #tpu.memory_space<hbm>> -> memref<8x128xf32, #tpu.memory_space<hbm>>
    tpu.enqueue_dma source(%dma_start3A_247 : memref<8x128xf32, #tpu.memory_space<hbm>>) target(%dma_start3A_245 : memref<8x128xf32, #tpu.memory_space<vmem>>) target_semaphore(%arg9 : memref<!tpu.dma_semaphore, #tpu.memory_space<semaphore_mem>>)
    %dma_start3A_248 = arith.constant 16 : i32
    %dma_start3A_249 = arith.constant 384 : i32
    %dma_start3A_250 = tpu.memref_slice %arg6[%dma_start3A_248, %dma_start3A_249] : memref<32x512xf32, #tpu.memory_space<vmem>> -> memref<8x128xf32, #tpu.memory_space<vmem>>
    %dma_start3A_251 = arith.constant 16 : i32
    %dma_start3A_252 = tpu.memref_slice %arg3[%dma_start3A_251, %multiple_of3A_227] : memref<32x1000000xf32, #tpu.memory_space<hbm>> -> memref<8x128xf32, #tpu.memory_space<hbm>>
    %dma_start3A_253 = arith.constant 16 : i32
    %dma_start3A_254 = arith.constant 384 : i32
    %dma_start3A_255 = tpu.memref_slice %arg6[%dma_start3A_253, %dma_start3A_254] : memref<32x512xf32, #tpu.memory_space<vmem>> -> memref<8x128xf32, #tpu.memory_space<vmem>>
    %dma_start3A_256 = arith.constant 16 : i32
    %dma_start3A_257 = tpu.memref_slice %arg3[%dma_start3A_256, %multiple_of3A_227] : memref<32x1000000xf32, #tpu.memory_space<hbm>> -> memref<8x128xf32, #tpu.memory_space<hbm>>
    tpu.enqueue_dma source(%dma_start3A_257 : memref<8x128xf32, #tpu.memory_space<hbm>>) target(%dma_start3A_255 : memref<8x128xf32, #tpu.memory_space<vmem>>) target_semaphore(%arg9 : memref<!tpu.dma_semaphore, #tpu.memory_space<semaphore_mem>>)
    %dma_start3A_258 = arith.constant 24 : i32
    %dma_start3A_259 = arith.constant 384 : i32
    %dma_start3A_260 = tpu.memref_slice %arg6[%dma_start3A_258, %dma_start3A_259] : memref<32x512xf32, #tpu.memory_space<vmem>> -> memref<8x128xf32, #tpu.memory_space<vmem>>
    %dma_start3A_261 = arith.constant 24 : i32
    %dma_start3A_262 = tpu.memref_slice %arg3[%dma_start3A_261, %multiple_of3A_227] : memref<32x1000000xf32, #tpu.memory_space<hbm>> -> memref<8x128xf32, #tpu.memory_space<hbm>>
    %dma_start3A_263 = arith.constant 24 : i32
    %dma_start3A_264 = arith.constant 384 : i32
    %dma_start3A_265 = tpu.memref_slice %arg6[%dma_start3A_263, %dma_start3A_264] : memref<32x512xf32, #tpu.memory_space<vmem>> -> memref<8x128xf32, #tpu.memory_space<vmem>>
    %dma_start3A_266 = arith.constant 24 : i32
    %dma_start3A_267 = tpu.memref_slice %arg3[%dma_start3A_266, %multiple_of3A_227] : memref<32x1000000xf32, #tpu.memory_space<hbm>> -> memref<8x128xf32, #tpu.memory_space<hbm>>
    tpu.enqueue_dma source(%dma_start3A_267 : memref<8x128xf32, #tpu.memory_space<hbm>>) target(%dma_start3A_265 : memref<8x128xf32, #tpu.memory_space<vmem>>) target_semaphore(%arg9 : memref<!tpu.dma_semaphore, #tpu.memory_space<semaphore_mem>>)
    %scan3A = arith.constant 0 : i32
    %scan3A_268 = arith.constant 0 : i32
    %scan3A_269 = arith.constant 64 : i32
    %scan3A_270 = arith.addi %scan3A_268, %scan3A_269 : i32
    %scan3A_271 = arith.constant 1 : i32
    scf.for %scan3A_276 = %scan3A_268 to %scan3A_270 step %scan3A_271  : i32 {
      %mul3A_277 = arith.constant 2 : i32
      %mul3A_278 = arith.muli %scan3A_276, %mul3A_277 : i32
      %mul3A_279 = arith.constant 4 : i32
      %mul3A_280 = arith.muli %mul3A_278, %mul3A_279 : i32
      %get3A_281 = arith.index_cast %mul3A_280 : i32 to index
      %get3A_282 = tpu.vector_load %arg5[%get3A_281] {strides = array<i32>} : memref<528xi32, #tpu.memory_space<vmem>>, vector<16xi32>,
      %slice3A_283 = vector.extract_strided_slice %get3A_282 {offsets = [4], sizes = [1], strides = [1]} : vector<16xi32> to vector<1xi32>
      %squeeze3A_284 = vector.extract %slice3A_283[0] : i32 from vector<1xi32>
      %jit3A_285 = arith.constant 128 : i32
      %div3A_286 = arith.divsi %squeeze3A_284, %jit3A_285 : i32
      %sign3A_287 = arith.constant 0 : i32
      %sign3A_288 = arith.cmpi sgt, %squeeze3A_284, %sign3A_287 : i32
      %sign3A_289 = arith.extui %sign3A_288 : i1 to i32
      %sign3A_290 = arith.constant 0 : i32
      %sign3A_291 = arith.cmpi slt, %squeeze3A_284, %sign3A_290 : i32
      %sign3A_292 = arith.extui %sign3A_291 : i1 to i32
      %sign3A_293 = arith.subi %sign3A_289, %sign3A_292 : i32
      %sign3A_294 = arith.constant 0 : i32
      %sign3A_295 = arith.cmpi sgt, %jit3A_285, %sign3A_294 : i32
      %sign3A_296 = arith.extui %sign3A_295 : i1 to i32
      %sign3A_297 = arith.constant 0 : i32
      %sign3A_298 = arith.cmpi slt, %jit3A_285, %sign3A_297 : i32
      %sign3A_299 = arith.extui %sign3A_298 : i1 to i32
      %sign3A_300 = arith.subi %sign3A_296, %sign3A_299 : i32
      %ne3A_301 = arith.cmpi ne, %sign3A_293, %sign3A_300 : i32
      %rem3A_302 = arith.remsi %squeeze3A_284, %jit3A_285 : i32
      %ne3A_303 = arith.constant 0 : i32
      %ne3A_304 = arith.cmpi ne, %rem3A_302, %ne3A_303 : i32
      %and3A_305 = arith.andi %ne3A_301, %ne3A_304 : i1
      %sub3A_306 = arith.constant 1 : i32
      %sub3A_307 = arith.subi %div3A_286, %sub3A_306 : i32
      %select_n3A_308 = arith.select %and3A_305, %sub3A_307, %div3A_286 : i32
      %mul3A_309 = arith.constant 128 : i32
      %mul3A_310 = arith.muli %select_n3A_308, %mul3A_309 : i32
      %multiple_of3A_311 = tpu.assume_multiple %mul3A_310, 128 : i32
      %dma_start3A_312 = arith.constant 0 : i32
      %dma_start3A_313 = arith.constant 0 : i32
      %dma_start3A_314 = tpu.memref_slice %arg7[%dma_start3A_312, %dma_start3A_313] : memref<32x512xf32, #tpu.memory_space<vmem>> -> memref<8x128xf32, #tpu.memory_space<vmem>>
      %dma_start3A_315 = arith.constant 0 : i32
      %dma_start3A_316 = tpu.memref_slice %arg3[%dma_start3A_315, %multiple_of3A_311] : memref<32x1000000xf32, #tpu.memory_space<hbm>> -> memref<8x128xf32, #tpu.memory_space<hbm>>
      %dma_start3A_317 = arith.constant 0 : i32
      %dma_start3A_318 = arith.constant 0 : i32
      %dma_start3A_319 = tpu.memref_slice %arg7[%dma_start3A_317, %dma_start3A_318] : memref<32x512xf32, #tpu.memory_space<vmem>> -> memref<8x128xf32, #tpu.memory_space<vmem>>
      %dma_start3A_320 = arith.constant 0 : i32
      %dma_start3A_321 = tpu.memref_slice %arg3[%dma_start3A_320, %multiple_of3A_311] : memref<32x1000000xf32, #tpu.memory_space<hbm>> -> memref<8x128xf32, #tpu.memory_space<hbm>>
      tpu.enqueue_dma source(%dma_start3A_321 : memref<8x128xf32, #tpu.memory_space<hbm>>) target(%dma_start3A_319 : memref<8x128xf32, #tpu.memory_space<vmem>>) target_semaphore(%arg9 : memref<!tpu.dma_semaphore, #tpu.memory_space<semaphore_mem>>)
      %dma_start3A_322 = arith.constant 8 : i32
      %dma_start3A_323 = arith.constant 0 : i32
      %dma_start3A_324 = tpu.memref_slice %arg7[%dma_start3A_322, %dma_start3A_323] : memref<32x512xf32, #tpu.memory_space<vmem>> -> memref<8x128xf32, #tpu.memory_space<vmem>>
      %dma_start3A_325 = arith.constant 8 : i32
      %dma_start3A_326 = tpu.memref_slice %arg3[%dma_start3A_325, %multiple_of3A_311] : memref<32x1000000xf32, #tpu.memory_space<hbm>> -> memref<8x128xf32, #tpu.memory_space<hbm>>
      %dma_start3A_327 = arith.constant 8 : i32
      %dma_start3A_328 = arith.constant 0 : i32
      %dma_start3A_329 = tpu.memref_slice %arg7[%dma_start3A_327, %dma_start3A_328] : memref<32x512xf32, #tpu.memory_space<vmem>> -> memref<8x128xf32, #tpu.memory_space<vmem>>
      %dma_start3A_330 = arith.constant 8 : i32
      %dma_start3A_331 = tpu.memref_slice %arg3[%dma_start3A_330, %multiple_of3A_311] : memref<32x1000000xf32, #tpu.memory_space<hbm>> -> memref<8x128xf32, #tpu.memory_space<hbm>>
      tpu.enqueue_dma source(%dma_start3A_331 : memref<8x128xf32, #tpu.memory_space<hbm>>) target(%dma_start3A_329 : memref<8x128xf32, #tpu.memory_space<vmem>>) target_semaphore(%arg9 : memref<!tpu.dma_semaphore, #tpu.memory_space<semaphore_mem>>)
      %dma_start3A_332 = arith.constant 16 : i32
      %dma_start3A_333 = arith.constant 0 : i32
      %dma_start3A_334 = tpu.memref_slice %arg7[%dma_start3A_332, %dma_start3A_333] : memref<32x512xf32, #tpu.memory_space<vmem>> -> memref<8x128xf32, #tpu.memory_space<vmem>>
      %dma_start3A_335 = arith.constant 16 : i32
      %dma_start3A_336 = tpu.memref_slice %arg3[%dma_start3A_335, %multiple_of3A_311] : memref<32x1000000xf32, #tpu.memory_space<hbm>> -> memref<8x128xf32, #tpu.memory_space<hbm>>
      %dma_start3A_337 = arith.constant 16 : i32
      %dma_start3A_338 = arith.constant 0 : i32
      %dma_start3A_339 = tpu.memref_slice %arg7[%dma_start3A_337, %dma_start3A_338] : memref<32x512xf32, #tpu.memory_space<vmem>> -> memref<8x128xf32, #tpu.memory_space<vmem>>
      %dma_start3A_340 = arith.constant 16 : i32
      %dma_start3A_341 = tpu.memref_slice %arg3[%dma_start3A_340, %multiple_of3A_311] : memref<32x1000000xf32, #tpu.memory_space<hbm>> -> memref<8x128xf32, #tpu.memory_space<hbm>>
      tpu.enqueue_dma source(%dma_start3A_341 : memref<8x128xf32, #tpu.memory_space<hbm>>) target(%dma_start3A_339 : memref<8x128xf32, #tpu.memory_space<vmem>>) target_semaphore(%arg9 : memref<!tpu.dma_semaphore, #tpu.memory_space<semaphore_mem>>)
      %dma_start3A_342 = arith.constant 24 : i32
      %dma_start3A_343 = arith.constant 0 : i32
      %dma_start3A_344 = tpu.memref_slice %arg7[%dma_start3A_342, %dma_start3A_343] : memref<32x512xf32, #tpu.memory_space<vmem>> -> memref<8x128xf32, #tpu.memory_space<vmem>>
      %dma_start3A_345 = arith.constant 24 : i32
      %dma_start3A_346 = tpu.memref_slice %arg3[%dma_start3A_345, %multiple_of3A_311] : memref<32x1000000xf32, #tpu.memory_space<hbm>> -> memref<8x128xf32, #tpu.memory_space<hbm>>
      %dma_start3A_347 = arith.constant 24 : i32
      %dma_start3A_348 = arith.constant 0 : i32
      %dma_start3A_349 = tpu.memref_slice %arg7[%dma_start3A_347, %dma_start3A_348] : memref<32x512xf32, #tpu.memory_space<vmem>> -> memref<8x128xf32, #tpu.memory_space<vmem>>
      %dma_start3A_350 = arith.constant 24 : i32
      %dma_start3A_351 = tpu.memref_slice %arg3[%dma_start3A_350, %multiple_of3A_311] : memref<32x1000000xf32, #tpu.memory_space<hbm>> -> memref<8x128xf32, #tpu.memory_space<hbm>>
      tpu.enqueue_dma source(%dma_start3A_351 : memref<8x128xf32, #tpu.memory_space<hbm>>) target(%dma_start3A_349 : memref<8x128xf32, #tpu.memory_space<vmem>>) target_semaphore(%arg9 : memref<!tpu.dma_semaphore, #tpu.memory_space<semaphore_mem>>)
      %slice3A_352 = vector.extract_strided_slice %get3A_282 {offsets = [5], sizes = [1], strides = [1]} : vector<16xi32> to vector<1xi32>
      %squeeze3A_353 = vector.extract %slice3A_352[0] : i32 from vector<1xi32>
      %jit3A_354 = arith.constant 128 : i32
      %div3A_355 = arith.divsi %squeeze3A_353, %jit3A_354 : i32
      %sign3A_356 = arith.constant 0 : i32
      %sign3A_357 = arith.cmpi sgt, %squeeze3A_353, %sign3A_356 : i32
      %sign3A_358 = arith.extui %sign3A_357 : i1 to i32
      %sign3A_359 = arith.constant 0 : i32
      %sign3A_360 = arith.cmpi slt, %squeeze3A_353, %sign3A_359 : i32
      %sign3A_361 = arith.extui %sign3A_360 : i1 to i32
      %sign3A_362 = arith.subi %sign3A_358, %sign3A_361 : i32
      %sign3A_363 = arith.constant 0 : i32
      %sign3A_364 = arith.cmpi sgt, %jit3A_354, %sign3A_363 : i32
      %sign3A_365 = arith.extui %sign3A_364 : i1 to i32
      %sign3A_366 = arith.constant 0 : i32
      %sign3A_367 = arith.cmpi slt, %jit3A_354, %sign3A_366 : i32
      %sign3A_368 = arith.extui %sign3A_367 : i1 to i32
      %sign3A_369 = arith.subi %sign3A_365, %sign3A_368 : i32
      %ne3A_370 = arith.cmpi ne, %sign3A_362, %sign3A_369 : i32
      %rem3A_371 = arith.remsi %squeeze3A_353, %jit3A_354 : i32
      %ne3A_372 = arith.constant 0 : i32
      %ne3A_373 = arith.cmpi ne, %rem3A_371, %ne3A_372 : i32
      %and3A_374 = arith.andi %ne3A_370, %ne3A_373 : i1
      %sub3A_375 = arith.constant 1 : i32
      %sub3A_376 = arith.subi %div3A_355, %sub3A_375 : i32
      %select_n3A_377 = arith.select %and3A_374, %sub3A_376, %div3A_355 : i32
      %mul3A_378 = arith.constant 128 : i32
      %mul3A_379 = arith.muli %select_n3A_377, %mul3A_378 : i32
      %multiple_of3A_380 = tpu.assume_multiple %mul3A_379, 128 : i32
      %dma_start3A_381 = arith.constant 0 : i32
      %dma_start3A_382 = arith.constant 128 : i32
      %dma_start3A_383 = tpu.memref_slice %arg7[%dma_start3A_381, %dma_start3A_382] : memref<32x512xf32, #tpu.memory_space<vmem>> -> memref<8x128xf32, #tpu.memory_space<vmem>>
      %dma_start3A_384 = arith.constant 0 : i32
      %dma_start3A_385 = tpu.memref_slice %arg3[%dma_start3A_384, %multiple_of3A_380] : memref<32x1000000xf32, #tpu.memory_space<hbm>> -> memref<8x128xf32, #tpu.memory_space<hbm>>
      %dma_start3A_386 = arith.constant 0 : i32
      %dma_start3A_387 = arith.constant 128 : i32
      %dma_start3A_388 = tpu.memref_slice %arg7[%dma_start3A_386, %dma_start3A_387] : memref<32x512xf32, #tpu.memory_space<vmem>> -> memref<8x128xf32, #tpu.memory_space<vmem>>
      %dma_start3A_389 = arith.constant 0 : i32
      %dma_start3A_390 = tpu.memref_slice %arg3[%dma_start3A_389, %multiple_of3A_380] : memref<32x1000000xf32, #tpu.memory_space<hbm>> -> memref<8x128xf32, #tpu.memory_space<hbm>>
      tpu.enqueue_dma source(%dma_start3A_390 : memref<8x128xf32, #tpu.memory_space<hbm>>) target(%dma_start3A_388 : memref<8x128xf32, #tpu.memory_space<vmem>>) target_semaphore(%arg9 : memref<!tpu.dma_semaphore, #tpu.memory_space<semaphore_mem>>)
      %dma_start3A_391 = arith.constant 8 : i32
      %dma_start3A_392 = arith.constant 128 : i32
      %dma_start3A_393 = tpu.memref_slice %arg7[%dma_start3A_391, %dma_start3A_392] : memref<32x512xf32, #tpu.memory_space<vmem>> -> memref<8x128xf32, #tpu.memory_space<vmem>>
      %dma_start3A_394 = arith.constant 8 : i32
      %dma_start3A_395 = tpu.memref_slice %arg3[%dma_start3A_394, %multiple_of3A_380] : memref<32x1000000xf32, #tpu.memory_space<hbm>> -> memref<8x128xf32, #tpu.memory_space<hbm>>
      %dma_start3A_396 = arith.constant 8 : i32
      %dma_start3A_397 = arith.constant 128 : i32
      %dma_start3A_398 = tpu.memref_slice %arg7[%dma_start3A_396, %dma_start3A_397] : memref<32x512xf32, #tpu.memory_space<vmem>> -> memref<8x128xf32, #tpu.memory_space<vmem>>
      %dma_start3A_399 = arith.constant 8 : i32
      %dma_start3A_400 = tpu.memref_slice %arg3[%dma_start3A_399, %multiple_of3A_380] : memref<32x1000000xf32, #tpu.memory_space<hbm>> -> memref<8x128xf32, #tpu.memory_space<hbm>>
      tpu.enqueue_dma source(%dma_start3A_400 : memref<8x128xf32, #tpu.memory_space<hbm>>) target(%dma_start3A_398 : memref<8x128xf32, #tpu.memory_space<vmem>>) target_semaphore(%arg9 : memref<!tpu.dma_semaphore, #tpu.memory_space<semaphore_mem>>)
      %dma_start3A_401 = arith.constant 16 : i32
      %dma_start3A_402 = arith.constant 128 : i32
      %dma_start3A_403 = tpu.memref_slice %arg7[%dma_start3A_401, %dma_start3A_402] : memref<32x512xf32, #tpu.memory_space<vmem>> -> memref<8x128xf32, #tpu.memory_space<vmem>>
      %dma_start3A_404 = arith.constant 16 : i32
      %dma_start3A_405 = tpu.memref_slice %arg3[%dma_start3A_404, %multiple_of3A_380] : memref<32x1000000xf32, #tpu.memory_space<hbm>> -> memref<8x128xf32, #tpu.memory_space<hbm>>
      %dma_start3A_406 = arith.constant 16 : i32
      %dma_start3A_407 = arith.constant 128 : i32
      %dma_start3A_408 = tpu.memref_slice %arg7[%dma_start3A_406, %dma_start3A_407] : memref<32x512xf32, #tpu.memory_space<vmem>> -> memref<8x128xf32, #tpu.memory_space<vmem>>
      %dma_start3A_409 = arith.constant 16 : i32
      %dma_start3A_410 = tpu.memref_slice %arg3[%dma_start3A_409, %multiple_of3A_380] : memref<32x1000000xf32, #tpu.memory_space<hbm>> -> memref<8x128xf32, #tpu.memory_space<hbm>>
      tpu.enqueue_dma source(%dma_start3A_410 : memref<8x128xf32, #tpu.memory_space<hbm>>) target(%dma_start3A_408 : memref<8x128xf32, #tpu.memory_space<vmem>>) target_semaphore(%arg9 : memref<!tpu.dma_semaphore, #tpu.memory_space<semaphore_mem>>)
      %dma_start3A_411 = arith.constant 24 : i32
      %dma_start3A_412 = arith.constant 128 : i32
      %dma_start3A_413 = tpu.memref_slice %arg7[%dma_start3A_411, %dma_start3A_412] : memref<32x512xf32, #tpu.memory_space<vmem>> -> memref<8x128xf32, #tpu.memory_space<vmem>>
      %dma_start3A_414 = arith.constant 24 : i32
      %dma_start3A_415 = tpu.memref_slice %arg3[%dma_start3A_414, %multiple_of3A_380] : memref<32x1000000xf32, #tpu.memory_space<hbm>> -> memref<8x128xf32, #tpu.memory_space<hbm>>
      %dma_start3A_416 = arith.constant 24 : i32
      %dma_start3A_417 = arith.constant 128 : i32
      %dma_start3A_418 = tpu.memref_slice %arg7[%dma_start3A_416, %dma_start3A_417] : memref<32x512xf32, #tpu.memory_space<vmem>> -> memref<8x128xf32, #tpu.memory_space<vmem>>
      %dma_start3A_419 = arith.constant 24 : i32
      %dma_start3A_420 = tpu.memref_slice %arg3[%dma_start3A_419, %multiple_of3A_380] : memref<32x1000000xf32, #tpu.memory_space<hbm>> -> memref<8x128xf32, #tpu.memory_space<hbm>>
      tpu.enqueue_dma source(%dma_start3A_420 : memref<8x128xf32, #tpu.memory_space<hbm>>) target(%dma_start3A_418 : memref<8x128xf32, #tpu.memory_space<vmem>>) target_semaphore(%arg9 : memref<!tpu.dma_semaphore, #tpu.memory_space<semaphore_mem>>)
      %slice3A_421 = vector.extract_strided_slice %get3A_282 {offsets = [6], sizes = [1], strides = [1]} : vector<16xi32> to vector<1xi32>
      %squeeze3A_422 = vector.extract %slice3A_421[0] : i32 from vector<1xi32>
      %jit3A_423 = arith.constant 128 : i32
      %div3A_424 = arith.divsi %squeeze3A_422, %jit3A_423 : i32
      %sign3A_425 = arith.constant 0 : i32
      %sign3A_426 = arith.cmpi sgt, %squeeze3A_422, %sign3A_425 : i32
      %sign3A_427 = arith.extui %sign3A_426 : i1 to i32
      %sign3A_428 = arith.constant 0 : i32
      %sign3A_429 = arith.cmpi slt, %squeeze3A_422, %sign3A_428 : i32
      %sign3A_430 = arith.extui %sign3A_429 : i1 to i32
      %sign3A_431 = arith.subi %sign3A_427, %sign3A_430 : i32
      %sign3A_432 = arith.constant 0 : i32
      %sign3A_433 = arith.cmpi sgt, %jit3A_423, %sign3A_432 : i32
      %sign3A_434 = arith.extui %sign3A_433 : i1 to i32
      %sign3A_435 = arith.constant 0 : i32
      %sign3A_436 = arith.cmpi slt, %jit3A_423, %sign3A_435 : i32
      %sign3A_437 = arith.extui %sign3A_436 : i1 to i32
      %sign3A_438 = arith.subi %sign3A_434, %sign3A_437 : i32
      %ne3A_439 = arith.cmpi ne, %sign3A_431, %sign3A_438 : i32
      %rem3A_440 = arith.remsi %squeeze3A_422, %jit3A_423 : i32
      %ne3A_441 = arith.constant 0 : i32
      %ne3A_442 = arith.cmpi ne, %rem3A_440, %ne3A_441 : i32
      %and3A_443 = arith.andi %ne3A_439, %ne3A_442 : i1
      %sub3A_444 = arith.constant 1 : i32
      %sub3A_445 = arith.subi %div3A_424, %sub3A_444 : i32
      %select_n3A_446 = arith.select %and3A_443, %sub3A_445, %div3A_424 : i32
      %mul3A_447 = arith.constant 128 : i32
      %mul3A_448 = arith.muli %select_n3A_446, %mul3A_447 : i32
      %multiple_of3A_449 = tpu.assume_multiple %mul3A_448, 128 : i32
      %dma_start3A_450 = arith.constant 0 : i32
      %dma_start3A_451 = arith.constant 256 : i32
      %dma_start3A_452 = tpu.memref_slice %arg7[%dma_start3A_450, %dma_start3A_451] : memref<32x512xf32, #tpu.memory_space<vmem>> -> memref<8x128xf32, #tpu.memory_space<vmem>>
      %dma_start3A_453 = arith.constant 0 : i32
      %dma_start3A_454 = tpu.memref_slice %arg3[%dma_start3A_453, %multiple_of3A_449] : memref<32x1000000xf32, #tpu.memory_space<hbm>> -> memref<8x128xf32, #tpu.memory_space<hbm>>
      %dma_start3A_455 = arith.constant 0 : i32
      %dma_start3A_456 = arith.constant 256 : i32
      %dma_start3A_457 = tpu.memref_slice %arg7[%dma_start3A_455, %dma_start3A_456] : memref<32x512xf32, #tpu.memory_space<vmem>> -> memref<8x128xf32, #tpu.memory_space<vmem>>
      %dma_start3A_458 = arith.constant 0 : i32
      %dma_start3A_459 = tpu.memref_slice %arg3[%dma_start3A_458, %multiple_of3A_449] : memref<32x1000000xf32, #tpu.memory_space<hbm>> -> memref<8x128xf32, #tpu.memory_space<hbm>>
      tpu.enqueue_dma source(%dma_start3A_459 : memref<8x128xf32, #tpu.memory_space<hbm>>) target(%dma_start3A_457 : memref<8x128xf32, #tpu.memory_space<vmem>>) target_semaphore(%arg9 : memref<!tpu.dma_semaphore, #tpu.memory_space<semaphore_mem>>)
      %dma_start3A_460 = arith.constant 8 : i32
      %dma_start3A_461 = arith.constant 256 : i32
      %dma_start3A_462 = tpu.memref_slice %arg7[%dma_start3A_460, %dma_start3A_461] : memref<32x512xf32, #tpu.memory_space<vmem>> -> memref<8x128xf32, #tpu.memory_space<vmem>>
      %dma_start3A_463 = arith.constant 8 : i32
      %dma_start3A_464 = tpu.memref_slice %arg3[%dma_start3A_463, %multiple_of3A_449] : memref<32x1000000xf32, #tpu.memory_space<hbm>> -> memref<8x128xf32, #tpu.memory_space<hbm>>
      %dma_start3A_465 = arith.constant 8 : i32
      %dma_start3A_466 = arith.constant 256 : i32
      %dma_start3A_467 = tpu.memref_slice %arg7[%dma_start3A_465, %dma_start3A_466] : memref<32x512xf32, #tpu.memory_space<vmem>> -> memref<8x128xf32, #tpu.memory_space<vmem>>
      %dma_start3A_468 = arith.constant 8 : i32
      %dma_start3A_469 = tpu.memref_slice %arg3[%dma_start3A_468, %multiple_of3A_449] : memref<32x1000000xf32, #tpu.memory_space<hbm>> -> memref<8x128xf32, #tpu.memory_space<hbm>>
      tpu.enqueue_dma source(%dma_start3A_469 : memref<8x128xf32, #tpu.memory_space<hbm>>) target(%dma_start3A_467 : memref<8x128xf32, #tpu.memory_space<vmem>>) target_semaphore(%arg9 : memref<!tpu.dma_semaphore, #tpu.memory_space<semaphore_mem>>)
      %dma_start3A_470 = arith.constant 16 : i32
      %dma_start3A_471 = arith.constant 256 : i32
      %dma_start3A_472 = tpu.memref_slice %arg7[%dma_start3A_470, %dma_start3A_471] : memref<32x512xf32, #tpu.memory_space<vmem>> -> memref<8x128xf32, #tpu.memory_space<vmem>>
      %dma_start3A_473 = arith.constant 16 : i32
      %dma_start3A_474 = tpu.memref_slice %arg3[%dma_start3A_473, %multiple_of3A_449] : memref<32x1000000xf32, #tpu.memory_space<hbm>> -> memref<8x128xf32, #tpu.memory_space<hbm>>
      %dma_start3A_475 = arith.constant 16 : i32
      %dma_start3A_476 = arith.constant 256 : i32
      %dma_start3A_477 = tpu.memref_slice %arg7[%dma_start3A_475, %dma_start3A_476] : memref<32x512xf32, #tpu.memory_space<vmem>> -> memref<8x128xf32, #tpu.memory_space<vmem>>
      %dma_start3A_478 = arith.constant 16 : i32
      %dma_start3A_479 = tpu.memref_slice %arg3[%dma_start3A_478, %multiple_of3A_449] : memref<32x1000000xf32, #tpu.memory_space<hbm>> -> memref<8x128xf32, #tpu.memory_space<hbm>>
      tpu.enqueue_dma source(%dma_start3A_479 : memref<8x128xf32, #tpu.memory_space<hbm>>) target(%dma_start3A_477 : memref<8x128xf32, #tpu.memory_space<vmem>>) target_semaphore(%arg9 : memref<!tpu.dma_semaphore, #tpu.memory_space<semaphore_mem>>)
      %dma_start3A_480 = arith.constant 24 : i32
      %dma_start3A_481 = arith.constant 256 : i32
      %dma_start3A_482 = tpu.memref_slice %arg7[%dma_start3A_480, %dma_start3A_481] : memref<32x512xf32, #tpu.memory_space<vmem>> -> memref<8x128xf32, #tpu.memory_space<vmem>>
      %dma_start3A_483 = arith.constant 24 : i32
      %dma_start3A_484 = tpu.memref_slice %arg3[%dma_start3A_483, %multiple_of3A_449] : memref<32x1000000xf32, #tpu.memory_space<hbm>> -> memref<8x128xf32, #tpu.memory_space<hbm>>
      %dma_start3A_485 = arith.constant 24 : i32
      %dma_start3A_486 = arith.constant 256 : i32
      %dma_start3A_487 = tpu.memref_slice %arg7[%dma_start3A_485, %dma_start3A_486] : memref<32x512xf32, #tpu.memory_space<vmem>> -> memref<8x128xf32, #tpu.memory_space<vmem>>
      %dma_start3A_488 = arith.constant 24 : i32
      %dma_start3A_489 = tpu.memref_slice %arg3[%dma_start3A_488, %multiple_of3A_449] : memref<32x1000000xf32, #tpu.memory_space<hbm>> -> memref<8x128xf32, #tpu.memory_space<hbm>>
      tpu.enqueue_dma source(%dma_start3A_489 : memref<8x128xf32, #tpu.memory_space<hbm>>) target(%dma_start3A_487 : memref<8x128xf32, #tpu.memory_space<vmem>>) target_semaphore(%arg9 : memref<!tpu.dma_semaphore, #tpu.memory_space<semaphore_mem>>)
      %slice3A_490 = vector.extract_strided_slice %get3A_282 {offsets = [7], sizes = [1], strides = [1]} : vector<16xi32> to vector<1xi32>
      %squeeze3A_491 = vector.extract %slice3A_490[0] : i32 from vector<1xi32>
      %jit3A_492 = arith.constant 128 : i32
      %div3A_493 = arith.divsi %squeeze3A_491, %jit3A_492 : i32
      %sign3A_494 = arith.constant 0 : i32
      %sign3A_495 = arith.cmpi sgt, %squeeze3A_491, %sign3A_494 : i32
      %sign3A_496 = arith.extui %sign3A_495 : i1 to i32
      %sign3A_497 = arith.constant 0 : i32
      %sign3A_498 = arith.cmpi slt, %squeeze3A_491, %sign3A_497 : i32
      %sign3A_499 = arith.extui %sign3A_498 : i1 to i32
      %sign3A_500 = arith.subi %sign3A_496, %sign3A_499 : i32
      %sign3A_501 = arith.constant 0 : i32
      %sign3A_502 = arith.cmpi sgt, %jit3A_492, %sign3A_501 : i32
      %sign3A_503 = arith.extui %sign3A_502 : i1 to i32
      %sign3A_504 = arith.constant 0 : i32
      %sign3A_505 = arith.cmpi slt, %jit3A_492, %sign3A_504 : i32
      %sign3A_506 = arith.extui %sign3A_505 : i1 to i32
      %sign3A_507 = arith.subi %sign3A_503, %sign3A_506 : i32
      %ne3A_508 = arith.cmpi ne, %sign3A_500, %sign3A_507 : i32
      %rem3A_509 = arith.remsi %squeeze3A_491, %jit3A_492 : i32
      %ne3A_510 = arith.constant 0 : i32
      %ne3A_511 = arith.cmpi ne, %rem3A_509, %ne3A_510 : i32
      %and3A_512 = arith.andi %ne3A_508, %ne3A_511 : i1
      %sub3A_513 = arith.constant 1 : i32
      %sub3A_514 = arith.subi %div3A_493, %sub3A_513 : i32
      %select_n3A_515 = arith.select %and3A_512, %sub3A_514, %div3A_493 : i32
      %mul3A_516 = arith.constant 128 : i32
      %mul3A_517 = arith.muli %select_n3A_515, %mul3A_516 : i32
      %multiple_of3A_518 = tpu.assume_multiple %mul3A_517, 128 : i32
      %dma_start3A_519 = arith.constant 0 : i32
      %dma_start3A_520 = arith.constant 384 : i32
      %dma_start3A_521 = tpu.memref_slice %arg7[%dma_start3A_519, %dma_start3A_520] : memref<32x512xf32, #tpu.memory_space<vmem>> -> memref<8x128xf32, #tpu.memory_space<vmem>>
      %dma_start3A_522 = arith.constant 0 : i32
      %dma_start3A_523 = tpu.memref_slice %arg3[%dma_start3A_522, %multiple_of3A_518] : memref<32x1000000xf32, #tpu.memory_space<hbm>> -> memref<8x128xf32, #tpu.memory_space<hbm>>
      %dma_start3A_524 = arith.constant 0 : i32
      %dma_start3A_525 = arith.constant 384 : i32
      %dma_start3A_526 = tpu.memref_slice %arg7[%dma_start3A_524, %dma_start3A_525] : memref<32x512xf32, #tpu.memory_space<vmem>> -> memref<8x128xf32, #tpu.memory_space<vmem>>
      %dma_start3A_527 = arith.constant 0 : i32
      %dma_start3A_528 = tpu.memref_slice %arg3[%dma_start3A_527, %multiple_of3A_518] : memref<32x1000000xf32, #tpu.memory_space<hbm>> -> memref<8x128xf32, #tpu.memory_space<hbm>>
      tpu.enqueue_dma source(%dma_start3A_528 : memref<8x128xf32, #tpu.memory_space<hbm>>) target(%dma_start3A_526 : memref<8x128xf32, #tpu.memory_space<vmem>>) target_semaphore(%arg9 : memref<!tpu.dma_semaphore, #tpu.memory_space<semaphore_mem>>)
      %dma_start3A_529 = arith.constant 8 : i32
      %dma_start3A_530 = arith.constant 384 : i32
      %dma_start3A_531 = tpu.memref_slice %arg7[%dma_start3A_529, %dma_start3A_530] : memref<32x512xf32, #tpu.memory_space<vmem>> -> memref<8x128xf32, #tpu.memory_space<vmem>>
      %dma_start3A_532 = arith.constant 8 : i32
      %dma_start3A_533 = tpu.memref_slice %arg3[%dma_start3A_532, %multiple_of3A_518] : memref<32x1000000xf32, #tpu.memory_space<hbm>> -> memref<8x128xf32, #tpu.memory_space<hbm>>
      %dma_start3A_534 = arith.constant 8 : i32
      %dma_start3A_535 = arith.constant 384 : i32
      %dma_start3A_536 = tpu.memref_slice %arg7[%dma_start3A_534, %dma_start3A_535] : memref<32x512xf32, #tpu.memory_space<vmem>> -> memref<8x128xf32, #tpu.memory_space<vmem>>
      %dma_start3A_537 = arith.constant 8 : i32
      %dma_start3A_538 = tpu.memref_slice %arg3[%dma_start3A_537, %multiple_of3A_518] : memref<32x1000000xf32, #tpu.memory_space<hbm>> -> memref<8x128xf32, #tpu.memory_space<hbm>>
      tpu.enqueue_dma source(%dma_start3A_538 : memref<8x128xf32, #tpu.memory_space<hbm>>) target(%dma_start3A_536 : memref<8x128xf32, #tpu.memory_space<vmem>>) target_semaphore(%arg9 : memref<!tpu.dma_semaphore, #tpu.memory_space<semaphore_mem>>)
      %dma_start3A_539 = arith.constant 16 : i32
      %dma_start3A_540 = arith.constant 384 : i32
      %dma_start3A_541 = tpu.memref_slice %arg7[%dma_start3A_539, %dma_start3A_540] : memref<32x512xf32, #tpu.memory_space<vmem>> -> memref<8x128xf32, #tpu.memory_space<vmem>>
      %dma_start3A_542 = arith.constant 16 : i32
      %dma_start3A_543 = tpu.memref_slice %arg3[%dma_start3A_542, %multiple_of3A_518] : memref<32x1000000xf32, #tpu.memory_space<hbm>> -> memref<8x128xf32, #tpu.memory_space<hbm>>
      %dma_start3A_544 = arith.constant 16 : i32
      %dma_start3A_545 = arith.constant 384 : i32
      %dma_start3A_546 = tpu.memref_slice %arg7[%dma_start3A_544, %dma_start3A_545] : memref<32x512xf32, #tpu.memory_space<vmem>> -> memref<8x128xf32, #tpu.memory_space<vmem>>
      %dma_start3A_547 = arith.constant 16 : i32
      %dma_start3A_548 = tpu.memref_slice %arg3[%dma_start3A_547, %multiple_of3A_518] : memref<32x1000000xf32, #tpu.memory_space<hbm>> -> memref<8x128xf32, #tpu.memory_space<hbm>>
      tpu.enqueue_dma source(%dma_start3A_548 : memref<8x128xf32, #tpu.memory_space<hbm>>) target(%dma_start3A_546 : memref<8x128xf32, #tpu.memory_space<vmem>>) target_semaphore(%arg9 : memref<!tpu.dma_semaphore, #tpu.memory_space<semaphore_mem>>)
      %dma_start3A_549 = arith.constant 24 : i32
      %dma_start3A_550 = arith.constant 384 : i32
      %dma_start3A_551 = tpu.memref_slice %arg7[%dma_start3A_549, %dma_start3A_550] : memref<32x512xf32, #tpu.memory_space<vmem>> -> memref<8x128xf32, #tpu.memory_space<vmem>>
      %dma_start3A_552 = arith.constant 24 : i32
      %dma_start3A_553 = tpu.memref_slice %arg3[%dma_start3A_552, %multiple_of3A_518] : memref<32x1000000xf32, #tpu.memory_space<hbm>> -> memref<8x128xf32, #tpu.memory_space<hbm>>
      %dma_start3A_554 = arith.constant 24 : i32
      %dma_start3A_555 = arith.constant 384 : i32
      %dma_start3A_556 = tpu.memref_slice %arg7[%dma_start3A_554, %dma_start3A_555] : memref<32x512xf32, #tpu.memory_space<vmem>> -> memref<8x128xf32, #tpu.memory_space<vmem>>
      %dma_start3A_557 = arith.constant 24 : i32
      %dma_start3A_558 = tpu.memref_slice %arg3[%dma_start3A_557, %multiple_of3A_518] : memref<32x1000000xf32, #tpu.memory_space<hbm>> -> memref<8x128xf32, #tpu.memory_space<hbm>>
      tpu.enqueue_dma source(%dma_start3A_558 : memref<8x128xf32, #tpu.memory_space<hbm>>) target(%dma_start3A_556 : memref<8x128xf32, #tpu.memory_space<vmem>>) target_semaphore(%arg9 : memref<!tpu.dma_semaphore, #tpu.memory_space<semaphore_mem>>)
      %dma_wait3A_559 = arith.constant 0 : i32
      %dma_wait3A_560 = arith.constant 0 : i32
      %dma_wait3A_561 = tpu.memref_slice %arg3[%dma_wait3A_559, %dma_wait3A_560] : memref<32x1000000xf32, #tpu.memory_space<hbm>> -> memref<32x512xf32, #tpu.memory_space<hbm>>
      %dma_wait3A_562 = arith.constant 0 : i32
      %dma_wait3A_563 = arith.constant 0 : i32
      %dma_wait3A_564 = tpu.memref_slice %arg3[%dma_wait3A_562, %dma_wait3A_563] : memref<32x1000000xf32, #tpu.memory_space<hbm>> -> memref<32x512xf32, #tpu.memory_space<hbm>>
      tpu.wait_dma2 semaphore(%arg9 : memref<!tpu.dma_semaphore, #tpu.memory_space<semaphore_mem>>) src(%dma_wait3A_564 : memref<32x512xf32, #tpu.memory_space<hbm>>) dst(%arg6 : memref<32x512xf32, #tpu.memory_space<vmem>>)
      %mul3A_565 = arith.constant 2 : i32
      %mul3A_566 = arith.muli %scan3A_276, %mul3A_565 : i32
      %mul3A_567 = arith.constant 4 : i32
      %mul3A_568 = arith.muli %mul3A_566, %mul3A_567 : i32
      %get3A_569 = arith.index_cast %mul3A_568 : i32 to index
      %get3A_570 = tpu.vector_load %arg5[%get3A_569] {strides = array<i32>} : memref<528xi32, #tpu.memory_space<vmem>>, vector<16xi32>,
      %slice3A_571 = vector.extract_strided_slice %get3A_570 {offsets = [0], sizes = [1], strides = [1]} : vector<16xi32> to vector<1xi32>
      %squeeze3A_572 = vector.extract %slice3A_571[0] : i32 from vector<1xi32>
      %jit3A_573 = arith.constant 128 : i32
      %div3A_574 = arith.divsi %squeeze3A_572, %jit3A_573 : i32
      %sign3A_575 = arith.constant 0 : i32
      %sign3A_576 = arith.cmpi sgt, %squeeze3A_572, %sign3A_575 : i32
      %sign3A_577 = arith.extui %sign3A_576 : i1 to i32
      %sign3A_578 = arith.constant 0 : i32
      %sign3A_579 = arith.cmpi slt, %squeeze3A_572, %sign3A_578 : i32
      %sign3A_580 = arith.extui %sign3A_579 : i1 to i32
      %sign3A_581 = arith.subi %sign3A_577, %sign3A_580 : i32
      %sign3A_582 = arith.constant 0 : i32
      %sign3A_583 = arith.cmpi sgt, %jit3A_573, %sign3A_582 : i32
      %sign3A_584 = arith.extui %sign3A_583 : i1 to i32
      %sign3A_585 = arith.constant 0 : i32
      %sign3A_586 = arith.cmpi slt, %jit3A_573, %sign3A_585 : i32
      %sign3A_587 = arith.extui %sign3A_586 : i1 to i32
      %sign3A_588 = arith.subi %sign3A_584, %sign3A_587 : i32
      %ne3A_589 = arith.cmpi ne, %sign3A_581, %sign3A_588 : i32
      %rem3A_590 = arith.remsi %squeeze3A_572, %jit3A_573 : i32
      %ne3A_591 = arith.constant 0 : i32
      %ne3A_592 = arith.cmpi ne, %rem3A_590, %ne3A_591 : i32
      %and3A_593 = arith.andi %ne3A_589, %ne3A_592 : i1
      %sub3A_594 = arith.constant 1 : i32
      %sub3A_595 = arith.subi %div3A_574, %sub3A_594 : i32
      %select_n3A_596 = arith.select %and3A_593, %sub3A_595, %div3A_574 : i32
      %mul3A_597 = arith.constant 128 : i32
      %mul3A_598 = arith.muli %select_n3A_596, %mul3A_597 : i32
      %sub3A_599 = arith.subi %squeeze3A_572, %mul3A_598 : i32
      %broadcast_in_dim3A = vector.broadcast %sub3A_599 : i32 to vector<16xi32>
      %mul3A_600 = arith.constant 2 : i32
      %mul3A_601 = arith.muli %mul3A_600, %scan3A_276 : i32
      %add3A_602 = arith.constant 0 : i32
      %add3A_603 = arith.addi %mul3A_601, %add3A_602 : i32
      %mul3A_604 = arith.constant 4 : i32
      %mul3A_605 = arith.muli %add3A_603, %mul3A_604 : i32
      %add3A_606 = arith.constant 0 : i32
      %add3A_607 = arith.addi %mul3A_605, %add3A_606 : i32
      %add3A_608 = arith.constant 0 : i32
      %add3A_609 = vector.broadcast %add3A_608 : i32 to vector<16xi32>
      %add3A_610 = arith.addi %broadcast_in_dim3A, %add3A_609 : vector<16xi32>
      %gather3A = tpu.vector_load_idx %arg6[%iota3A, %add3A_610] : memref<32x512xf32, #tpu.memory_space<vmem>>[vector<16xi32>, vector<16xi32>], vector<16xf32>,
      %mul3A_611 = arith.constant 32 : i32
      %mul3A_612 = arith.muli %add3A_607, %mul3A_611 : i32
      %swap3A = arith.index_cast %mul3A_612 : i32 to index
      %swap3A_613 = tpu.vector_load %arg8[%swap3A] {strides = array<i32>} : memref<16384xf32, #tpu.memory_space<vmem>>, vector<16xf32>,
      tpu.vector_store %arg8[%swap3A], %gather3A {strides = array<i32>} : memref<16384xf32, #tpu.memory_space<vmem>>, vector<16xf32>,
      %add3A_614 = arith.constant 16 : i32
      %add3A_615 = vector.broadcast %add3A_614 : i32 to vector<16xi32>
      %add3A_616 = arith.addi %iota3A, %add3A_615 : vector<16xi32>
      %gather3A_617 = tpu.vector_load_idx %arg6[%add3A_616, %add3A_610] : memref<32x512xf32, #tpu.memory_space<vmem>>[vector<16xi32>, vector<16xi32>], vector<16xf32>,
      %mul3A_618 = arith.constant 32 : i32
      %mul3A_619 = arith.muli %add3A_607, %mul3A_618 : i32
      %add3A_620 = arith.constant 16 : i32
      %add3A_621 = arith.addi %mul3A_619, %add3A_620 : i32
      %swap3A_622 = arith.index_cast %add3A_621 : i32 to index
      %swap3A_623 = tpu.vector_load %arg8[%swap3A_622] {strides = array<i32>} : memref<16384xf32, #tpu.memory_space<vmem>>, vector<16xf32>,
      tpu.vector_store %arg8[%swap3A_622], %gather3A_617 {strides = array<i32>} : memref<16384xf32, #tpu.memory_space<vmem>>, vector<16xf32>,
      %slice3A_624 = vector.extract_strided_slice %get3A_570 {offsets = [1], sizes = [1], strides = [1]} : vector<16xi32> to vector<1xi32>
      %squeeze3A_625 = vector.extract %slice3A_624[0] : i32 from vector<1xi32>
      %jit3A_626 = arith.constant 128 : i32
      %div3A_627 = arith.divsi %squeeze3A_625, %jit3A_626 : i32
      %sign3A_628 = arith.constant 0 : i32
      %sign3A_629 = arith.cmpi sgt, %squeeze3A_625, %sign3A_628 : i32
      %sign3A_630 = arith.extui %sign3A_629 : i1 to i32
      %sign3A_631 = arith.constant 0 : i32
      %sign3A_632 = arith.cmpi slt, %squeeze3A_625, %sign3A_631 : i32
      %sign3A_633 = arith.extui %sign3A_632 : i1 to i32
      %sign3A_634 = arith.subi %sign3A_630, %sign3A_633 : i32
      %sign3A_635 = arith.constant 0 : i32
      %sign3A_636 = arith.cmpi sgt, %jit3A_626, %sign3A_635 : i32
      %sign3A_637 = arith.extui %sign3A_636 : i1 to i32
      %sign3A_638 = arith.constant 0 : i32
      %sign3A_639 = arith.cmpi slt, %jit3A_626, %sign3A_638 : i32
      %sign3A_640 = arith.extui %sign3A_639 : i1 to i32
      %sign3A_641 = arith.subi %sign3A_637, %sign3A_640 : i32
      %ne3A_642 = arith.cmpi ne, %sign3A_634, %sign3A_641 : i32
      %rem3A_643 = arith.remsi %squeeze3A_625, %jit3A_626 : i32
      %ne3A_644 = arith.constant 0 : i32
      %ne3A_645 = arith.cmpi ne, %rem3A_643, %ne3A_644 : i32
      %and3A_646 = arith.andi %ne3A_642, %ne3A_645 : i1
      %sub3A_647 = arith.constant 1 : i32
      %sub3A_648 = arith.subi %div3A_627, %sub3A_647 : i32
      %select_n3A_649 = arith.select %and3A_646, %sub3A_648, %div3A_627 : i32
      %mul3A_650 = arith.constant 128 : i32
      %mul3A_651 = arith.muli %select_n3A_649, %mul3A_650 : i32
      %sub3A_652 = arith.subi %squeeze3A_625, %mul3A_651 : i32
      %broadcast_in_dim3A_653 = vector.broadcast %sub3A_652 : i32 to vector<16xi32>
      %mul3A_654 = arith.constant 2 : i32
      %mul3A_655 = arith.muli %mul3A_654, %scan3A_276 : i32
      %add3A_656 = arith.constant 0 : i32
      %add3A_657 = arith.addi %mul3A_655, %add3A_656 : i32
      %mul3A_658 = arith.constant 4 : i32
      %mul3A_659 = arith.muli %add3A_657, %mul3A_658 : i32
      %add3A_660 = arith.constant 1 : i32
      %add3A_661 = arith.addi %mul3A_659, %add3A_660 : i32
      %add3A_662 = arith.constant 128 : i32
      %add3A_663 = vector.broadcast %add3A_662 : i32 to vector<16xi32>
      %add3A_664 = arith.addi %broadcast_in_dim3A_653, %add3A_663 : vector<16xi32>
      %gather3A_665 = tpu.vector_load_idx %arg6[%iota3A, %add3A_664] : memref<32x512xf32, #tpu.memory_space<vmem>>[vector<16xi32>, vector<16xi32>], vector<16xf32>,
      %mul3A_666 = arith.constant 32 : i32
      %mul3A_667 = arith.muli %add3A_661, %mul3A_666 : i32
      %swap3A_668 = arith.index_cast %mul3A_667 : i32 to index
      %swap3A_669 = tpu.vector_load %arg8[%swap3A_668] {strides = array<i32>} : memref<16384xf32, #tpu.memory_space<vmem>>, vector<16xf32>,
      tpu.vector_store %arg8[%swap3A_668], %gather3A_665 {strides = array<i32>} : memref<16384xf32, #tpu.memory_space<vmem>>, vector<16xf32>,
      %add3A_670 = arith.constant 16 : i32
      %add3A_671 = vector.broadcast %add3A_670 : i32 to vector<16xi32>
      %add3A_672 = arith.addi %iota3A, %add3A_671 : vector<16xi32>
      %gather3A_673 = tpu.vector_load_idx %arg6[%add3A_672, %add3A_664] : memref<32x512xf32, #tpu.memory_space<vmem>>[vector<16xi32>, vector<16xi32>], vector<16xf32>,
      %mul3A_674 = arith.constant 32 : i32
      %mul3A_675 = arith.muli %add3A_661, %mul3A_674 : i32
      %add3A_676 = arith.constant 16 : i32
      %add3A_677 = arith.addi %mul3A_675, %add3A_676 : i32
      %swap3A_678 = arith.index_cast %add3A_677 : i32 to index
      %swap3A_679 = tpu.vector_load %arg8[%swap3A_678] {strides = array<i32>} : memref<16384xf32, #tpu.memory_space<vmem>>, vector<16xf32>,
      tpu.vector_store %arg8[%swap3A_678], %gather3A_673 {strides = array<i32>} : memref<16384xf32, #tpu.memory_space<vmem>>, vector<16xf32>,
      %slice3A_680 = vector.extract_strided_slice %get3A_570 {offsets = [2], sizes = [1], strides = [1]} : vector<16xi32> to vector<1xi32>
      %squeeze3A_681 = vector.extract %slice3A_680[0] : i32 from vector<1xi32>
      %jit3A_682 = arith.constant 128 : i32
      %div3A_683 = arith.divsi %squeeze3A_681, %jit3A_682 : i32
      %sign3A_684 = arith.constant 0 : i32
      %sign3A_685 = arith.cmpi sgt, %squeeze3A_681, %sign3A_684 : i32
      %sign3A_686 = arith.extui %sign3A_685 : i1 to i32
      %sign3A_687 = arith.constant 0 : i32
      %sign3A_688 = arith.cmpi slt, %squeeze3A_681, %sign3A_687 : i32
      %sign3A_689 = arith.extui %sign3A_688 : i1 to i32
      %sign3A_690 = arith.subi %sign3A_686, %sign3A_689 : i32
      %sign3A_691 = arith.constant 0 : i32
      %sign3A_692 = arith.cmpi sgt, %jit3A_682, %sign3A_691 : i32
      %sign3A_693 = arith.extui %sign3A_692 : i1 to i32
      %sign3A_694 = arith.constant 0 : i32
      %sign3A_695 = arith.cmpi slt, %jit3A_682, %sign3A_694 : i32
      %sign3A_696 = arith.extui %sign3A_695 : i1 to i32
      %sign3A_697 = arith.subi %sign3A_693, %sign3A_696 : i32
      %ne3A_698 = arith.cmpi ne, %sign3A_690, %sign3A_697 : i32
      %rem3A_699 = arith.remsi %squeeze3A_681, %jit3A_682 : i32
      %ne3A_700 = arith.constant 0 : i32
      %ne3A_701 = arith.cmpi ne, %rem3A_699, %ne3A_700 : i32
      %and3A_702 = arith.andi %ne3A_698, %ne3A_701 : i1
      %sub3A_703 = arith.constant 1 : i32
      %sub3A_704 = arith.subi %div3A_683, %sub3A_703 : i32
      %select_n3A_705 = arith.select %and3A_702, %sub3A_704, %div3A_683 : i32
      %mul3A_706 = arith.constant 128 : i32
      %mul3A_707 = arith.muli %select_n3A_705, %mul3A_706 : i32
      %sub3A_708 = arith.subi %squeeze3A_681, %mul3A_707 : i32
      %broadcast_in_dim3A_709 = vector.broadcast %sub3A_708 : i32 to vector<16xi32>
      %mul3A_710 = arith.constant 2 : i32
      %mul3A_711 = arith.muli %mul3A_710, %scan3A_276 : i32
      %add3A_712 = arith.constant 0 : i32
      %add3A_713 = arith.addi %mul3A_711, %add3A_712 : i32
      %mul3A_714 = arith.constant 4 : i32
      %mul3A_715 = arith.muli %add3A_713, %mul3A_714 : i32
      %add3A_716 = arith.constant 2 : i32
      %add3A_717 = arith.addi %mul3A_715, %add3A_716 : i32
      %add3A_718 = arith.constant 256 : i32
      %add3A_719 = vector.broadcast %add3A_718 : i32 to vector<16xi32>
      %add3A_720 = arith.addi %broadcast_in_dim3A_709, %add3A_719 : vector<16xi32>
      %gather3A_721 = tpu.vector_load_idx %arg6[%iota3A, %add3A_720] : memref<32x512xf32, #tpu.memory_space<vmem>>[vector<16xi32>, vector<16xi32>], vector<16xf32>,
      %mul3A_722 = arith.constant 32 : i32
      %mul3A_723 = arith.muli %add3A_717, %mul3A_722 : i32
      %swap3A_724 = arith.index_cast %mul3A_723 : i32 to index
      %swap3A_725 = tpu.vector_load %arg8[%swap3A_724] {strides = array<i32>} : memref<16384xf32, #tpu.memory_space<vmem>>, vector<16xf32>,
      tpu.vector_store %arg8[%swap3A_724], %gather3A_721 {strides = array<i32>} : memref<16384xf32, #tpu.memory_space<vmem>>, vector<16xf32>,
      %add3A_726 = arith.constant 16 : i32
      %add3A_727 = vector.broadcast %add3A_726 : i32 to vector<16xi32>
      %add3A_728 = arith.addi %iota3A, %add3A_727 : vector<16xi32>
      %gather3A_729 = tpu.vector_load_idx %arg6[%add3A_728, %add3A_720] : memref<32x512xf32, #tpu.memory_space<vmem>>[vector<16xi32>, vector<16xi32>], vector<16xf32>,
      %mul3A_730 = arith.constant 32 : i32
      %mul3A_731 = arith.muli %add3A_717, %mul3A_730 : i32
      %add3A_732 = arith.constant 16 : i32
      %add3A_733 = arith.addi %mul3A_731, %add3A_732 : i32
      %swap3A_734 = arith.index_cast %add3A_733 : i32 to index
      %swap3A_735 = tpu.vector_load %arg8[%swap3A_734] {strides = array<i32>} : memref<16384xf32, #tpu.memory_space<vmem>>, vector<16xf32>,
      tpu.vector_store %arg8[%swap3A_734], %gather3A_729 {strides = array<i32>} : memref<16384xf32, #tpu.memory_space<vmem>>, vector<16xf32>,
      %slice3A_736 = vector.extract_strided_slice %get3A_570 {offsets = [3], sizes = [1], strides = [1]} : vector<16xi32> to vector<1xi32>
      %squeeze3A_737 = vector.extract %slice3A_736[0] : i32 from vector<1xi32>
      %jit3A_738 = arith.constant 128 : i32
      %div3A_739 = arith.divsi %squeeze3A_737, %jit3A_738 : i32
      %sign3A_740 = arith.constant 0 : i32
      %sign3A_741 = arith.cmpi sgt, %squeeze3A_737, %sign3A_740 : i32
      %sign3A_742 = arith.extui %sign3A_741 : i1 to i32
      %sign3A_743 = arith.constant 0 : i32
      %sign3A_744 = arith.cmpi slt, %squeeze3A_737, %sign3A_743 : i32
      %sign3A_745 = arith.extui %sign3A_744 : i1 to i32
      %sign3A_746 = arith.subi %sign3A_742, %sign3A_745 : i32
      %sign3A_747 = arith.constant 0 : i32
      %sign3A_748 = arith.cmpi sgt, %jit3A_738, %sign3A_747 : i32
      %sign3A_749 = arith.extui %sign3A_748 : i1 to i32
      %sign3A_750 = arith.constant 0 : i32
      %sign3A_751 = arith.cmpi slt, %jit3A_738, %sign3A_750 : i32
      %sign3A_752 = arith.extui %sign3A_751 : i1 to i32
      %sign3A_753 = arith.subi %sign3A_749, %sign3A_752 : i32
      %ne3A_754 = arith.cmpi ne, %sign3A_746, %sign3A_753 : i32
      %rem3A_755 = arith.remsi %squeeze3A_737, %jit3A_738 : i32
      %ne3A_756 = arith.constant 0 : i32
      %ne3A_757 = arith.cmpi ne, %rem3A_755, %ne3A_756 : i32
      %and3A_758 = arith.andi %ne3A_754, %ne3A_757 : i1
      %sub3A_759 = arith.constant 1 : i32
      %sub3A_760 = arith.subi %div3A_739, %sub3A_759 : i32
      %select_n3A_761 = arith.select %and3A_758, %sub3A_760, %div3A_739 : i32
      %mul3A_762 = arith.constant 128 : i32
      %mul3A_763 = arith.muli %select_n3A_761, %mul3A_762 : i32
      %sub3A_764 = arith.subi %squeeze3A_737, %mul3A_763 : i32
      %broadcast_in_dim3A_765 = vector.broadcast %sub3A_764 : i32 to vector<16xi32>
      %mul3A_766 = arith.constant 2 : i32
      %mul3A_767 = arith.muli %mul3A_766, %scan3A_276 : i32
      %add3A_768 = arith.constant 0 : i32
      %add3A_769 = arith.addi %mul3A_767, %add3A_768 : i32
      %mul3A_770 = arith.constant 4 : i32
      %mul3A_771 = arith.muli %add3A_769, %mul3A_770 : i32
      %add3A_772 = arith.constant 3 : i32
      %add3A_773 = arith.addi %mul3A_771, %add3A_772 : i32
      %add3A_774 = arith.constant 384 : i32
      %add3A_775 = vector.broadcast %add3A_774 : i32 to vector<16xi32>
      %add3A_776 = arith.addi %broadcast_in_dim3A_765, %add3A_775 : vector<16xi32>
      %gather3A_777 = tpu.vector_load_idx %arg6[%iota3A, %add3A_776] : memref<32x512xf32, #tpu.memory_space<vmem>>[vector<16xi32>, vector<16xi32>], vector<16xf32>,
      %mul3A_778 = arith.constant 32 : i32
      %mul3A_779 = arith.muli %add3A_773, %mul3A_778 : i32
      %swap3A_780 = arith.index_cast %mul3A_779 : i32 to index
      %swap3A_781 = tpu.vector_load %arg8[%swap3A_780] {strides = array<i32>} : memref<16384xf32, #tpu.memory_space<vmem>>, vector<16xf32>,
      tpu.vector_store %arg8[%swap3A_780], %gather3A_777 {strides = array<i32>} : memref<16384xf32, #tpu.memory_space<vmem>>, vector<16xf32>,
      %add3A_782 = arith.constant 16 : i32
      %add3A_783 = vector.broadcast %add3A_782 : i32 to vector<16xi32>
      %add3A_784 = arith.addi %iota3A, %add3A_783 : vector<16xi32>
      %gather3A_785 = tpu.vector_load_idx %arg6[%add3A_784, %add3A_776] : memref<32x512xf32, #tpu.memory_space<vmem>>[vector<16xi32>, vector<16xi32>], vector<16xf32>,
      %mul3A_786 = arith.constant 32 : i32
      %mul3A_787 = arith.muli %add3A_773, %mul3A_786 : i32
      %add3A_788 = arith.constant 16 : i32
      %add3A_789 = arith.addi %mul3A_787, %add3A_788 : i32
      %swap3A_790 = arith.index_cast %add3A_789 : i32 to index
      %swap3A_791 = tpu.vector_load %arg8[%swap3A_790] {strides = array<i32>} : memref<16384xf32, #tpu.memory_space<vmem>>, vector<16xf32>,
      tpu.vector_store %arg8[%swap3A_790], %gather3A_785 {strides = array<i32>} : memref<16384xf32, #tpu.memory_space<vmem>>, vector<16xf32>,
      %lt3A = arith.constant 63 : i32
      %lt3A_792 = arith.cmpi slt, %scan3A_276, %lt3A : i32
      %convert_element_type3A = arith.extui %lt3A_792 : i1 to i32
      %cond3A = arith.constant 0 : i32
      %cond3A_793 = arith.cmpi ne, %convert_element_type3A, %cond3A : i32
      scf.if %cond3A_793 {
        %add3A_1041 = arith.constant 1 : i32
        %add3A_1042 = arith.addi %scan3A_276, %add3A_1041 : i32
        %mul3A_1043 = arith.constant 2 : i32
        %mul3A_1044 = arith.muli %add3A_1042, %mul3A_1043 : i32
        %mul3A_1045 = arith.constant 4 : i32
        %mul3A_1046 = arith.muli %mul3A_1044, %mul3A_1045 : i32
        %get3A_1047 = arith.index_cast %mul3A_1046 : i32 to index
        %get3A_1048 = tpu.vector_load %arg5[%get3A_1047] {strides = array<i32>} : memref<528xi32, #tpu.memory_space<vmem>>, vector<16xi32>,
        %slice3A_1049 = vector.extract_strided_slice %get3A_1048 {offsets = [0], sizes = [1], strides = [1]} : vector<16xi32> to vector<1xi32>
        %squeeze3A_1050 = vector.extract %slice3A_1049[0] : i32 from vector<1xi32>
        %jit3A_1051 = arith.constant 128 : i32
        %div3A_1052 = arith.divsi %squeeze3A_1050, %jit3A_1051 : i32
        %sign3A_1053 = arith.constant 0 : i32
        %sign3A_1054 = arith.cmpi sgt, %squeeze3A_1050, %sign3A_1053 : i32
        %sign3A_1055 = arith.extui %sign3A_1054 : i1 to i32
        %sign3A_1056 = arith.constant 0 : i32
        %sign3A_1057 = arith.cmpi slt, %squeeze3A_1050, %sign3A_1056 : i32
        %sign3A_1058 = arith.extui %sign3A_1057 : i1 to i32
        %sign3A_1059 = arith.subi %sign3A_1055, %sign3A_1058 : i32
        %sign3A_1060 = arith.constant 0 : i32
        %sign3A_1061 = arith.cmpi sgt, %jit3A_1051, %sign3A_1060 : i32
        %sign3A_1062 = arith.extui %sign3A_1061 : i1 to i32
        %sign3A_1063 = arith.constant 0 : i32
        %sign3A_1064 = arith.cmpi slt, %jit3A_1051, %sign3A_1063 : i32
        %sign3A_1065 = arith.extui %sign3A_1064 : i1 to i32
        %sign3A_1066 = arith.subi %sign3A_1062, %sign3A_1065 : i32
        %ne3A_1067 = arith.cmpi ne, %sign3A_1059, %sign3A_1066 : i32
        %rem3A_1068 = arith.remsi %squeeze3A_1050, %jit3A_1051 : i32
        %ne3A_1069 = arith.constant 0 : i32
        %ne3A_1070 = arith.cmpi ne, %rem3A_1068, %ne3A_1069 : i32
        %and3A_1071 = arith.andi %ne3A_1067, %ne3A_1070 : i1
        %sub3A_1072 = arith.constant 1 : i32
        %sub3A_1073 = arith.subi %div3A_1052, %sub3A_1072 : i32
        %select_n3A_1074 = arith.select %and3A_1071, %sub3A_1073, %div3A_1052 : i32
        %mul3A_1075 = arith.constant 128 : i32
        %mul3A_1076 = arith.muli %select_n3A_1074, %mul3A_1075 : i32
        %multiple_of3A_1077 = tpu.assume_multiple %mul3A_1076, 128 : i32
        %dma_start3A_1078 = arith.constant 0 : i32
        %dma_start3A_1079 = arith.constant 0 : i32
        %dma_start3A_1080 = tpu.memref_slice %arg6[%dma_start3A_1078, %dma_start3A_1079] : memref<32x512xf32, #tpu.memory_space<vmem>> -> memref<8x128xf32, #tpu.memory_space<vmem>>
        %dma_start3A_1081 = arith.constant 0 : i32
        %dma_start3A_1082 = tpu.memref_slice %arg3[%dma_start3A_1081, %multiple_of3A_1077] : memref<32x1000000xf32, #tpu.memory_space<hbm>> -> memref<8x128xf32, #tpu.memory_space<hbm>>
        %dma_start3A_1083 = arith.constant 0 : i32
        %dma_start3A_1084 = arith.constant 0 : i32
        %dma_start3A_1085 = tpu.memref_slice %arg6[%dma_start3A_1083, %dma_start3A_1084] : memref<32x512xf32, #tpu.memory_space<vmem>> -> memref<8x128xf32, #tpu.memory_space<vmem>>
        %dma_start3A_1086 = arith.constant 0 : i32
        %dma_start3A_1087 = tpu.memref_slice %arg3[%dma_start3A_1086, %multiple_of3A_1077] : memref<32x1000000xf32, #tpu.memory_space<hbm>> -> memref<8x128xf32, #tpu.memory_space<hbm>>
        tpu.enqueue_dma source(%dma_start3A_1087 : memref<8x128xf32, #tpu.memory_space<hbm>>) target(%dma_start3A_1085 : memref<8x128xf32, #tpu.memory_space<vmem>>) target_semaphore(%arg9 : memref<!tpu.dma_semaphore, #tpu.memory_space<semaphore_mem>>)
        %dma_start3A_1088 = arith.constant 8 : i32
        %dma_start3A_1089 = arith.constant 0 : i32
        %dma_start3A_1090 = tpu.memref_slice %arg6[%dma_start3A_1088, %dma_start3A_1089] : memref<32x512xf32, #tpu.memory_space<vmem>> -> memref<8x128xf32, #tpu.memory_space<vmem>>
        %dma_start3A_1091 = arith.constant 8 : i32
        %dma_start3A_1092 = tpu.memref_slice %arg3[%dma_start3A_1091, %multiple_of3A_1077] : memref<32x1000000xf32, #tpu.memory_space<hbm>> -> memref<8x128xf32, #tpu.memory_space<hbm>>
        %dma_start3A_1093 = arith.constant 8 : i32
        %dma_start3A_1094 = arith.constant 0 : i32
        %dma_start3A_1095 = tpu.memref_slice %arg6[%dma_start3A_1093, %dma_start3A_1094] : memref<32x512xf32, #tpu.memory_space<vmem>> -> memref<8x128xf32, #tpu.memory_space<vmem>>
        %dma_start3A_1096 = arith.constant 8 : i32
        %dma_start3A_1097 = tpu.memref_slice %arg3[%dma_start3A_1096, %multiple_of3A_1077] : memref<32x1000000xf32, #tpu.memory_space<hbm>> -> memref<8x128xf32, #tpu.memory_space<hbm>>
        tpu.enqueue_dma source(%dma_start3A_1097 : memref<8x128xf32, #tpu.memory_space<hbm>>) target(%dma_start3A_1095 : memref<8x128xf32, #tpu.memory_space<vmem>>) target_semaphore(%arg9 : memref<!tpu.dma_semaphore, #tpu.memory_space<semaphore_mem>>)
        %dma_start3A_1098 = arith.constant 16 : i32
        %dma_start3A_1099 = arith.constant 0 : i32
        %dma_start3A_1100 = tpu.memref_slice %arg6[%dma_start3A_1098, %dma_start3A_1099] : memref<32x512xf32, #tpu.memory_space<vmem>> -> memref<8x128xf32, #tpu.memory_space<vmem>>
        %dma_start3A_1101 = arith.constant 16 : i32
        %dma_start3A_1102 = tpu.memref_slice %arg3[%dma_start3A_1101, %multiple_of3A_1077] : memref<32x1000000xf32, #tpu.memory_space<hbm>> -> memref<8x128xf32, #tpu.memory_space<hbm>>
        %dma_start3A_1103 = arith.constant 16 : i32
        %dma_start3A_1104 = arith.constant 0 : i32
        %dma_start3A_1105 = tpu.memref_slice %arg6[%dma_start3A_1103, %dma_start3A_1104] : memref<32x512xf32, #tpu.memory_space<vmem>> -> memref<8x128xf32, #tpu.memory_space<vmem>>
        %dma_start3A_1106 = arith.constant 16 : i32
        %dma_start3A_1107 = tpu.memref_slice %arg3[%dma_start3A_1106, %multiple_of3A_1077] : memref<32x1000000xf32, #tpu.memory_space<hbm>> -> memref<8x128xf32, #tpu.memory_space<hbm>>
        tpu.enqueue_dma source(%dma_start3A_1107 : memref<8x128xf32, #tpu.memory_space<hbm>>) target(%dma_start3A_1105 : memref<8x128xf32, #tpu.memory_space<vmem>>) target_semaphore(%arg9 : memref<!tpu.dma_semaphore, #tpu.memory_space<semaphore_mem>>)
        %dma_start3A_1108 = arith.constant 24 : i32
        %dma_start3A_1109 = arith.constant 0 : i32
        %dma_start3A_1110 = tpu.memref_slice %arg6[%dma_start3A_1108, %dma_start3A_1109] : memref<32x512xf32, #tpu.memory_space<vmem>> -> memref<8x128xf32, #tpu.memory_space<vmem>>
        %dma_start3A_1111 = arith.constant 24 : i32
        %dma_start3A_1112 = tpu.memref_slice %arg3[%dma_start3A_1111, %multiple_of3A_1077] : memref<32x1000000xf32, #tpu.memory_space<hbm>> -> memref<8x128xf32, #tpu.memory_space<hbm>>
        %dma_start3A_1113 = arith.constant 24 : i32
        %dma_start3A_1114 = arith.constant 0 : i32
        %dma_start3A_1115 = tpu.memref_slice %arg6[%dma_start3A_1113, %dma_start3A_1114] : memref<32x512xf32, #tpu.memory_space<vmem>> -> memref<8x128xf32, #tpu.memory_space<vmem>>
        %dma_start3A_1116 = arith.constant 24 : i32
        %dma_start3A_1117 = tpu.memref_slice %arg3[%dma_start3A_1116, %multiple_of3A_1077] : memref<32x1000000xf32, #tpu.memory_space<hbm>> -> memref<8x128xf32, #tpu.memory_space<hbm>>
        tpu.enqueue_dma source(%dma_start3A_1117 : memref<8x128xf32, #tpu.memory_space<hbm>>) target(%dma_start3A_1115 : memref<8x128xf32, #tpu.memory_space<vmem>>) target_semaphore(%arg9 : memref<!tpu.dma_semaphore, #tpu.memory_space<semaphore_mem>>)
        %slice3A_1118 = vector.extract_strided_slice %get3A_1048 {offsets = [1], sizes = [1], strides = [1]} : vector<16xi32> to vector<1xi32>
        %squeeze3A_1119 = vector.extract %slice3A_1118[0] : i32 from vector<1xi32>
        %jit3A_1120 = arith.constant 128 : i32
        %div3A_1121 = arith.divsi %squeeze3A_1119, %jit3A_1120 : i32
        %sign3A_1122 = arith.constant 0 : i32
        %sign3A_1123 = arith.cmpi sgt, %squeeze3A_1119, %sign3A_1122 : i32
        %sign3A_1124 = arith.extui %sign3A_1123 : i1 to i32
        %sign3A_1125 = arith.constant 0 : i32
        %sign3A_1126 = arith.cmpi slt, %squeeze3A_1119, %sign3A_1125 : i32
        %sign3A_1127 = arith.extui %sign3A_1126 : i1 to i32
        %sign3A_1128 = arith.subi %sign3A_1124, %sign3A_1127 : i32
        %sign3A_1129 = arith.constant 0 : i32
        %sign3A_1130 = arith.cmpi sgt, %jit3A_1120, %sign3A_1129 : i32
        %sign3A_1131 = arith.extui %sign3A_1130 : i1 to i32
        %sign3A_1132 = arith.constant 0 : i32
        %sign3A_1133 = arith.cmpi slt, %jit3A_1120, %sign3A_1132 : i32
        %sign3A_1134 = arith.extui %sign3A_1133 : i1 to i32
        %sign3A_1135 = arith.subi %sign3A_1131, %sign3A_1134 : i32
        %ne3A_1136 = arith.cmpi ne, %sign3A_1128, %sign3A_1135 : i32
        %rem3A_1137 = arith.remsi %squeeze3A_1119, %jit3A_1120 : i32
        %ne3A_1138 = arith.constant 0 : i32
        %ne3A_1139 = arith.cmpi ne, %rem3A_1137, %ne3A_1138 : i32
        %and3A_1140 = arith.andi %ne3A_1136, %ne3A_1139 : i1
        %sub3A_1141 = arith.constant 1 : i32
        %sub3A_1142 = arith.subi %div3A_1121, %sub3A_1141 : i32
        %select_n3A_1143 = arith.select %and3A_1140, %sub3A_1142, %div3A_1121 : i32
        %mul3A_1144 = arith.constant 128 : i32
        %mul3A_1145 = arith.muli %select_n3A_1143, %mul3A_1144 : i32
        %multiple_of3A_1146 = tpu.assume_multiple %mul3A_1145, 128 : i32
        %dma_start3A_1147 = arith.constant 0 : i32
        %dma_start3A_1148 = arith.constant 128 : i32
        %dma_start3A_1149 = tpu.memref_slice %arg6[%dma_start3A_1147, %dma_start3A_1148] : memref<32x512xf32, #tpu.memory_space<vmem>> -> memref<8x128xf32, #tpu.memory_space<vmem>>
        %dma_start3A_1150 = arith.constant 0 : i32
        %dma_start3A_1151 = tpu.memref_slice %arg3[%dma_start3A_1150, %multiple_of3A_1146] : memref<32x1000000xf32, #tpu.memory_space<hbm>> -> memref<8x128xf32, #tpu.memory_space<hbm>>
        %dma_start3A_1152 = arith.constant 0 : i32
        %dma_start3A_1153 = arith.constant 128 : i32
        %dma_start3A_1154 = tpu.memref_slice %arg6[%dma_start3A_1152, %dma_start3A_1153] : memref<32x512xf32, #tpu.memory_space<vmem>> -> memref<8x128xf32, #tpu.memory_space<vmem>>
        %dma_start3A_1155 = arith.constant 0 : i32
        %dma_start3A_1156 = tpu.memref_slice %arg3[%dma_start3A_1155, %multiple_of3A_1146] : memref<32x1000000xf32, #tpu.memory_space<hbm>> -> memref<8x128xf32, #tpu.memory_space<hbm>>
        tpu.enqueue_dma source(%dma_start3A_1156 : memref<8x128xf32, #tpu.memory_space<hbm>>) target(%dma_start3A_1154 : memref<8x128xf32, #tpu.memory_space<vmem>>) target_semaphore(%arg9 : memref<!tpu.dma_semaphore, #tpu.memory_space<semaphore_mem>>)
        %dma_start3A_1157 = arith.constant 8 : i32
        %dma_start3A_1158 = arith.constant 128 : i32
        %dma_start3A_1159 = tpu.memref_slice %arg6[%dma_start3A_1157, %dma_start3A_1158] : memref<32x512xf32, #tpu.memory_space<vmem>> -> memref<8x128xf32, #tpu.memory_space<vmem>>
        %dma_start3A_1160 = arith.constant 8 : i32
        %dma_start3A_1161 = tpu.memref_slice %arg3[%dma_start3A_1160, %multiple_of3A_1146] : memref<32x1000000xf32, #tpu.memory_space<hbm>> -> memref<8x128xf32, #tpu.memory_space<hbm>>
        %dma_start3A_1162 = arith.constant 8 : i32
        %dma_start3A_1163 = arith.constant 128 : i32
        %dma_start3A_1164 = tpu.memref_slice %arg6[%dma_start3A_1162, %dma_start3A_1163] : memref<32x512xf32, #tpu.memory_space<vmem>> -> memref<8x128xf32, #tpu.memory_space<vmem>>
        %dma_start3A_1165 = arith.constant 8 : i32
        %dma_start3A_1166 = tpu.memref_slice %arg3[%dma_start3A_1165, %multiple_of3A_1146] : memref<32x1000000xf32, #tpu.memory_space<hbm>> -> memref<8x128xf32, #tpu.memory_space<hbm>>
        tpu.enqueue_dma source(%dma_start3A_1166 : memref<8x128xf32, #tpu.memory_space<hbm>>) target(%dma_start3A_1164 : memref<8x128xf32, #tpu.memory_space<vmem>>) target_semaphore(%arg9 : memref<!tpu.dma_semaphore, #tpu.memory_space<semaphore_mem>>)
        %dma_start3A_1167 = arith.constant 16 : i32
        %dma_start3A_1168 = arith.constant 128 : i32
        %dma_start3A_1169 = tpu.memref_slice %arg6[%dma_start3A_1167, %dma_start3A_1168] : memref<32x512xf32, #tpu.memory_space<vmem>> -> memref<8x128xf32, #tpu.memory_space<vmem>>
        %dma_start3A_1170 = arith.constant 16 : i32
        %dma_start3A_1171 = tpu.memref_slice %arg3[%dma_start3A_1170, %multiple_of3A_1146] : memref<32x1000000xf32, #tpu.memory_space<hbm>> -> memref<8x128xf32, #tpu.memory_space<hbm>>
        %dma_start3A_1172 = arith.constant 16 : i32
        %dma_start3A_1173 = arith.constant 128 : i32
        %dma_start3A_1174 = tpu.memref_slice %arg6[%dma_start3A_1172, %dma_start3A_1173] : memref<32x512xf32, #tpu.memory_space<vmem>> -> memref<8x128xf32, #tpu.memory_space<vmem>>
        %dma_start3A_1175 = arith.constant 16 : i32
        %dma_start3A_1176 = tpu.memref_slice %arg3[%dma_start3A_1175, %multiple_of3A_1146] : memref<32x1000000xf32, #tpu.memory_space<hbm>> -> memref<8x128xf32, #tpu.memory_space<hbm>>
        tpu.enqueue_dma source(%dma_start3A_1176 : memref<8x128xf32, #tpu.memory_space<hbm>>) target(%dma_start3A_1174 : memref<8x128xf32, #tpu.memory_space<vmem>>) target_semaphore(%arg9 : memref<!tpu.dma_semaphore, #tpu.memory_space<semaphore_mem>>)
        %dma_start3A_1177 = arith.constant 24 : i32
        %dma_start3A_1178 = arith.constant 128 : i32
        %dma_start3A_1179 = tpu.memref_slice %arg6[%dma_start3A_1177, %dma_start3A_1178] : memref<32x512xf32, #tpu.memory_space<vmem>> -> memref<8x128xf32, #tpu.memory_space<vmem>>
        %dma_start3A_1180 = arith.constant 24 : i32
        %dma_start3A_1181 = tpu.memref_slice %arg3[%dma_start3A_1180, %multiple_of3A_1146] : memref<32x1000000xf32, #tpu.memory_space<hbm>> -> memref<8x128xf32, #tpu.memory_space<hbm>>
        %dma_start3A_1182 = arith.constant 24 : i32
        %dma_start3A_1183 = arith.constant 128 : i32
        %dma_start3A_1184 = tpu.memref_slice %arg6[%dma_start3A_1182, %dma_start3A_1183] : memref<32x512xf32, #tpu.memory_space<vmem>> -> memref<8x128xf32, #tpu.memory_space<vmem>>
        %dma_start3A_1185 = arith.constant 24 : i32
        %dma_start3A_1186 = tpu.memref_slice %arg3[%dma_start3A_1185, %multiple_of3A_1146] : memref<32x1000000xf32, #tpu.memory_space<hbm>> -> memref<8x128xf32, #tpu.memory_space<hbm>>
        tpu.enqueue_dma source(%dma_start3A_1186 : memref<8x128xf32, #tpu.memory_space<hbm>>) target(%dma_start3A_1184 : memref<8x128xf32, #tpu.memory_space<vmem>>) target_semaphore(%arg9 : memref<!tpu.dma_semaphore, #tpu.memory_space<semaphore_mem>>)
        %slice3A_1187 = vector.extract_strided_slice %get3A_1048 {offsets = [2], sizes = [1], strides = [1]} : vector<16xi32> to vector<1xi32>
        %squeeze3A_1188 = vector.extract %slice3A_1187[0] : i32 from vector<1xi32>
        %jit3A_1189 = arith.constant 128 : i32
        %div3A_1190 = arith.divsi %squeeze3A_1188, %jit3A_1189 : i32
        %sign3A_1191 = arith.constant 0 : i32
        %sign3A_1192 = arith.cmpi sgt, %squeeze3A_1188, %sign3A_1191 : i32
        %sign3A_1193 = arith.extui %sign3A_1192 : i1 to i32
        %sign3A_1194 = arith.constant 0 : i32
        %sign3A_1195 = arith.cmpi slt, %squeeze3A_1188, %sign3A_1194 : i32
        %sign3A_1196 = arith.extui %sign3A_1195 : i1 to i32
        %sign3A_1197 = arith.subi %sign3A_1193, %sign3A_1196 : i32
        %sign3A_1198 = arith.constant 0 : i32
        %sign3A_1199 = arith.cmpi sgt, %jit3A_1189, %sign3A_1198 : i32
        %sign3A_1200 = arith.extui %sign3A_1199 : i1 to i32
        %sign3A_1201 = arith.constant 0 : i32
        %sign3A_1202 = arith.cmpi slt, %jit3A_1189, %sign3A_1201 : i32
        %sign3A_1203 = arith.extui %sign3A_1202 : i1 to i32
        %sign3A_1204 = arith.subi %sign3A_1200, %sign3A_1203 : i32
        %ne3A_1205 = arith.cmpi ne, %sign3A_1197, %sign3A_1204 : i32
        %rem3A_1206 = arith.remsi %squeeze3A_1188, %jit3A_1189 : i32
        %ne3A_1207 = arith.constant 0 : i32
        %ne3A_1208 = arith.cmpi ne, %rem3A_1206, %ne3A_1207 : i32
        %and3A_1209 = arith.andi %ne3A_1205, %ne3A_1208 : i1
        %sub3A_1210 = arith.constant 1 : i32
        %sub3A_1211 = arith.subi %div3A_1190, %sub3A_1210 : i32
        %select_n3A_1212 = arith.select %and3A_1209, %sub3A_1211, %div3A_1190 : i32
        %mul3A_1213 = arith.constant 128 : i32
        %mul3A_1214 = arith.muli %select_n3A_1212, %mul3A_1213 : i32
        %multiple_of3A_1215 = tpu.assume_multiple %mul3A_1214, 128 : i32
        %dma_start3A_1216 = arith.constant 0 : i32
        %dma_start3A_1217 = arith.constant 256 : i32
        %dma_start3A_1218 = tpu.memref_slice %arg6[%dma_start3A_1216, %dma_start3A_1217] : memref<32x512xf32, #tpu.memory_space<vmem>> -> memref<8x128xf32, #tpu.memory_space<vmem>>
        %dma_start3A_1219 = arith.constant 0 : i32
        %dma_start3A_1220 = tpu.memref_slice %arg3[%dma_start3A_1219, %multiple_of3A_1215] : memref<32x1000000xf32, #tpu.memory_space<hbm>> -> memref<8x128xf32, #tpu.memory_space<hbm>>
        %dma_start3A_1221 = arith.constant 0 : i32
        %dma_start3A_1222 = arith.constant 256 : i32
        %dma_start3A_1223 = tpu.memref_slice %arg6[%dma_start3A_1221, %dma_start3A_1222] : memref<32x512xf32, #tpu.memory_space<vmem>> -> memref<8x128xf32, #tpu.memory_space<vmem>>
        %dma_start3A_1224 = arith.constant 0 : i32
        %dma_start3A_1225 = tpu.memref_slice %arg3[%dma_start3A_1224, %multiple_of3A_1215] : memref<32x1000000xf32, #tpu.memory_space<hbm>> -> memref<8x128xf32, #tpu.memory_space<hbm>>
        tpu.enqueue_dma source(%dma_start3A_1225 : memref<8x128xf32, #tpu.memory_space<hbm>>) target(%dma_start3A_1223 : memref<8x128xf32, #tpu.memory_space<vmem>>) target_semaphore(%arg9 : memref<!tpu.dma_semaphore, #tpu.memory_space<semaphore_mem>>)
        %dma_start3A_1226 = arith.constant 8 : i32
        %dma_start3A_1227 = arith.constant 256 : i32
        %dma_start3A_1228 = tpu.memref_slice %arg6[%dma_start3A_1226, %dma_start3A_1227] : memref<32x512xf32, #tpu.memory_space<vmem>> -> memref<8x128xf32, #tpu.memory_space<vmem>>
        %dma_start3A_1229 = arith.constant 8 : i32
        %dma_start3A_1230 = tpu.memref_slice %arg3[%dma_start3A_1229, %multiple_of3A_1215] : memref<32x1000000xf32, #tpu.memory_space<hbm>> -> memref<8x128xf32, #tpu.memory_space<hbm>>
        %dma_start3A_1231 = arith.constant 8 : i32
        %dma_start3A_1232 = arith.constant 256 : i32
        %dma_start3A_1233 = tpu.memref_slice %arg6[%dma_start3A_1231, %dma_start3A_1232] : memref<32x512xf32, #tpu.memory_space<vmem>> -> memref<8x128xf32, #tpu.memory_space<vmem>>
        %dma_start3A_1234 = arith.constant 8 : i32
        %dma_start3A_1235 = tpu.memref_slice %arg3[%dma_start3A_1234, %multiple_of3A_1215] : memref<32x1000000xf32, #tpu.memory_space<hbm>> -> memref<8x128xf32, #tpu.memory_space<hbm>>
        tpu.enqueue_dma source(%dma_start3A_1235 : memref<8x128xf32, #tpu.memory_space<hbm>>) target(%dma_start3A_1233 : memref<8x128xf32, #tpu.memory_space<vmem>>) target_semaphore(%arg9 : memref<!tpu.dma_semaphore, #tpu.memory_space<semaphore_mem>>)
        %dma_start3A_1236 = arith.constant 16 : i32
        %dma_start3A_1237 = arith.constant 256 : i32
        %dma_start3A_1238 = tpu.memref_slice %arg6[%dma_start3A_1236, %dma_start3A_1237] : memref<32x512xf32, #tpu.memory_space<vmem>> -> memref<8x128xf32, #tpu.memory_space<vmem>>
        %dma_start3A_1239 = arith.constant 16 : i32
        %dma_start3A_1240 = tpu.memref_slice %arg3[%dma_start3A_1239, %multiple_of3A_1215] : memref<32x1000000xf32, #tpu.memory_space<hbm>> -> memref<8x128xf32, #tpu.memory_space<hbm>>
        %dma_start3A_1241 = arith.constant 16 : i32
        %dma_start3A_1242 = arith.constant 256 : i32
        %dma_start3A_1243 = tpu.memref_slice %arg6[%dma_start3A_1241, %dma_start3A_1242] : memref<32x512xf32, #tpu.memory_space<vmem>> -> memref<8x128xf32, #tpu.memory_space<vmem>>
        %dma_start3A_1244 = arith.constant 16 : i32
        %dma_start3A_1245 = tpu.memref_slice %arg3[%dma_start3A_1244, %multiple_of3A_1215] : memref<32x1000000xf32, #tpu.memory_space<hbm>> -> memref<8x128xf32, #tpu.memory_space<hbm>>
        tpu.enqueue_dma source(%dma_start3A_1245 : memref<8x128xf32, #tpu.memory_space<hbm>>) target(%dma_start3A_1243 : memref<8x128xf32, #tpu.memory_space<vmem>>) target_semaphore(%arg9 : memref<!tpu.dma_semaphore, #tpu.memory_space<semaphore_mem>>)
        %dma_start3A_1246 = arith.constant 24 : i32
        %dma_start3A_1247 = arith.constant 256 : i32
        %dma_start3A_1248 = tpu.memref_slice %arg6[%dma_start3A_1246, %dma_start3A_1247] : memref<32x512xf32, #tpu.memory_space<vmem>> -> memref<8x128xf32, #tpu.memory_space<vmem>>
        %dma_start3A_1249 = arith.constant 24 : i32
        %dma_start3A_1250 = tpu.memref_slice %arg3[%dma_start3A_1249, %multiple_of3A_1215] : memref<32x1000000xf32, #tpu.memory_space<hbm>> -> memref<8x128xf32, #tpu.memory_space<hbm>>
        %dma_start3A_1251 = arith.constant 24 : i32
        %dma_start3A_1252 = arith.constant 256 : i32
        %dma_start3A_1253 = tpu.memref_slice %arg6[%dma_start3A_1251, %dma_start3A_1252] : memref<32x512xf32, #tpu.memory_space<vmem>> -> memref<8x128xf32, #tpu.memory_space<vmem>>
        %dma_start3A_1254 = arith.constant 24 : i32
        %dma_start3A_1255 = tpu.memref_slice %arg3[%dma_start3A_1254, %multiple_of3A_1215] : memref<32x1000000xf32, #tpu.memory_space<hbm>> -> memref<8x128xf32, #tpu.memory_space<hbm>>
        tpu.enqueue_dma source(%dma_start3A_1255 : memref<8x128xf32, #tpu.memory_space<hbm>>) target(%dma_start3A_1253 : memref<8x128xf32, #tpu.memory_space<vmem>>) target_semaphore(%arg9 : memref<!tpu.dma_semaphore, #tpu.memory_space<semaphore_mem>>)
        %slice3A_1256 = vector.extract_strided_slice %get3A_1048 {offsets = [3], sizes = [1], strides = [1]} : vector<16xi32> to vector<1xi32>
        %squeeze3A_1257 = vector.extract %slice3A_1256[0] : i32 from vector<1xi32>
        %jit3A_1258 = arith.constant 128 : i32
        %div3A_1259 = arith.divsi %squeeze3A_1257, %jit3A_1258 : i32
        %sign3A_1260 = arith.constant 0 : i32
        %sign3A_1261 = arith.cmpi sgt, %squeeze3A_1257, %sign3A_1260 : i32
        %sign3A_1262 = arith.extui %sign3A_1261 : i1 to i32
        %sign3A_1263 = arith.constant 0 : i32
        %sign3A_1264 = arith.cmpi slt, %squeeze3A_1257, %sign3A_1263 : i32
        %sign3A_1265 = arith.extui %sign3A_1264 : i1 to i32
        %sign3A_1266 = arith.subi %sign3A_1262, %sign3A_1265 : i32
        %sign3A_1267 = arith.constant 0 : i32
        %sign3A_1268 = arith.cmpi sgt, %jit3A_1258, %sign3A_1267 : i32
        %sign3A_1269 = arith.extui %sign3A_1268 : i1 to i32
        %sign3A_1270 = arith.constant 0 : i32
        %sign3A_1271 = arith.cmpi slt, %jit3A_1258, %sign3A_1270 : i32
        %sign3A_1272 = arith.extui %sign3A_1271 : i1 to i32
        %sign3A_1273 = arith.subi %sign3A_1269, %sign3A_1272 : i32
        %ne3A_1274 = arith.cmpi ne, %sign3A_1266, %sign3A_1273 : i32
        %rem3A_1275 = arith.remsi %squeeze3A_1257, %jit3A_1258 : i32
        %ne3A_1276 = arith.constant 0 : i32
        %ne3A_1277 = arith.cmpi ne, %rem3A_1275, %ne3A_1276 : i32
        %and3A_1278 = arith.andi %ne3A_1274, %ne3A_1277 : i1
        %sub3A_1279 = arith.constant 1 : i32
        %sub3A_1280 = arith.subi %div3A_1259, %sub3A_1279 : i32
        %select_n3A_1281 = arith.select %and3A_1278, %sub3A_1280, %div3A_1259 : i32
        %mul3A_1282 = arith.constant 128 : i32
        %mul3A_1283 = arith.muli %select_n3A_1281, %mul3A_1282 : i32
        %multiple_of3A_1284 = tpu.assume_multiple %mul3A_1283, 128 : i32
        %dma_start3A_1285 = arith.constant 0 : i32
        %dma_start3A_1286 = arith.constant 384 : i32
        %dma_start3A_1287 = tpu.memref_slice %arg6[%dma_start3A_1285, %dma_start3A_1286] : memref<32x512xf32, #tpu.memory_space<vmem>> -> memref<8x128xf32, #tpu.memory_space<vmem>>
        %dma_start3A_1288 = arith.constant 0 : i32
        %dma_start3A_1289 = tpu.memref_slice %arg3[%dma_start3A_1288, %multiple_of3A_1284] : memref<32x1000000xf32, #tpu.memory_space<hbm>> -> memref<8x128xf32, #tpu.memory_space<hbm>>
        %dma_start3A_1290 = arith.constant 0 : i32
        %dma_start3A_1291 = arith.constant 384 : i32
        %dma_start3A_1292 = tpu.memref_slice %arg6[%dma_start3A_1290, %dma_start3A_1291] : memref<32x512xf32, #tpu.memory_space<vmem>> -> memref<8x128xf32, #tpu.memory_space<vmem>>
        %dma_start3A_1293 = arith.constant 0 : i32
        %dma_start3A_1294 = tpu.memref_slice %arg3[%dma_start3A_1293, %multiple_of3A_1284] : memref<32x1000000xf32, #tpu.memory_space<hbm>> -> memref<8x128xf32, #tpu.memory_space<hbm>>
        tpu.enqueue_dma source(%dma_start3A_1294 : memref<8x128xf32, #tpu.memory_space<hbm>>) target(%dma_start3A_1292 : memref<8x128xf32, #tpu.memory_space<vmem>>) target_semaphore(%arg9 : memref<!tpu.dma_semaphore, #tpu.memory_space<semaphore_mem>>)
        %dma_start3A_1295 = arith.constant 8 : i32
        %dma_start3A_1296 = arith.constant 384 : i32
        %dma_start3A_1297 = tpu.memref_slice %arg6[%dma_start3A_1295, %dma_start3A_1296] : memref<32x512xf32, #tpu.memory_space<vmem>> -> memref<8x128xf32, #tpu.memory_space<vmem>>
        %dma_start3A_1298 = arith.constant 8 : i32
        %dma_start3A_1299 = tpu.memref_slice %arg3[%dma_start3A_1298, %multiple_of3A_1284] : memref<32x1000000xf32, #tpu.memory_space<hbm>> -> memref<8x128xf32, #tpu.memory_space<hbm>>
        %dma_start3A_1300 = arith.constant 8 : i32
        %dma_start3A_1301 = arith.constant 384 : i32
        %dma_start3A_1302 = tpu.memref_slice %arg6[%dma_start3A_1300, %dma_start3A_1301] : memref<32x512xf32, #tpu.memory_space<vmem>> -> memref<8x128xf32, #tpu.memory_space<vmem>>
        %dma_start3A_1303 = arith.constant 8 : i32
        %dma_start3A_1304 = tpu.memref_slice %arg3[%dma_start3A_1303, %multiple_of3A_1284] : memref<32x1000000xf32, #tpu.memory_space<hbm>> -> memref<8x128xf32, #tpu.memory_space<hbm>>
        tpu.enqueue_dma source(%dma_start3A_1304 : memref<8x128xf32, #tpu.memory_space<hbm>>) target(%dma_start3A_1302 : memref<8x128xf32, #tpu.memory_space<vmem>>) target_semaphore(%arg9 : memref<!tpu.dma_semaphore, #tpu.memory_space<semaphore_mem>>)
        %dma_start3A_1305 = arith.constant 16 : i32
        %dma_start3A_1306 = arith.constant 384 : i32
        %dma_start3A_1307 = tpu.memref_slice %arg6[%dma_start3A_1305, %dma_start3A_1306] : memref<32x512xf32, #tpu.memory_space<vmem>> -> memref<8x128xf32, #tpu.memory_space<vmem>>
        %dma_start3A_1308 = arith.constant 16 : i32
        %dma_start3A_1309 = tpu.memref_slice %arg3[%dma_start3A_1308, %multiple_of3A_1284] : memref<32x1000000xf32, #tpu.memory_space<hbm>> -> memref<8x128xf32, #tpu.memory_space<hbm>>
        %dma_start3A_1310 = arith.constant 16 : i32
        %dma_start3A_1311 = arith.constant 384 : i32
        %dma_start3A_1312 = tpu.memref_slice %arg6[%dma_start3A_1310, %dma_start3A_1311] : memref<32x512xf32, #tpu.memory_space<vmem>> -> memref<8x128xf32, #tpu.memory_space<vmem>>
        %dma_start3A_1313 = arith.constant 16 : i32
        %dma_start3A_1314 = tpu.memref_slice %arg3[%dma_start3A_1313, %multiple_of3A_1284] : memref<32x1000000xf32, #tpu.memory_space<hbm>> -> memref<8x128xf32, #tpu.memory_space<hbm>>
        tpu.enqueue_dma source(%dma_start3A_1314 : memref<8x128xf32, #tpu.memory_space<hbm>>) target(%dma_start3A_1312 : memref<8x128xf32, #tpu.memory_space<vmem>>) target_semaphore(%arg9 : memref<!tpu.dma_semaphore, #tpu.memory_space<semaphore_mem>>)
        %dma_start3A_1315 = arith.constant 24 : i32
        %dma_start3A_1316 = arith.constant 384 : i32
        %dma_start3A_1317 = tpu.memref_slice %arg6[%dma_start3A_1315, %dma_start3A_1316] : memref<32x512xf32, #tpu.memory_space<vmem>> -> memref<8x128xf32, #tpu.memory_space<vmem>>
        %dma_start3A_1318 = arith.constant 24 : i32
        %dma_start3A_1319 = tpu.memref_slice %arg3[%dma_start3A_1318, %multiple_of3A_1284] : memref<32x1000000xf32, #tpu.memory_space<hbm>> -> memref<8x128xf32, #tpu.memory_space<hbm>>
        %dma_start3A_1320 = arith.constant 24 : i32
        %dma_start3A_1321 = arith.constant 384 : i32
        %dma_start3A_1322 = tpu.memref_slice %arg6[%dma_start3A_1320, %dma_start3A_1321] : memref<32x512xf32, #tpu.memory_space<vmem>> -> memref<8x128xf32, #tpu.memory_space<vmem>>
        %dma_start3A_1323 = arith.constant 24 : i32
        %dma_start3A_1324 = tpu.memref_slice %arg3[%dma_start3A_1323, %multiple_of3A_1284] : memref<32x1000000xf32, #tpu.memory_space<hbm>> -> memref<8x128xf32, #tpu.memory_space<hbm>>
        tpu.enqueue_dma source(%dma_start3A_1324 : memref<8x128xf32, #tpu.memory_space<hbm>>) target(%dma_start3A_1322 : memref<8x128xf32, #tpu.memory_space<vmem>>) target_semaphore(%arg9 : memref<!tpu.dma_semaphore, #tpu.memory_space<semaphore_mem>>)
      } else {
      }
      %dma_wait3A_794 = arith.constant 0 : i32
      %dma_wait3A_795 = arith.constant 0 : i32
      %dma_wait3A_796 = tpu.memref_slice %arg3[%dma_wait3A_794, %dma_wait3A_795] : memref<32x1000000xf32, #tpu.memory_space<hbm>> -> memref<32x512xf32, #tpu.memory_space<hbm>>
      %dma_wait3A_797 = arith.constant 0 : i32
      %dma_wait3A_798 = arith.constant 0 : i32
      %dma_wait3A_799 = tpu.memref_slice %arg3[%dma_wait3A_797, %dma_wait3A_798] : memref<32x1000000xf32, #tpu.memory_space<hbm>> -> memref<32x512xf32, #tpu.memory_space<hbm>>
      tpu.wait_dma2 semaphore(%arg9 : memref<!tpu.dma_semaphore, #tpu.memory_space<semaphore_mem>>) src(%dma_wait3A_799 : memref<32x512xf32, #tpu.memory_space<hbm>>) dst(%arg7 : memref<32x512xf32, #tpu.memory_space<vmem>>)
      %mul3A_800 = arith.constant 2 : i32
      %mul3A_801 = arith.muli %scan3A_276, %mul3A_800 : i32
      %mul3A_802 = arith.constant 4 : i32
      %mul3A_803 = arith.muli %mul3A_801, %mul3A_802 : i32
      %get3A_804 = arith.index_cast %mul3A_803 : i32 to index
      %get3A_805 = tpu.vector_load %arg5[%get3A_804] {strides = array<i32>} : memref<528xi32, #tpu.memory_space<vmem>>, vector<16xi32>,
      %slice3A_806 = vector.extract_strided_slice %get3A_805 {offsets = [4], sizes = [1], strides = [1]} : vector<16xi32> to vector<1xi32>
      %squeeze3A_807 = vector.extract %slice3A_806[0] : i32 from vector<1xi32>
      %jit3A_808 = arith.constant 128 : i32
      %div3A_809 = arith.divsi %squeeze3A_807, %jit3A_808 : i32
      %sign3A_810 = arith.constant 0 : i32
      %sign3A_811 = arith.cmpi sgt, %squeeze3A_807, %sign3A_810 : i32
      %sign3A_812 = arith.extui %sign3A_811 : i1 to i32
      %sign3A_813 = arith.constant 0 : i32
      %sign3A_814 = arith.cmpi slt, %squeeze3A_807, %sign3A_813 : i32
      %sign3A_815 = arith.extui %sign3A_814 : i1 to i32
      %sign3A_816 = arith.subi %sign3A_812, %sign3A_815 : i32
      %sign3A_817 = arith.constant 0 : i32
      %sign3A_818 = arith.cmpi sgt, %jit3A_808, %sign3A_817 : i32
      %sign3A_819 = arith.extui %sign3A_818 : i1 to i32
      %sign3A_820 = arith.constant 0 : i32
      %sign3A_821 = arith.cmpi slt, %jit3A_808, %sign3A_820 : i32
      %sign3A_822 = arith.extui %sign3A_821 : i1 to i32
      %sign3A_823 = arith.subi %sign3A_819, %sign3A_822 : i32
      %ne3A_824 = arith.cmpi ne, %sign3A_816, %sign3A_823 : i32
      %rem3A_825 = arith.remsi %squeeze3A_807, %jit3A_808 : i32
      %ne3A_826 = arith.constant 0 : i32
      %ne3A_827 = arith.cmpi ne, %rem3A_825, %ne3A_826 : i32
      %and3A_828 = arith.andi %ne3A_824, %ne3A_827 : i1
      %sub3A_829 = arith.constant 1 : i32
      %sub3A_830 = arith.subi %div3A_809, %sub3A_829 : i32
      %select_n3A_831 = arith.select %and3A_828, %sub3A_830, %div3A_809 : i32
      %mul3A_832 = arith.constant 128 : i32
      %mul3A_833 = arith.muli %select_n3A_831, %mul3A_832 : i32
      %sub3A_834 = arith.subi %squeeze3A_807, %mul3A_833 : i32
      %broadcast_in_dim3A_835 = vector.broadcast %sub3A_834 : i32 to vector<16xi32>
      %mul3A_836 = arith.constant 2 : i32
      %mul3A_837 = arith.muli %mul3A_836, %scan3A_276 : i32
      %add3A_838 = arith.constant 1 : i32
      %add3A_839 = arith.addi %mul3A_837, %add3A_838 : i32
      %mul3A_840 = arith.constant 4 : i32
      %mul3A_841 = arith.muli %add3A_839, %mul3A_840 : i32
      %add3A_842 = arith.constant 0 : i32
      %add3A_843 = arith.addi %mul3A_841, %add3A_842 : i32
      %add3A_844 = arith.constant 0 : i32
      %add3A_845 = vector.broadcast %add3A_844 : i32 to vector<16xi32>
      %add3A_846 = arith.addi %broadcast_in_dim3A_835, %add3A_845 : vector<16xi32>
      %gather3A_847 = tpu.vector_load_idx %arg7[%iota3A, %add3A_846] : memref<32x512xf32, #tpu.memory_space<vmem>>[vector<16xi32>, vector<16xi32>], vector<16xf32>,
      %mul3A_848 = arith.constant 32 : i32
      %mul3A_849 = arith.muli %add3A_843, %mul3A_848 : i32
      %swap3A_850 = arith.index_cast %mul3A_849 : i32 to index
      %swap3A_851 = tpu.vector_load %arg8[%swap3A_850] {strides = array<i32>} : memref<16384xf32, #tpu.memory_space<vmem>>, vector<16xf32>,
      tpu.vector_store %arg8[%swap3A_850], %gather3A_847 {strides = array<i32>} : memref<16384xf32, #tpu.memory_space<vmem>>, vector<16xf32>,
      %add3A_852 = arith.constant 16 : i32
      %add3A_853 = vector.broadcast %add3A_852 : i32 to vector<16xi32>
      %add3A_854 = arith.addi %iota3A, %add3A_853 : vector<16xi32>
      %gather3A_855 = tpu.vector_load_idx %arg7[%add3A_854, %add3A_846] : memref<32x512xf32, #tpu.memory_space<vmem>>[vector<16xi32>, vector<16xi32>], vector<16xf32>,
      %mul3A_856 = arith.constant 32 : i32
      %mul3A_857 = arith.muli %add3A_843, %mul3A_856 : i32
      %add3A_858 = arith.constant 16 : i32
      %add3A_859 = arith.addi %mul3A_857, %add3A_858 : i32
      %swap3A_860 = arith.index_cast %add3A_859 : i32 to index
      %swap3A_861 = tpu.vector_load %arg8[%swap3A_860] {strides = array<i32>} : memref<16384xf32, #tpu.memory_space<vmem>>, vector<16xf32>,
      tpu.vector_store %arg8[%swap3A_860], %gather3A_855 {strides = array<i32>} : memref<16384xf32, #tpu.memory_space<vmem>>, vector<16xf32>,
      %slice3A_862 = vector.extract_strided_slice %get3A_805 {offsets = [5], sizes = [1], strides = [1]} : vector<16xi32> to vector<1xi32>
      %squeeze3A_863 = vector.extract %slice3A_862[0] : i32 from vector<1xi32>
      %jit3A_864 = arith.constant 128 : i32
      %div3A_865 = arith.divsi %squeeze3A_863, %jit3A_864 : i32
      %sign3A_866 = arith.constant 0 : i32
      %sign3A_867 = arith.cmpi sgt, %squeeze3A_863, %sign3A_866 : i32
      %sign3A_868 = arith.extui %sign3A_867 : i1 to i32
      %sign3A_869 = arith.constant 0 : i32
      %sign3A_870 = arith.cmpi slt, %squeeze3A_863, %sign3A_869 : i32
      %sign3A_871 = arith.extui %sign3A_870 : i1 to i32
      %sign3A_872 = arith.subi %sign3A_868, %sign3A_871 : i32
      %sign3A_873 = arith.constant 0 : i32
      %sign3A_874 = arith.cmpi sgt, %jit3A_864, %sign3A_873 : i32
      %sign3A_875 = arith.extui %sign3A_874 : i1 to i32
      %sign3A_876 = arith.constant 0 : i32
      %sign3A_877 = arith.cmpi slt, %jit3A_864, %sign3A_876 : i32
      %sign3A_878 = arith.extui %sign3A_877 : i1 to i32
      %sign3A_879 = arith.subi %sign3A_875, %sign3A_878 : i32
      %ne3A_880 = arith.cmpi ne, %sign3A_872, %sign3A_879 : i32
      %rem3A_881 = arith.remsi %squeeze3A_863, %jit3A_864 : i32
      %ne3A_882 = arith.constant 0 : i32
      %ne3A_883 = arith.cmpi ne, %rem3A_881, %ne3A_882 : i32
      %and3A_884 = arith.andi %ne3A_880, %ne3A_883 : i1
      %sub3A_885 = arith.constant 1 : i32
      %sub3A_886 = arith.subi %div3A_865, %sub3A_885 : i32
      %select_n3A_887 = arith.select %and3A_884, %sub3A_886, %div3A_865 : i32
      %mul3A_888 = arith.constant 128 : i32
      %mul3A_889 = arith.muli %select_n3A_887, %mul3A_888 : i32
      %sub3A_890 = arith.subi %squeeze3A_863, %mul3A_889 : i32
      %broadcast_in_dim3A_891 = vector.broadcast %sub3A_890 : i32 to vector<16xi32>
      %mul3A_892 = arith.constant 2 : i32
      %mul3A_893 = arith.muli %mul3A_892, %scan3A_276 : i32
      %add3A_894 = arith.constant 1 : i32
      %add3A_895 = arith.addi %mul3A_893, %add3A_894 : i32
      %mul3A_896 = arith.constant 4 : i32
      %mul3A_897 = arith.muli %add3A_895, %mul3A_896 : i32
      %add3A_898 = arith.constant 1 : i32
      %add3A_899 = arith.addi %mul3A_897, %add3A_898 : i32
      %add3A_900 = arith.constant 128 : i32
      %add3A_901 = vector.broadcast %add3A_900 : i32 to vector<16xi32>
      %add3A_902 = arith.addi %broadcast_in_dim3A_891, %add3A_901 : vector<16xi32>
      %gather3A_903 = tpu.vector_load_idx %arg7[%iota3A, %add3A_902] : memref<32x512xf32, #tpu.memory_space<vmem>>[vector<16xi32>, vector<16xi32>], vector<16xf32>,
      %mul3A_904 = arith.constant 32 : i32
      %mul3A_905 = arith.muli %add3A_899, %mul3A_904 : i32
      %swap3A_906 = arith.index_cast %mul3A_905 : i32 to index
      %swap3A_907 = tpu.vector_load %arg8[%swap3A_906] {strides = array<i32>} : memref<16384xf32, #tpu.memory_space<vmem>>, vector<16xf32>,
      tpu.vector_store %arg8[%swap3A_906], %gather3A_903 {strides = array<i32>} : memref<16384xf32, #tpu.memory_space<vmem>>, vector<16xf32>,
      %add3A_908 = arith.constant 16 : i32
      %add3A_909 = vector.broadcast %add3A_908 : i32 to vector<16xi32>
      %add3A_910 = arith.addi %iota3A, %add3A_909 : vector<16xi32>
      %gather3A_911 = tpu.vector_load_idx %arg7[%add3A_910, %add3A_902] : memref<32x512xf32, #tpu.memory_space<vmem>>[vector<16xi32>, vector<16xi32>], vector<16xf32>,
      %mul3A_912 = arith.constant 32 : i32
      %mul3A_913 = arith.muli %add3A_899, %mul3A_912 : i32
      %add3A_914 = arith.constant 16 : i32
      %add3A_915 = arith.addi %mul3A_913, %add3A_914 : i32
      %swap3A_916 = arith.index_cast %add3A_915 : i32 to index
      %swap3A_917 = tpu.vector_load %arg8[%swap3A_916] {strides = array<i32>} : memref<16384xf32, #tpu.memory_space<vmem>>, vector<16xf32>,
      tpu.vector_store %arg8[%swap3A_916], %gather3A_911 {strides = array<i32>} : memref<16384xf32, #tpu.memory_space<vmem>>, vector<16xf32>,
      %slice3A_918 = vector.extract_strided_slice %get3A_805 {offsets = [6], sizes = [1], strides = [1]} : vector<16xi32> to vector<1xi32>
      %squeeze3A_919 = vector.extract %slice3A_918[0] : i32 from vector<1xi32>
      %jit3A_920 = arith.constant 128 : i32
      %div3A_921 = arith.divsi %squeeze3A_919, %jit3A_920 : i32
      %sign3A_922 = arith.constant 0 : i32
      %sign3A_923 = arith.cmpi sgt, %squeeze3A_919, %sign3A_922 : i32
      %sign3A_924 = arith.extui %sign3A_923 : i1 to i32
      %sign3A_925 = arith.constant 0 : i32
      %sign3A_926 = arith.cmpi slt, %squeeze3A_919, %sign3A_925 : i32
      %sign3A_927 = arith.extui %sign3A_926 : i1 to i32
      %sign3A_928 = arith.subi %sign3A_924, %sign3A_927 : i32
      %sign3A_929 = arith.constant 0 : i32
      %sign3A_930 = arith.cmpi sgt, %jit3A_920, %sign3A_929 : i32
      %sign3A_931 = arith.extui %sign3A_930 : i1 to i32
      %sign3A_932 = arith.constant 0 : i32
      %sign3A_933 = arith.cmpi slt, %jit3A_920, %sign3A_932 : i32
      %sign3A_934 = arith.extui %sign3A_933 : i1 to i32
      %sign3A_935 = arith.subi %sign3A_931, %sign3A_934 : i32
      %ne3A_936 = arith.cmpi ne, %sign3A_928, %sign3A_935 : i32
      %rem3A_937 = arith.remsi %squeeze3A_919, %jit3A_920 : i32
      %ne3A_938 = arith.constant 0 : i32
      %ne3A_939 = arith.cmpi ne, %rem3A_937, %ne3A_938 : i32
      %and3A_940 = arith.andi %ne3A_936, %ne3A_939 : i1
      %sub3A_941 = arith.constant 1 : i32
      %sub3A_942 = arith.subi %div3A_921, %sub3A_941 : i32
      %select_n3A_943 = arith.select %and3A_940, %sub3A_942, %div3A_921 : i32
      %mul3A_944 = arith.constant 128 : i32
      %mul3A_945 = arith.muli %select_n3A_943, %mul3A_944 : i32
      %sub3A_946 = arith.subi %squeeze3A_919, %mul3A_945 : i32
      %broadcast_in_dim3A_947 = vector.broadcast %sub3A_946 : i32 to vector<16xi32>
      %mul3A_948 = arith.constant 2 : i32
      %mul3A_949 = arith.muli %mul3A_948, %scan3A_276 : i32
      %add3A_950 = arith.constant 1 : i32
      %add3A_951 = arith.addi %mul3A_949, %add3A_950 : i32
      %mul3A_952 = arith.constant 4 : i32
      %mul3A_953 = arith.muli %add3A_951, %mul3A_952 : i32
      %add3A_954 = arith.constant 2 : i32
      %add3A_955 = arith.addi %mul3A_953, %add3A_954 : i32
      %add3A_956 = arith.constant 256 : i32
      %add3A_957 = vector.broadcast %add3A_956 : i32 to vector<16xi32>
      %add3A_958 = arith.addi %broadcast_in_dim3A_947, %add3A_957 : vector<16xi32>
      %gather3A_959 = tpu.vector_load_idx %arg7[%iota3A, %add3A_958] : memref<32x512xf32, #tpu.memory_space<vmem>>[vector<16xi32>, vector<16xi32>], vector<16xf32>,
      %mul3A_960 = arith.constant 32 : i32
      %mul3A_961 = arith.muli %add3A_955, %mul3A_960 : i32
      %swap3A_962 = arith.index_cast %mul3A_961 : i32 to index
      %swap3A_963 = tpu.vector_load %arg8[%swap3A_962] {strides = array<i32>} : memref<16384xf32, #tpu.memory_space<vmem>>, vector<16xf32>,
      tpu.vector_store %arg8[%swap3A_962], %gather3A_959 {strides = array<i32>} : memref<16384xf32, #tpu.memory_space<vmem>>, vector<16xf32>,
      %add3A_964 = arith.constant 16 : i32
      %add3A_965 = vector.broadcast %add3A_964 : i32 to vector<16xi32>
      %add3A_966 = arith.addi %iota3A, %add3A_965 : vector<16xi32>
      %gather3A_967 = tpu.vector_load_idx %arg7[%add3A_966, %add3A_958] : memref<32x512xf32, #tpu.memory_space<vmem>>[vector<16xi32>, vector<16xi32>], vector<16xf32>,
      %mul3A_968 = arith.constant 32 : i32
      %mul3A_969 = arith.muli %add3A_955, %mul3A_968 : i32
      %add3A_970 = arith.constant 16 : i32
      %add3A_971 = arith.addi %mul3A_969, %add3A_970 : i32
      %swap3A_972 = arith.index_cast %add3A_971 : i32 to index
      %swap3A_973 = tpu.vector_load %arg8[%swap3A_972] {strides = array<i32>} : memref<16384xf32, #tpu.memory_space<vmem>>, vector<16xf32>,
      tpu.vector_store %arg8[%swap3A_972], %gather3A_967 {strides = array<i32>} : memref<16384xf32, #tpu.memory_space<vmem>>, vector<16xf32>,
      %slice3A_974 = vector.extract_strided_slice %get3A_805 {offsets = [7], sizes = [1], strides = [1]} : vector<16xi32> to vector<1xi32>
      %squeeze3A_975 = vector.extract %slice3A_974[0] : i32 from vector<1xi32>
      %jit3A_976 = arith.constant 128 : i32
      %div3A_977 = arith.divsi %squeeze3A_975, %jit3A_976 : i32
      %sign3A_978 = arith.constant 0 : i32
      %sign3A_979 = arith.cmpi sgt, %squeeze3A_975, %sign3A_978 : i32
      %sign3A_980 = arith.extui %sign3A_979 : i1 to i32
      %sign3A_981 = arith.constant 0 : i32
      %sign3A_982 = arith.cmpi slt, %squeeze3A_975, %sign3A_981 : i32
      %sign3A_983 = arith.extui %sign3A_982 : i1 to i32
      %sign3A_984 = arith.subi %sign3A_980, %sign3A_983 : i32
      %sign3A_985 = arith.constant 0 : i32
      %sign3A_986 = arith.cmpi sgt, %jit3A_976, %sign3A_985 : i32
      %sign3A_987 = arith.extui %sign3A_986 : i1 to i32
      %sign3A_988 = arith.constant 0 : i32
      %sign3A_989 = arith.cmpi slt, %jit3A_976, %sign3A_988 : i32
      %sign3A_990 = arith.extui %sign3A_989 : i1 to i32
      %sign3A_991 = arith.subi %sign3A_987, %sign3A_990 : i32
      %ne3A_992 = arith.cmpi ne, %sign3A_984, %sign3A_991 : i32
      %rem3A_993 = arith.remsi %squeeze3A_975, %jit3A_976 : i32
      %ne3A_994 = arith.constant 0 : i32
      %ne3A_995 = arith.cmpi ne, %rem3A_993, %ne3A_994 : i32
      %and3A_996 = arith.andi %ne3A_992, %ne3A_995 : i1
      %sub3A_997 = arith.constant 1 : i32
      %sub3A_998 = arith.subi %div3A_977, %sub3A_997 : i32
      %select_n3A_999 = arith.select %and3A_996, %sub3A_998, %div3A_977 : i32
      %mul3A_1000 = arith.constant 128 : i32
      %mul3A_1001 = arith.muli %select_n3A_999, %mul3A_1000 : i32
      %sub3A_1002 = arith.subi %squeeze3A_975, %mul3A_1001 : i32
      %broadcast_in_dim3A_1003 = vector.broadcast %sub3A_1002 : i32 to vector<16xi32>
      %mul3A_1004 = arith.constant 2 : i32
      %mul3A_1005 = arith.muli %mul3A_1004, %scan3A_276 : i32
      %add3A_1006 = arith.constant 1 : i32
      %add3A_1007 = arith.addi %mul3A_1005, %add3A_1006 : i32
      %mul3A_1008 = arith.constant 4 : i32
      %mul3A_1009 = arith.muli %add3A_1007, %mul3A_1008 : i32
      %add3A_1010 = arith.constant 3 : i32
      %add3A_1011 = arith.addi %mul3A_1009, %add3A_1010 : i32
      %add3A_1012 = arith.constant 384 : i32
      %add3A_1013 = vector.broadcast %add3A_1012 : i32 to vector<16xi32>
      %add3A_1014 = arith.addi %broadcast_in_dim3A_1003, %add3A_1013 : vector<16xi32>
      %gather3A_1015 = tpu.vector_load_idx %arg7[%iota3A, %add3A_1014] : memref<32x512xf32, #tpu.memory_space<vmem>>[vector<16xi32>, vector<16xi32>], vector<16xf32>,
      %mul3A_1016 = arith.constant 32 : i32
      %mul3A_1017 = arith.muli %add3A_1011, %mul3A_1016 : i32
      %swap3A_1018 = arith.index_cast %mul3A_1017 : i32 to index
      %swap3A_1019 = tpu.vector_load %arg8[%swap3A_1018] {strides = array<i32>} : memref<16384xf32, #tpu.memory_space<vmem>>, vector<16xf32>,
      tpu.vector_store %arg8[%swap3A_1018], %gather3A_1015 {strides = array<i32>} : memref<16384xf32, #tpu.memory_space<vmem>>, vector<16xf32>,
      %add3A_1020 = arith.constant 16 : i32
      %add3A_1021 = vector.broadcast %add3A_1020 : i32 to vector<16xi32>
      %add3A_1022 = arith.addi %iota3A, %add3A_1021 : vector<16xi32>
      %gather3A_1023 = tpu.vector_load_idx %arg7[%add3A_1022, %add3A_1014] : memref<32x512xf32, #tpu.memory_space<vmem>>[vector<16xi32>, vector<16xi32>], vector<16xf32>,
      %mul3A_1024 = arith.constant 32 : i32
      %mul3A_1025 = arith.muli %add3A_1011, %mul3A_1024 : i32
      %add3A_1026 = arith.constant 16 : i32
      %add3A_1027 = arith.addi %mul3A_1025, %add3A_1026 : i32
      %swap3A_1028 = arith.index_cast %add3A_1027 : i32 to index
      %swap3A_1029 = tpu.vector_load %arg8[%swap3A_1028] {strides = array<i32>} : memref<16384xf32, #tpu.memory_space<vmem>>, vector<16xf32>,
      tpu.vector_store %arg8[%swap3A_1028], %gather3A_1023 {strides = array<i32>} : memref<16384xf32, #tpu.memory_space<vmem>>, vector<16xf32>,
      %mul3A_1030 = arith.constant 256 : i32
      %mul3A_1031 = arith.muli %scan3A_276, %mul3A_1030 : i32
      %mul3A_1032 = arith.constant 32 : i32
      %mul3A_1033 = arith.muli %mul3A_2, %mul3A_1032 : i32
      %mul3A_1034 = arith.constant 256 : i32
      %mul3A_1035 = arith.muli %scan3A_276, %mul3A_1034 : i32
      %add3A_1036 = arith.addi %mul3A_1033, %mul3A_1035 : i32
      %dma_start3A_1037 = tpu.memref_slice %arg8[%mul3A_1031] : memref<16384xf32, #tpu.memory_space<vmem>> -> memref<256xf32, #tpu.memory_space<vmem>>
      %dma_start3A_1038 = tpu.memref_slice %arg4[%add3A_1036] : memref<524288xf32, #tpu.memory_space<hbm>> -> memref<256xf32, #tpu.memory_space<hbm>>
      %dma_start3A_1039 = tpu.memref_slice %arg4[%add3A_1036] : memref<524288xf32, #tpu.memory_space<hbm>> -> memref<256xf32, #tpu.memory_space<hbm>>
      %dma_start3A_1040 = tpu.memref_slice %arg8[%mul3A_1031] : memref<16384xf32, #tpu.memory_space<vmem>> -> memref<256xf32, #tpu.memory_space<vmem>>
      tpu.enqueue_dma source(%dma_start3A_1040 : memref<256xf32, #tpu.memory_space<vmem>>) target(%dma_start3A_1039 : memref<256xf32, #tpu.memory_space<hbm>>) target_semaphore(%arg10 : memref<!tpu.dma_semaphore, #tpu.memory_space<semaphore_mem>>)
    }
    %scan3A_272 = arith.constant 64 : i32
    %dma_wait3A = arith.constant 0 : i32
    %dma_wait3A_273 = tpu.memref_slice %arg4[%dma_wait3A] : memref<524288xf32, #tpu.memory_space<hbm>> -> memref<16384xf32, #tpu.memory_space<hbm>>
    %dma_wait3A_274 = arith.constant 0 : i32
    %dma_wait3A_275 = tpu.memref_slice %arg4[%dma_wait3A_274] : memref<524288xf32, #tpu.memory_space<hbm>> -> memref<16384xf32, #tpu.memory_space<hbm>>
    tpu.wait_dma2 semaphore(%arg10 : memref<!tpu.dma_semaphore, #tpu.memory_space<semaphore_mem>>) src(%arg8 : memref<16384xf32, #tpu.memory_space<vmem>>) dst(%dma_wait3A_275 : memref<16384xf32, #tpu.memory_space<hbm>>)
    return
  }
}

#map = affine_map<(d0, d1) -> (0)>
#map1 = affine_map<(d0, d1) -> (0, 0)>
#map2 = affine_map<(d0, d1) -> (0, 0, 0)>
module attributes {stable_mosaic.version = 14 : i64} {
  func.func @_sc_title_cat_body(%arg0: i32, %arg1: i32, %arg2: memref<16384xi32, #tpu.memory_space<hbm>>, %arg3: memref<50x16384xi32, #tpu.memory_space<hbm>>, %arg4: memref<1000x32xf32, #tpu.memory_space<hbm>>, %arg5: memref<100000x32xf32, #tpu.memory_space<hbm>>, %arg6: memref<32x512x32xf32, #tpu.memory_space<hbm>>, %arg7: memref<32x512x32xf32, #tpu.memory_space<hbm>>, %arg8: memref<512xi32, #tpu.memory_space<vmem>>, %arg9: memref<50x512xi32, #tpu.memory_space<vmem>>, %arg10: memref<512x32xf32, #tpu.memory_space<vmem>>, %arg11: memref<512x32xf32, #tpu.memory_space<vmem>>, %arg12: memref<!tpu.dma_semaphore, #tpu.memory_space<semaphore_mem>>, %arg13: memref<!tpu.dma_semaphore, #tpu.memory_space<semaphore_mem>>) attributes {dimension_semantics = [#tpu.dimension_semantics<core_parallel>, #tpu.dimension_semantics<subcore_parallel>], iteration_bounds = array<i64: 2, 16>, scalar_prefetch = 0 : i64, scratch_operands = 6 : i64, tpu.core_type = #tpu.core_type<sc_vector_subcore>, window_params = [{transform_indices = #map}, {transform_indices = #map1}, {transform_indices = #map1}, {transform_indices = #map1}, {transform_indices = #map2}, {transform_indices = #map2}]} {
    %mul3A = arith.constant 2 : i32
    %mul3A_0 = arith.muli %arg1, %mul3A : i32
    %add3A = arith.addi %mul3A_0, %arg0 : i32
    %mul3A_1 = arith.constant 512 : i32
    %mul3A_2 = arith.muli %add3A, %mul3A_1 : i32
    "tpu.region"() ({
      %run_scoped3A = tpu.sem_alloc : memref<!tpu.dma_semaphore, #tpu.memory_space<semaphore_mem>>
      %dma_start3A_57 = tpu.memref_slice %arg2[%mul3A_2] : memref<16384xi32, #tpu.memory_space<hbm>> -> memref<512xi32, #tpu.memory_space<hbm>>
      %dma_start3A_58 = tpu.memref_slice %arg2[%mul3A_2] : memref<16384xi32, #tpu.memory_space<hbm>> -> memref<512xi32, #tpu.memory_space<hbm>>
      tpu.enqueue_dma source(%dma_start3A_58 : memref<512xi32, #tpu.memory_space<hbm>>) target(%arg8 : memref<512xi32, #tpu.memory_space<vmem>>) target_semaphore(%run_scoped3A : memref<!tpu.dma_semaphore, #tpu.memory_space<semaphore_mem>>)
      %dma_wait3A_59 = tpu.memref_slice %arg2[%mul3A_2] : memref<16384xi32, #tpu.memory_space<hbm>> -> memref<512xi32, #tpu.memory_space<hbm>>
      %dma_wait3A_60 = tpu.memref_slice %arg2[%mul3A_2] : memref<16384xi32, #tpu.memory_space<hbm>> -> memref<512xi32, #tpu.memory_space<hbm>>
      tpu.wait_dma2 semaphore(%run_scoped3A : memref<!tpu.dma_semaphore, #tpu.memory_space<semaphore_mem>>) src(%dma_wait3A_60 : memref<512xi32, #tpu.memory_space<hbm>>) dst(%arg8 : memref<512xi32, #tpu.memory_space<vmem>>)
      tpu.yield
    }) : () -> ()
    "tpu.region"() ({
      %run_scoped3A = tpu.sem_alloc : memref<!tpu.dma_semaphore, #tpu.memory_space<semaphore_mem>>
      %dma_start3A_57 = arith.constant 0 : i32
      %dma_start3A_58 = tpu.memref_slice %arg3[%dma_start3A_57, %mul3A_2] : memref<50x16384xi32, #tpu.memory_space<hbm>> -> memref<50x512xi32, #tpu.memory_space<hbm>>
      %dma_start3A_59 = arith.constant 0 : i32
      %dma_start3A_60 = tpu.memref_slice %arg3[%dma_start3A_59, %mul3A_2] : memref<50x16384xi32, #tpu.memory_space<hbm>> -> memref<50x512xi32, #tpu.memory_space<hbm>>
      tpu.enqueue_dma source(%dma_start3A_60 : memref<50x512xi32, #tpu.memory_space<hbm>>) target(%arg9 : memref<50x512xi32, #tpu.memory_space<vmem>>) target_semaphore(%run_scoped3A : memref<!tpu.dma_semaphore, #tpu.memory_space<semaphore_mem>>)
      %dma_wait3A_61 = arith.constant 0 : i32
      %dma_wait3A_62 = tpu.memref_slice %arg3[%dma_wait3A_61, %mul3A_2] : memref<50x16384xi32, #tpu.memory_space<hbm>> -> memref<50x512xi32, #tpu.memory_space<hbm>>
      %dma_wait3A_63 = arith.constant 0 : i32
      %dma_wait3A_64 = tpu.memref_slice %arg3[%dma_wait3A_63, %mul3A_2] : memref<50x16384xi32, #tpu.memory_space<hbm>> -> memref<50x512xi32, #tpu.memory_space<hbm>>
      tpu.wait_dma2 semaphore(%run_scoped3A : memref<!tpu.dma_semaphore, #tpu.memory_space<semaphore_mem>>) src(%dma_wait3A_64 : memref<50x512xi32, #tpu.memory_space<hbm>>) dst(%arg9 : memref<50x512xi32, #tpu.memory_space<vmem>>)
      tpu.yield
    }) : () -> ()
    %dma_start3A = arith.constant 0 : i32
    %dma_start3A_3 = arith.constant 0 : i32
    %dma_start3A_4 = tpu.memref_slice %arg4[%dma_start3A, %dma_start3A_3] : memref<1000x32xf32, #tpu.memory_space<hbm>> -> memref<1000x32xf32, #tpu.memory_space<hbm>>
    tpu.enqueue_indirect_dma source(%dma_start3A_4 : memref<1000x32xf32, #tpu.memory_space<hbm>>) target(%arg10 : memref<512x32xf32, #tpu.memory_space<vmem>>) offsets(%arg8 : memref<512xi32, #tpu.memory_space<vmem>>) semaphore(%arg13 : memref<!tpu.dma_semaphore, #tpu.memory_space<semaphore_mem>>)
    %broadcast_in_dim3A = arith.constant 0.000000e+00 : f32
    %broadcast_in_dim3A_5 = vector.broadcast %broadcast_in_dim3A : f32 to vector<16xf32>
    %scan3A = arith.constant 0 : i32
    %scan3A_6 = arith.constant 0 : i32
    %scan3A_7 = arith.constant 512 : i32
    %scan3A_8 = arith.addi %scan3A_6, %scan3A_7 : i32
    %scan3A_9 = arith.constant 8 : i32
    scf.for %scan3A_57 = %scan3A_6 to %scan3A_8 step %scan3A_9  : i32 {
      %swap3A = arith.index_cast %scan3A_57 : i32 to index
      %swap3A_58 = arith.constant 0 : index
      %swap3A_59 = tpu.vector_load %arg11[%swap3A, %swap3A_58] {strides = array<i32>} : memref<512x32xf32, #tpu.memory_space<vmem>>, vector<1x16xf32>,
      %swap3A_60 = vector.shape_cast %swap3A_59 : vector<1x16xf32> to vector<16xf32>
      %swap3A_61 = vector.shape_cast %broadcast_in_dim3A_5 : vector<16xf32> to vector<1x16xf32>
      tpu.vector_store %arg11[%swap3A, %swap3A_58], %swap3A_61 {strides = array<i32>} : memref<512x32xf32, #tpu.memory_space<vmem>>, vector<1x16xf32>,
      %swap3A_62 = arith.index_cast %scan3A_57 : i32 to index
      %swap3A_63 = arith.constant 16 : index
      %swap3A_64 = tpu.vector_load %arg11[%swap3A_62, %swap3A_63] {strides = array<i32>} : memref<512x32xf32, #tpu.memory_space<vmem>>, vector<1x16xf32>,
      %swap3A_65 = vector.shape_cast %swap3A_64 : vector<1x16xf32> to vector<16xf32>
      %swap3A_66 = vector.shape_cast %broadcast_in_dim3A_5 : vector<16xf32> to vector<1x16xf32>
      tpu.vector_store %arg11[%swap3A_62, %swap3A_63], %swap3A_66 {strides = array<i32>} : memref<512x32xf32, #tpu.memory_space<vmem>>, vector<1x16xf32>,
      %scan3A_67 = arith.constant 1 : i32
      %scan3A_68 = arith.addi %scan3A_57, %scan3A_67 : i32
      %swap3A_69 = arith.index_cast %scan3A_68 : i32 to index
      %swap3A_70 = arith.constant 0 : index
      %swap3A_71 = tpu.vector_load %arg11[%swap3A_69, %swap3A_70] {strides = array<i32>} : memref<512x32xf32, #tpu.memory_space<vmem>>, vector<1x16xf32>,
      %swap3A_72 = vector.shape_cast %swap3A_71 : vector<1x16xf32> to vector<16xf32>
      %swap3A_73 = vector.shape_cast %broadcast_in_dim3A_5 : vector<16xf32> to vector<1x16xf32>
      tpu.vector_store %arg11[%swap3A_69, %swap3A_70], %swap3A_73 {strides = array<i32>} : memref<512x32xf32, #tpu.memory_space<vmem>>, vector<1x16xf32>,
      %swap3A_74 = arith.index_cast %scan3A_68 : i32 to index
      %swap3A_75 = arith.constant 16 : index
      %swap3A_76 = tpu.vector_load %arg11[%swap3A_74, %swap3A_75] {strides = array<i32>} : memref<512x32xf32, #tpu.memory_space<vmem>>, vector<1x16xf32>,
      %swap3A_77 = vector.shape_cast %swap3A_76 : vector<1x16xf32> to vector<16xf32>
      %swap3A_78 = vector.shape_cast %broadcast_in_dim3A_5 : vector<16xf32> to vector<1x16xf32>
      tpu.vector_store %arg11[%swap3A_74, %swap3A_75], %swap3A_78 {strides = array<i32>} : memref<512x32xf32, #tpu.memory_space<vmem>>, vector<1x16xf32>,
      %scan3A_79 = arith.constant 2 : i32
      %scan3A_80 = arith.addi %scan3A_57, %scan3A_79 : i32
      %swap3A_81 = arith.index_cast %scan3A_80 : i32 to index
      %swap3A_82 = arith.constant 0 : index
      %swap3A_83 = tpu.vector_load %arg11[%swap3A_81, %swap3A_82] {strides = array<i32>} : memref<512x32xf32, #tpu.memory_space<vmem>>, vector<1x16xf32>,
      %swap3A_84 = vector.shape_cast %swap3A_83 : vector<1x16xf32> to vector<16xf32>
      %swap3A_85 = vector.shape_cast %broadcast_in_dim3A_5 : vector<16xf32> to vector<1x16xf32>
      tpu.vector_store %arg11[%swap3A_81, %swap3A_82], %swap3A_85 {strides = array<i32>} : memref<512x32xf32, #tpu.memory_space<vmem>>, vector<1x16xf32>,
      %swap3A_86 = arith.index_cast %scan3A_80 : i32 to index
      %swap3A_87 = arith.constant 16 : index
      %swap3A_88 = tpu.vector_load %arg11[%swap3A_86, %swap3A_87] {strides = array<i32>} : memref<512x32xf32, #tpu.memory_space<vmem>>, vector<1x16xf32>,
      %swap3A_89 = vector.shape_cast %swap3A_88 : vector<1x16xf32> to vector<16xf32>
      %swap3A_90 = vector.shape_cast %broadcast_in_dim3A_5 : vector<16xf32> to vector<1x16xf32>
      tpu.vector_store %arg11[%swap3A_86, %swap3A_87], %swap3A_90 {strides = array<i32>} : memref<512x32xf32, #tpu.memory_space<vmem>>, vector<1x16xf32>,
      %scan3A_91 = arith.constant 3 : i32
      %scan3A_92 = arith.addi %scan3A_57, %scan3A_91 : i32
      %swap3A_93 = arith.index_cast %scan3A_92 : i32 to index
      %swap3A_94 = arith.constant 0 : index
      %swap3A_95 = tpu.vector_load %arg11[%swap3A_93, %swap3A_94] {strides = array<i32>} : memref<512x32xf32, #tpu.memory_space<vmem>>, vector<1x16xf32>,
      %swap3A_96 = vector.shape_cast %swap3A_95 : vector<1x16xf32> to vector<16xf32>
      %swap3A_97 = vector.shape_cast %broadcast_in_dim3A_5 : vector<16xf32> to vector<1x16xf32>
      tpu.vector_store %arg11[%swap3A_93, %swap3A_94], %swap3A_97 {strides = array<i32>} : memref<512x32xf32, #tpu.memory_space<vmem>>, vector<1x16xf32>,
      %swap3A_98 = arith.index_cast %scan3A_92 : i32 to index
      %swap3A_99 = arith.constant 16 : index
      %swap3A_100 = tpu.vector_load %arg11[%swap3A_98, %swap3A_99] {strides = array<i32>} : memref<512x32xf32, #tpu.memory_space<vmem>>, vector<1x16xf32>,
      %swap3A_101 = vector.shape_cast %swap3A_100 : vector<1x16xf32> to vector<16xf32>
      %swap3A_102 = vector.shape_cast %broadcast_in_dim3A_5 : vector<16xf32> to vector<1x16xf32>
      tpu.vector_store %arg11[%swap3A_98, %swap3A_99], %swap3A_102 {strides = array<i32>} : memref<512x32xf32, #tpu.memory_space<vmem>>, vector<1x16xf32>,
      %scan3A_103 = arith.constant 4 : i32
      %scan3A_104 = arith.addi %scan3A_57, %scan3A_103 : i32
      %swap3A_105 = arith.index_cast %scan3A_104 : i32 to index
      %swap3A_106 = arith.constant 0 : index
      %swap3A_107 = tpu.vector_load %arg11[%swap3A_105, %swap3A_106] {strides = array<i32>} : memref<512x32xf32, #tpu.memory_space<vmem>>, vector<1x16xf32>,
      %swap3A_108 = vector.shape_cast %swap3A_107 : vector<1x16xf32> to vector<16xf32>
      %swap3A_109 = vector.shape_cast %broadcast_in_dim3A_5 : vector<16xf32> to vector<1x16xf32>
      tpu.vector_store %arg11[%swap3A_105, %swap3A_106], %swap3A_109 {strides = array<i32>} : memref<512x32xf32, #tpu.memory_space<vmem>>, vector<1x16xf32>,
      %swap3A_110 = arith.index_cast %scan3A_104 : i32 to index
      %swap3A_111 = arith.constant 16 : index
      %swap3A_112 = tpu.vector_load %arg11[%swap3A_110, %swap3A_111] {strides = array<i32>} : memref<512x32xf32, #tpu.memory_space<vmem>>, vector<1x16xf32>,
      %swap3A_113 = vector.shape_cast %swap3A_112 : vector<1x16xf32> to vector<16xf32>
      %swap3A_114 = vector.shape_cast %broadcast_in_dim3A_5 : vector<16xf32> to vector<1x16xf32>
      tpu.vector_store %arg11[%swap3A_110, %swap3A_111], %swap3A_114 {strides = array<i32>} : memref<512x32xf32, #tpu.memory_space<vmem>>, vector<1x16xf32>,
      %scan3A_115 = arith.constant 5 : i32
      %scan3A_116 = arith.addi %scan3A_57, %scan3A_115 : i32
      %swap3A_117 = arith.index_cast %scan3A_116 : i32 to index
      %swap3A_118 = arith.constant 0 : index
      %swap3A_119 = tpu.vector_load %arg11[%swap3A_117, %swap3A_118] {strides = array<i32>} : memref<512x32xf32, #tpu.memory_space<vmem>>, vector<1x16xf32>,
      %swap3A_120 = vector.shape_cast %swap3A_119 : vector<1x16xf32> to vector<16xf32>
      %swap3A_121 = vector.shape_cast %broadcast_in_dim3A_5 : vector<16xf32> to vector<1x16xf32>
      tpu.vector_store %arg11[%swap3A_117, %swap3A_118], %swap3A_121 {strides = array<i32>} : memref<512x32xf32, #tpu.memory_space<vmem>>, vector<1x16xf32>,
      %swap3A_122 = arith.index_cast %scan3A_116 : i32 to index
      %swap3A_123 = arith.constant 16 : index
      %swap3A_124 = tpu.vector_load %arg11[%swap3A_122, %swap3A_123] {strides = array<i32>} : memref<512x32xf32, #tpu.memory_space<vmem>>, vector<1x16xf32>,
      %swap3A_125 = vector.shape_cast %swap3A_124 : vector<1x16xf32> to vector<16xf32>
      %swap3A_126 = vector.shape_cast %broadcast_in_dim3A_5 : vector<16xf32> to vector<1x16xf32>
      tpu.vector_store %arg11[%swap3A_122, %swap3A_123], %swap3A_126 {strides = array<i32>} : memref<512x32xf32, #tpu.memory_space<vmem>>, vector<1x16xf32>,
      %scan3A_127 = arith.constant 6 : i32
      %scan3A_128 = arith.addi %scan3A_57, %scan3A_127 : i32
      %swap3A_129 = arith.index_cast %scan3A_128 : i32 to index
      %swap3A_130 = arith.constant 0 : index
      %swap3A_131 = tpu.vector_load %arg11[%swap3A_129, %swap3A_130] {strides = array<i32>} : memref<512x32xf32, #tpu.memory_space<vmem>>, vector<1x16xf32>,
      %swap3A_132 = vector.shape_cast %swap3A_131 : vector<1x16xf32> to vector<16xf32>
      %swap3A_133 = vector.shape_cast %broadcast_in_dim3A_5 : vector<16xf32> to vector<1x16xf32>
      tpu.vector_store %arg11[%swap3A_129, %swap3A_130], %swap3A_133 {strides = array<i32>} : memref<512x32xf32, #tpu.memory_space<vmem>>, vector<1x16xf32>,
      %swap3A_134 = arith.index_cast %scan3A_128 : i32 to index
      %swap3A_135 = arith.constant 16 : index
      %swap3A_136 = tpu.vector_load %arg11[%swap3A_134, %swap3A_135] {strides = array<i32>} : memref<512x32xf32, #tpu.memory_space<vmem>>, vector<1x16xf32>,
      %swap3A_137 = vector.shape_cast %swap3A_136 : vector<1x16xf32> to vector<16xf32>
      %swap3A_138 = vector.shape_cast %broadcast_in_dim3A_5 : vector<16xf32> to vector<1x16xf32>
      tpu.vector_store %arg11[%swap3A_134, %swap3A_135], %swap3A_138 {strides = array<i32>} : memref<512x32xf32, #tpu.memory_space<vmem>>, vector<1x16xf32>,
      %scan3A_139 = arith.constant 7 : i32
      %scan3A_140 = arith.addi %scan3A_57, %scan3A_139 : i32
      %swap3A_141 = arith.index_cast %scan3A_140 : i32 to index
      %swap3A_142 = arith.constant 0 : index
      %swap3A_143 = tpu.vector_load %arg11[%swap3A_141, %swap3A_142] {strides = array<i32>} : memref<512x32xf32, #tpu.memory_space<vmem>>, vector<1x16xf32>,
      %swap3A_144 = vector.shape_cast %swap3A_143 : vector<1x16xf32> to vector<16xf32>
      %swap3A_145 = vector.shape_cast %broadcast_in_dim3A_5 : vector<16xf32> to vector<1x16xf32>
      tpu.vector_store %arg11[%swap3A_141, %swap3A_142], %swap3A_145 {strides = array<i32>} : memref<512x32xf32, #tpu.memory_space<vmem>>, vector<1x16xf32>,
      %swap3A_146 = arith.index_cast %scan3A_140 : i32 to index
      %swap3A_147 = arith.constant 16 : index
      %swap3A_148 = tpu.vector_load %arg11[%swap3A_146, %swap3A_147] {strides = array<i32>} : memref<512x32xf32, #tpu.memory_space<vmem>>, vector<1x16xf32>,
      %swap3A_149 = vector.shape_cast %swap3A_148 : vector<1x16xf32> to vector<16xf32>
      %swap3A_150 = vector.shape_cast %broadcast_in_dim3A_5 : vector<16xf32> to vector<1x16xf32>
      tpu.vector_store %arg11[%swap3A_146, %swap3A_147], %swap3A_150 {strides = array<i32>} : memref<512x32xf32, #tpu.memory_space<vmem>>, vector<1x16xf32>,
    }
    %scan3A_10 = arith.constant 512 : i32
    %scan3A_11 = arith.constant 0 : i32
    %scan3A_12 = arith.constant 0 : i32
    %scan3A_13 = arith.constant 50 : i32
    %scan3A_14 = arith.addi %scan3A_12, %scan3A_13 : i32
    %scan3A_15 = arith.constant 1 : i32
    scf.for %scan3A_57 = %scan3A_12 to %scan3A_14 step %scan3A_15  : i32 {
      %dma_start3A_58 = arith.constant 0 : i32
      %dma_start3A_59 = tpu.memref_slice %arg9[%scan3A_57, %dma_start3A_58] : memref<50x512xi32, #tpu.memory_space<vmem>> -> memref<1x512xi32, #tpu.memory_space<vmem>>
      %dma_start3A_60 = tpu.memref_squeeze %dma_start3A_59 : memref<1x512xi32, #tpu.memory_space<vmem>> -> memref<512xi32, #tpu.memory_space<vmem>>
      %dma_start3A_61 = arith.constant 0 : i32
      %dma_start3A_62 = arith.constant 0 : i32
      %dma_start3A_63 = tpu.memref_slice %arg5[%dma_start3A_61, %dma_start3A_62] : memref<100000x32xf32, #tpu.memory_space<hbm>> -> memref<100000x32xf32, #tpu.memory_space<hbm>>
      tpu.enqueue_indirect_dma source(%dma_start3A_63 : memref<100000x32xf32, #tpu.memory_space<hbm>>) target(%arg11 : memref<512x32xf32, #tpu.memory_space<vmem>>) offsets(%dma_start3A_60 : memref<512xi32, #tpu.memory_space<vmem>>) semaphore(%arg12 : memref<!tpu.dma_semaphore, #tpu.memory_space<semaphore_mem>>) {add = true}
    }
    %scan3A_16 = arith.constant 50 : i32
    %scan3A_17 = arith.constant 0 : i32
    %scan3A_18 = arith.constant 0 : i32
    %scan3A_19 = arith.constant 50 : i32
    %scan3A_20 = arith.addi %scan3A_18, %scan3A_19 : i32
    %scan3A_21 = arith.constant 1 : i32
    scf.for %scan3A_57 = %scan3A_18 to %scan3A_20 step %scan3A_21  : i32 {
      %dma_wait3A_58 = arith.constant 0 : i32
      %dma_wait3A_59 = arith.constant 0 : i32
      %dma_wait3A_60 = tpu.memref_slice %arg9[%dma_wait3A_58, %dma_wait3A_59] : memref<50x512xi32, #tpu.memory_space<vmem>> -> memref<1x512xi32, #tpu.memory_space<vmem>>
      %dma_wait3A_61 = tpu.memref_squeeze %dma_wait3A_60 : memref<1x512xi32, #tpu.memory_space<vmem>> -> memref<512xi32, #tpu.memory_space<vmem>>
      %dma_wait3A_62 = arith.constant 0 : i32
      %dma_wait3A_63 = arith.constant 0 : i32
      %dma_wait3A_64 = tpu.memref_slice %arg5[%dma_wait3A_62, %dma_wait3A_63] : memref<100000x32xf32, #tpu.memory_space<hbm>> -> memref<100000x32xf32, #tpu.memory_space<hbm>>
      tpu.wait_indirect_dma semaphore(%arg12 : memref<!tpu.dma_semaphore, #tpu.memory_space<semaphore_mem>>) src(%dma_wait3A_64 : memref<100000x32xf32, #tpu.memory_space<hbm>>) dst(%arg11 : memref<512x32xf32, #tpu.memory_space<vmem>>)
    }
    %scan3A_22 = arith.constant 50 : i32
    %dma_wait3A = arith.constant 0 : i32
    %dma_wait3A_23 = arith.constant 0 : i32
    %dma_wait3A_24 = tpu.memref_slice %arg4[%dma_wait3A, %dma_wait3A_23] : memref<1000x32xf32, #tpu.memory_space<hbm>> -> memref<1000x32xf32, #tpu.memory_space<hbm>>
    tpu.wait_indirect_dma semaphore(%arg13 : memref<!tpu.dma_semaphore, #tpu.memory_space<semaphore_mem>>) src(%dma_wait3A_24 : memref<1000x32xf32, #tpu.memory_space<hbm>>) dst(%arg10 : memref<512x32xf32, #tpu.memory_space<vmem>>)
    %dma_start3A_25 = arith.constant 0 : i32
    %dma_start3A_26 = arith.constant 0 : i32
    %dma_start3A_27 = tpu.memref_slice %arg6[%add3A, %dma_start3A_25, %dma_start3A_26] : memref<32x512x32xf32, #tpu.memory_space<hbm>> -> memref<1x512x32xf32, #tpu.memory_space<hbm>>
    %dma_start3A_28 = tpu.memref_squeeze %dma_start3A_27 : memref<1x512x32xf32, #tpu.memory_space<hbm>> -> memref<512x32xf32, #tpu.memory_space<hbm>>
    %dma_start3A_29 = arith.constant 0 : i32
    %dma_start3A_30 = arith.constant 0 : i32
    %dma_start3A_31 = tpu.memref_slice %arg6[%add3A, %dma_start3A_29, %dma_start3A_30] : memref<32x512x32xf32, #tpu.memory_space<hbm>> -> memref<1x512x32xf32, #tpu.memory_space<hbm>>
    %dma_start3A_32 = tpu.memref_squeeze %dma_start3A_31 : memref<1x512x32xf32, #tpu.memory_space<hbm>> -> memref<512x32xf32, #tpu.memory_space<hbm>>
    tpu.enqueue_dma source(%arg10 : memref<512x32xf32, #tpu.memory_space<vmem>>) target(%dma_start3A_32 : memref<512x32xf32, #tpu.memory_space<hbm>>) target_semaphore(%arg13 : memref<!tpu.dma_semaphore, #tpu.memory_space<semaphore_mem>>)
    %dma_start3A_33 = arith.constant 0 : i32
    %dma_start3A_34 = arith.constant 0 : i32
    %dma_start3A_35 = tpu.memref_slice %arg7[%add3A, %dma_start3A_33, %dma_start3A_34] : memref<32x512x32xf32, #tpu.memory_space<hbm>> -> memref<1x512x32xf32, #tpu.memory_space<hbm>>
    %dma_start3A_36 = tpu.memref_squeeze %dma_start3A_35 : memref<1x512x32xf32, #tpu.memory_space<hbm>> -> memref<512x32xf32, #tpu.memory_space<hbm>>
    %dma_start3A_37 = arith.constant 0 : i32
    %dma_start3A_38 = arith.constant 0 : i32
    %dma_start3A_39 = tpu.memref_slice %arg7[%add3A, %dma_start3A_37, %dma_start3A_38] : memref<32x512x32xf32, #tpu.memory_space<hbm>> -> memref<1x512x32xf32, #tpu.memory_space<hbm>>
    %dma_start3A_40 = tpu.memref_squeeze %dma_start3A_39 : memref<1x512x32xf32, #tpu.memory_space<hbm>> -> memref<512x32xf32, #tpu.memory_space<hbm>>
    tpu.enqueue_dma source(%arg11 : memref<512x32xf32, #tpu.memory_space<vmem>>) target(%dma_start3A_40 : memref<512x32xf32, #tpu.memory_space<hbm>>) target_semaphore(%arg12 : memref<!tpu.dma_semaphore, #tpu.memory_space<semaphore_mem>>)
    %dma_wait3A_41 = arith.constant 0 : i32
    %dma_wait3A_42 = arith.constant 0 : i32
    %dma_wait3A_43 = tpu.memref_slice %arg6[%add3A, %dma_wait3A_41, %dma_wait3A_42] : memref<32x512x32xf32, #tpu.memory_space<hbm>> -> memref<1x512x32xf32, #tpu.memory_space<hbm>>
    %dma_wait3A_44 = tpu.memref_squeeze %dma_wait3A_43 : memref<1x512x32xf32, #tpu.memory_space<hbm>> -> memref<512x32xf32, #tpu.memory_space<hbm>>
    %dma_wait3A_45 = arith.constant 0 : i32
    %dma_wait3A_46 = arith.constant 0 : i32
    %dma_wait3A_47 = tpu.memref_slice %arg6[%add3A, %dma_wait3A_45, %dma_wait3A_46] : memref<32x512x32xf32, #tpu.memory_space<hbm>> -> memref<1x512x32xf32, #tpu.memory_space<hbm>>
    %dma_wait3A_48 = tpu.memref_squeeze %dma_wait3A_47 : memref<1x512x32xf32, #tpu.memory_space<hbm>> -> memref<512x32xf32, #tpu.memory_space<hbm>>
    tpu.wait_dma2 semaphore(%arg13 : memref<!tpu.dma_semaphore, #tpu.memory_space<semaphore_mem>>) src(%arg10 : memref<512x32xf32, #tpu.memory_space<vmem>>) dst(%dma_wait3A_48 : memref<512x32xf32, #tpu.memory_space<hbm>>)
    %dma_wait3A_49 = arith.constant 0 : i32
    %dma_wait3A_50 = arith.constant 0 : i32
    %dma_wait3A_51 = tpu.memref_slice %arg7[%add3A, %dma_wait3A_49, %dma_wait3A_50] : memref<32x512x32xf32, #tpu.memory_space<hbm>> -> memref<1x512x32xf32, #tpu.memory_space<hbm>>
    %dma_wait3A_52 = tpu.memref_squeeze %dma_wait3A_51 : memref<1x512x32xf32, #tpu.memory_space<hbm>> -> memref<512x32xf32, #tpu.memory_space<hbm>>
    %dma_wait3A_53 = arith.constant 0 : i32
    %dma_wait3A_54 = arith.constant 0 : i32
    %dma_wait3A_55 = tpu.memref_slice %arg7[%add3A, %dma_wait3A_53, %dma_wait3A_54] : memref<32x512x32xf32, #tpu.memory_space<hbm>> -> memref<1x512x32xf32, #tpu.memory_space<hbm>>
    %dma_wait3A_56 = tpu.memref_squeeze %dma_wait3A_55 : memref<1x512x32xf32, #tpu.memory_space<hbm>> -> memref<512x32xf32, #tpu.memory_space<hbm>>
    tpu.wait_dma2 semaphore(%arg12 : memref<!tpu.dma_semaphore, #tpu.memory_space<semaphore_mem>>) src(%arg11 : memref<512x32xf32, #tpu.memory_space<vmem>>) dst(%dma_wait3A_56 : memref<512x32xf32, #tpu.memory_space<hbm>>)
    return
  }
}

module attributes {stable_mosaic.version = 14 : i64} {
  func.func @_dense_body(%arg0: i32, %arg1: memref<1024x128xf32, #tpu.memory_space<vmem>>, %arg2: memref<1024x128xf32, #tpu.memory_space<vmem>>, %arg3: memref<1024x128xf32, #tpu.memory_space<vmem>>, %arg4: memref<128x256xf32, #tpu.memory_space<vmem>>, %arg5: memref<128x256xf32, #tpu.memory_space<vmem>>, %arg6: memref<128x256xf32, #tpu.memory_space<vmem>>, %arg7: memref<1x256xf32, #tpu.memory_space<vmem>>, %arg8: memref<1024x256xf32, #tpu.memory_space<vmem>>) attributes {dimension_semantics = [#tpu.dimension_semantics<arbitrary>], iteration_bounds = array<i64: 4>, scalar_prefetch = 0 : i64, scratch_operands = 0 : i64, tpu.core_type = #tpu.core_type<tc>, window_params = [{transform_indices = @transform_0, window_bounds = array<i64: 1024, 128>}, {transform_indices = @transform_1, window_bounds = array<i64: 1024, 128>}, {transform_indices = @transform_2, window_bounds = array<i64: 1024, 128>}, {pipeline_mode = #tpu.pipeline_mode<synchronous>, transform_indices = @transform_3, window_bounds = array<i64: 128, 256>}, {pipeline_mode = #tpu.pipeline_mode<synchronous>, transform_indices = @transform_4, window_bounds = array<i64: 128, 256>}, {pipeline_mode = #tpu.pipeline_mode<synchronous>, transform_indices = @transform_5, window_bounds = array<i64: 128, 256>}, {pipeline_mode = #tpu.pipeline_mode<synchronous>, transform_indices = @transform_6, window_bounds = array<i64: 1, 256>}, {transform_indices = @transform_7, window_bounds = array<i64: 1024, 256>}]} {
    %get3A = arith.constant 0 : index
    %get3A_0 = arith.constant 0 : index
    %get3A_1 = vector.load %arg1[%get3A, %get3A_0] : memref<1024x128xf32, #tpu.memory_space<vmem>>, vector<1024x128xf32>
    %get3A_2 = arith.constant 0 : index
    %get3A_3 = arith.constant 0 : index
    %get3A_4 = vector.load %arg4[%get3A_2, %get3A_3] : memref<128x256xf32, #tpu.memory_space<vmem>>, vector<128x256xf32>
    %dot_general3A = arith.constant dense<0.000000e+00> : vector<1024x256xf32>
    %dot_general3A_5 = tpu.matmul %get3A_1, %get3A_4, %dot_general3A {dimension_numbers = #tpu.dot_dimension_numbers<[1], [0], [0], [1], [0, 0, 1, 1], [], []>, transpose_lhs_hint = false} : vector<1024x128xf32>, vector<128x256xf32>, vector<1024x256xf32> -> vector<1024x256xf32>
    %get3A_6 = arith.constant 0 : index
    %get3A_7 = arith.constant 0 : index
    %get3A_8 = vector.load %arg2[%get3A_6, %get3A_7] : memref<1024x128xf32, #tpu.memory_space<vmem>>, vector<1024x128xf32>
    %get3A_9 = arith.constant 0 : index
    %get3A_10 = arith.constant 0 : index
    %get3A_11 = vector.load %arg5[%get3A_9, %get3A_10] : memref<128x256xf32, #tpu.memory_space<vmem>>, vector<128x256xf32>
    %dot_general3A_12 = arith.constant dense<0.000000e+00> : vector<1024x256xf32>
    %dot_general3A_13 = tpu.matmul %get3A_8, %get3A_11, %dot_general3A_12 {dimension_numbers = #tpu.dot_dimension_numbers<[1], [0], [0], [1], [0, 0, 1, 1], [], []>, transpose_lhs_hint = false} : vector<1024x128xf32>, vector<128x256xf32>, vector<1024x256xf32> -> vector<1024x256xf32>
    %add3A = arith.addf %dot_general3A_5, %dot_general3A_13 : vector<1024x256xf32>
    %get3A_14 = arith.constant 0 : index
    %get3A_15 = arith.constant 0 : index
    %get3A_16 = vector.load %arg3[%get3A_14, %get3A_15] : memref<1024x128xf32, #tpu.memory_space<vmem>>, vector<1024x128xf32>
    %get3A_17 = arith.constant 0 : index
    %get3A_18 = arith.constant 0 : index
    %get3A_19 = vector.load %arg6[%get3A_17, %get3A_18] : memref<128x256xf32, #tpu.memory_space<vmem>>, vector<128x256xf32>
    %dot_general3A_20 = arith.constant dense<0.000000e+00> : vector<1024x256xf32>
    %dot_general3A_21 = tpu.matmul %get3A_16, %get3A_19, %dot_general3A_20 {dimension_numbers = #tpu.dot_dimension_numbers<[1], [0], [0], [1], [0, 0, 1, 1], [], []>, transpose_lhs_hint = false} : vector<1024x128xf32>, vector<128x256xf32>, vector<1024x256xf32> -> vector<1024x256xf32>
    %add3A_22 = arith.addf %add3A, %dot_general3A_21 : vector<1024x256xf32>
    %get3A_23 = arith.constant 0 : index
    %get3A_24 = arith.constant 0 : index
    %get3A_25 = vector.load %arg7[%get3A_23, %get3A_24] : memref<1x256xf32, #tpu.memory_space<vmem>>, vector<1x256xf32>
    %add3A_26 = vector.broadcast %get3A_25 : vector<1x256xf32> to vector<1024x256xf32>
    %add3A_27 = arith.addf %add3A_22, %add3A_26 : vector<1024x256xf32>
    %max3A = arith.constant 0.000000e+00 : f32
    %max3A_28 = vector.broadcast %max3A : f32 to vector<1024x256xf32>
    %max3A_29 = arith.maximumf %add3A_27, %max3A_28 : vector<1024x256xf32>
    %swap3A = arith.constant 0 : index
    %swap3A_30 = arith.constant 0 : index
    %swap3A_31 = vector.load %arg8[%swap3A, %swap3A_30] : memref<1024x256xf32, #tpu.memory_space<vmem>>, vector<1024x256xf32>
    tpu.vector_store %arg8[%swap3A, %swap3A_30], %max3A_29 {strides = array<i32>} : memref<1024x256xf32, #tpu.memory_space<vmem>>, vector<1024x256xf32>,
    return
  }
  func.func @transform_0(%arg0: i32) -> (i32, i32) {
    %c0_i32 = arith.constant 0 : i32
    %c0_i32_0 = arith.constant 0 : i32
    return %arg0, %c0_i32 : i32, i32
  }
  func.func @transform_1(%arg0: i32) -> (i32, i32) {
    %c0_i32 = arith.constant 0 : i32
    %c0_i32_0 = arith.constant 0 : i32
    return %arg0, %c0_i32 : i32, i32
  }
  func.func @transform_2(%arg0: i32) -> (i32, i32) {
    %c0_i32 = arith.constant 0 : i32
    %c0_i32_0 = arith.constant 0 : i32
    return %arg0, %c0_i32 : i32, i32
  }
  func.func @transform_3(%arg0: i32) -> (i32, i32) {
    %c0_i32 = arith.constant 0 : i32
    %c0_i32_0 = arith.constant 0 : i32
    %c0_i32_1 = arith.constant 0 : i32
    return %c0_i32, %c0_i32_0 : i32, i32
  }
  func.func @transform_4(%arg0: i32) -> (i32, i32) {
    %c0_i32 = arith.constant 0 : i32
    %c0_i32_0 = arith.constant 0 : i32
    %c0_i32_1 = arith.constant 0 : i32
    return %c0_i32, %c0_i32_0 : i32, i32
  }
  func.func @transform_5(%arg0: i32) -> (i32, i32) {
    %c0_i32 = arith.constant 0 : i32
    %c0_i32_0 = arith.constant 0 : i32
    %c0_i32_1 = arith.constant 0 : i32
    return %c0_i32, %c0_i32_0 : i32, i32
  }
  func.func @transform_6(%arg0: i32) -> (i32, i32) {
    %c0_i32 = arith.constant 0 : i32
    %c0_i32_0 = arith.constant 0 : i32
    %c0_i32_1 = arith.constant 0 : i32
    return %c0_i32, %c0_i32_0 : i32, i32
  }
  func.func @transform_7(%arg0: i32) -> (i32, i32) {
    %c0_i32 = arith.constant 0 : i32
    %c0_i32_0 = arith.constant 0 : i32
    return %arg0, %c0_i32 : i32, i32
  }
}

</mosaic_0001>

<sc_bundles>
// kernel: kernel.5.cloned.1.call-start
scs
__scs_entry_jumppad:
0x0: {  	(pc) =	sbr.rel $0x88, $3  }
0x1: {  	(tag) =	ssettag $0x0;
	lr =	simm.s32 $0x1  }
0x2: {  	[smem:$0x3F99] =	sst lr;
	_ =	strace $0xD0000000  }
0x3: {  	_ = 	snop  }
0x4: {  	_ = 	snop  }
0x5: {  	_ = 	snop  }
0x6: {  	_ = 	snop  }
0x7: {  	_ = 	snop  }
__scs_overlays_trampoline_lowered:
0x8: {  	[smem:$0x3FA8] =	sst s0  }
0x9: {  	[smem:$0x3FA9] =	sst s1  }
0xa: {  	[smem:$0x3FAA] =	sst s2  }
0xb: {  	[smem:$0x3FAB] =	sst s3  }
0xc: {  	[smem:$0x3FAC] =	sst s4  }
0xd: {  	[smem:$0x3FAD] =	sst s5  }
0xe: {  	[smem:$0x3FAE] =	sst s6  }
0xf: {  	[smem:$0x3FAF] =	sst s7  }
0x10: {  	[smem:$0x3FB0] =	sst s8  }
0x11: {  	[smem:$0x3FB1] =	sst s9;
	s0 =	simm.s32 @!p0 $0x0  }
0x12: {  	s1 =	sld [smem:$0x3F97];
	s0 =	simm.s32 @p0 $0x1  }
0x13: {  	[smem:$0x3FB2] =	sst s0;
	s0 =	simm.s32 @!p1 $0x0  }
0x14: {  	s2 =	sld [smem:$0x3F96];
	s0 =	simm.s32 @p1 $0x1  }
0x15: {  	[smem:$0x3FB3] =	sst s0;
	s0 =	simm.s32 @!p2 $0x0  }
0x16: {  	s3 =	sld [smem:$0x3FDB];
	s0 =	simm.s32 @p2 $0x1  }
0x17: {  	s4 =	simm.s32 $0x1BF5;
	[smem:$0x3FB5] =	sst s0  }
0x18: {  	s0 =	sld [smem:$0x3F98];
	_ =	swait.ge [sflag:s4], $0x0  }
0x19: {  	s7 =	sld [smem:$0x3F99]  }
0x1a: {  	s8 =	sadd.s32 $0xFFFFE003, lr  }
0x1b: {  	s9 =	sadd.s32 $0xFFFFFEF7, lr;
	s5 =	simm.s32 $0xFFFFFFFF;
	p2 =	slt.u32 s8, $0xFFFFF086  }
0x1c: {  	p1 =	slt.u32 s9, $0xF7A;
	s5 =	simm.s32 @!p2 $0x0  }
0x1d: {  	s5 =	simm.s32 @p1 $0x1;
	p0 =	seq.s32 s7, s2  }
0x1e: {  	s7 =	smul.u32 @!p0 $0xF7A, s2;
	p2 =	seq.s32 @!p0 s5, $0x0  }
0x1f: {  	s9 =	smul.u32 $0xF7A, s1;
	s8 =	simm.s32 @!p0 $0x1BF5;
	p2 =	por !p2, p0  }
0x20: {  	[sflag:s8] =	ssyncset.s32 @!p0 $0xFFFFF086;
	s6 =	sadd.s32 @!p0 s3, s7;
	s7 =	simm.s32 @!p0 $0x108  }
0x21: {  	s3 =	sadd.s32 s3, s9;
	s6 =	sadd.s32 @!p0 $0x88, s6;
	s7 =	simm.s32 @p2 $0x1082  }
0x22: {  	[simem:s7], [sflag:s8] =	dma.local @!p0 [hbm:s6], $0xF7A  }
0x23: {  	s9 =	sor.u32 $0xD0000000, s2;
	s6 =	simm.s32 $0x108;
	_ =	swait.ge @!p0 [sflag:s8], $0x0  }
0x24: {  	s3 =	sadd.s32 $0x88, s3;
	s6 =	simm.s32 @!p1 $0x1082;
	[sflag:s4] =	ssyncset.s32 $0xFFFFF086  }
0x25: {  	[simem:s6], [sflag:s4] =	dma.local [hbm:s3], $0xF7A  }
0x26: {  	[smem:$0x3F99] =	sst s1;
	(tag) =	ssettag s2;
	_ =	strace s9  }
0x27: {  	s1 =	sld [smem:$0x3FA9]  }
0x28: {  	s2 =	sld [smem:$0x3FAA]  }
0x29: {  	s4 =	sld [smem:$0x3FAC]  }
0x2a: {  	p0 =	seq.s32 s5, $0x0;
	s5 =	sld [smem:$0x3FAD]  }
0x2b: {  	s6 =	sld [smem:$0x3FAE]  }
0x2c: {  	s7 =	sld [smem:$0x3FAF]  }
0x2d: {  	s3 =	simm.s32 $0x108;
	s8 =	sld [smem:$0x3FB0]  }
0x2e: {  	s3 =	simm.s32 @!p0 $0x1082;
	s9 =	sld [smem:$0x3FB1]  }
0x2f: {  	lr =	sadd.s32 s0, s3;
	s0 =	sld [smem:$0x3FA8]  }
0x30: {  	s3 =	sld [smem:$0x3FAB]  }
0x31: {  	[smem:$0x3FB4] =	sst s10  }
0x32: {  	s10 =	sld [smem:$0x3FB2];
	_ =	sdelay $0x3  }
0x33: {  	p0 =	seq.s32 s10, $0x1;
	s10 =	sld [smem:$0x3FB4];
	_ =	sdelay $0x3  }
0x34: {  	[smem:$0x3FB4] =	sst s10  }
0x35: {  	s10 =	sld [smem:$0x3FB3];
	_ =	sdelay $0x3  }
0x36: {  	p1 =	seq.s32 s10, $0x1;
	s10 =	sld [smem:$0x3FB4];
	_ =	sdelay $0x3  }
0x37: {  	[smem:$0x3FB4] =	sst s10  }
0x38: {  	s10 =	sld [smem:$0x3FB5]  }
0x39: {  	_ = 	snop;
	(pc) =	sbr.ind lr, $3  }
0x3a: {  	_ = 	snop  }
0x3b: {  	_ = 	snop  }
0x3c: {  	p2 =	seq.s32 s10, $0x1;
	s10 =	sld [smem:$0x3FB4]  }
0x3d: {  	_ =	shalt  }
0x3e: {  	_ =	shalt  }
0x3f: {  	_ =	shalt  }
0x40: {  	_ =	shalt  }
0x41: {  	_ =	shalt  }
0x42: {  	_ =	shalt  }
0x43: {  	_ =	shalt  }
0x44: {  	_ =	shalt  }
0x45: {  	_ =	shalt  }
0x46: {  	_ =	shalt  }
0x47: {  	_ =	shalt  }
0x48: {  	_ =	shalt  }
0x49: {  	_ =	shalt  }
0x4a: {  	_ =	shalt  }
0x4b: {  	_ =	shalt  }
0x4c: {  	_ =	shalt  }
0x4d: {  	_ =	shalt  }
0x4e: {  	_ =	shalt  }
0x4f: {  	_ =	shalt  }
0x50: {  	_ =	shalt  }
0x51: {  	_ =	shalt  }
0x52: {  	_ =	shalt  }
0x53: {  	_ =	shalt  }
0x54: {  	_ =	shalt  }
0x55: {  	_ =	shalt  }
0x56: {  	_ =	shalt  }
0x57: {  	_ =	shalt  }
0x58: {  	_ =	shalt  }
0x59: {  	_ =	shalt  }
0x5a: {  	_ =	shalt  }
0x5b: {  	_ =	shalt  }
0x5c: {  	_ =	shalt  }
0x5d: {  	_ =	shalt  }
0x5e: {  	_ =	shalt  }
0x5f: {  	_ =	shalt  }
0x60: {  	_ =	shalt  }
0x61: {  	_ =	shalt  }
0x62: {  	_ =	shalt  }
0x63: {  	_ =	shalt  }
0x64: {  	_ =	shalt  }
0x65: {  	_ =	shalt  }
0x66: {  	_ =	shalt  }
0x67: {  	_ =	shalt  }
0x68: {  	_ =	shalt  }
0x69: {  	_ =	shalt  }
0x6a: {  	_ =	shalt  }
0x6b: {  	_ =	shalt  }
0x6c: {  	_ =	shalt  }
0x6d: {  	_ =	shalt  }
0x6e: {  	_ =	shalt  }
0x6f: {  	_ =	shalt  }
0x70: {  	_ =	shalt  }
0x71: {  	_ =	shalt  }
0x72: {  	_ =	shalt  }
0x73: {  	_ =	shalt  }
0x74: {  	_ =	shalt  }
0x75: {  	_ =	shalt  }
0x76: {  	_ =	shalt  }
0x77: {  	_ =	shalt  }
0x78: {  	_ =	shalt  }
0x79: {  	_ =	shalt  }
0x7a: {  	_ =	shalt  }
0x7b: {  	_ =	shalt  }
0x7c: {  	_ =	shalt  }
0x7d: {  	_ =	shalt  }
0x7e: {  	_ =	shalt  }
0x7f: {  	_ =	shalt  }
0x80: {  	_ =	shalt  }
0x81: {  	_ =	shalt  }
0x82: {  	_ =	shalt  }
0x83: {  	_ =	shalt  }
0x84: {  	_ =	shalt  }
0x85: {  	_ =	shalt  }
0x86: {  	_ =	shalt  }
0x87: {  	_ =	shalt  }
.Lfunc_end0:
.L_simem_size_0:
called_computation_lowered:
.L_overlay_start_0:
0x88: {  	s2 =	sld [smem:$0x3FD9]  }
0x89: {  	s3 =	sld [smem:$0x3FFE];
	_ =	sdelay $0x1  }
0x8a: {  	s1 =	srdreg.scid  }
0x8b: {  	s0 =	sand.u32 $0x1, s1  }
0x8c: {  	s17 =	sshll.u32 s0, $0xA;
	s2 =	sadd.s32 s3, s2  }
0x8d: {  	s2 =	sadd.s32 s2, s17  }
0x8e: {  	[smem:$0x3FC0] =	sst s2  }
0x8f: {  	_ = 	snop  }
0x90: {  	s2 =	sld [smem:$0x3FC8]  }
0x91: {  	s18 =	sld [smem:$0x3FD0];
	(tm) =	ssettm $0x1  }
0x92: {  	s4 =	sld [smem:$0x3FFB];
	_ =	sdelay $0x3  }
0x93: {  	_ =	strace s4  }
0x94: {  	s4 =	sld [smem:$0x3FFC];
	_ =	sdelay $0x3  }
0x95: {  	_ =	strace s4  }
0x96: {  	s4 =	sld [smem:$0x3FFD];
	_ =	sdelay $0x3  }
0x97: {  	_ =	strace s4  }
0x98: {  	_ =	strace $0x8FFFFFFF  }
0x99: {  	s19 =	sld [smem:$0x3FDB];
	_ =	sdelay $0x1  }
0x9a: {  	s5 =	simm.s32 $_scs_section_size  }
0x9b: {  	s6 =	simm.s32 $_size__tile_overlayer_lowered;
	s7 =	simm.s32 $_tile_overlayer_lowered  }
0x9c: {  	s22 =	simm.s32 $0x1BFF;
	s21 =	sshll.u32 s7, $0x1;
	s4 =	sadd.s32 s5, s19  }
0x9d: {  	s8 =	simm.s32 $0x0;
	s20 =	sshll.u32 s6, $0x1;
	s6 =	sadd.s32 s21, s4  }
0x9e: {  	[timem:s8], [sflag:s22] =	dma.local [hbm:s6], s20  }
0x9f: {  	_ =	swait.ge [sflag:s22], s20  }
0xa0: {  	s5 =	ssub.s32 $0x0, s20;
	[sflag:s22] =	ssyncset.done $0x0  }
0xa1: {  	[sflag:s22] =	ssyncadd.s32 s5;
	_ =	sdelay $0x1  }
0xa2: {  	s23 =	simm.s32 $0x1B8B  }
0xa3: {  	_ =	swait.ge [sflag:s23], $0x1  }
0xa4: {  	[sflag:s23] =	ssyncset.done $0x0  }
0xa5: {  	s25 =	simm.s32 $0x1B8E;
	s24 =	sld [smem:$0x3FFE];
	[sflag:s23] =	ssyncadd.s32 $0xFFFFFFFF  }
0xa6: {  	s26 =	simm.s32 $execute0_lowered;
	[smem:$0x3FD2] =	sst s25  }
0xa7: {  	s6 =	sshll.u32 s26, $0x1;
	_ =	strace $0x80000046;
	[dreg:$0x1] =	wrdreg $0xFFFFFFFF  }
0xa8: {  	s28 =	simm.s32 $_size_execute0_lowered;
	s4 =	sadd.s32 s4, s6;
	[dreg:$0x0] =	wrdreg $0x0  }
0xa9: {  	s6 =	sshll.u32 s28, $0x1;
	[dreg:$0x2] =	wrdreg s4  }
0xaa: {  	[dreg:$0x3] =	wrdreg s6  }
0xab: {  	[dreg:$0x4] =	wrdreg $0xC0  }
0xac: {  	_ =	task [dreg:s8], $0x5FFFF  }
0xad: {  	[dreg:$0x1] =	wrdreg $0xFFFFFFFF  }
0xae: {  	[dreg:$0x0] =	wrdreg $0x60  }
0xaf: {  	[dreg:$0x2] =	wrdreg s2  }
0xb0: {  	[dreg:$0x3] =	wrdreg s18  }
0xb1: {  	[dreg:$0x4] =	wrdreg s24  }
0xb2: {  	[dreg:$0x5] =	wrdreg $0x9  }
0xb3: {  	_ =	task.clear_ibuf [dreg:s8], $0x6FFFF;
	_ =	strace $0x90000046  }
0xb4: {  	s29 =	simm.s32 $0x9;
	_ =	strace $0x80000048  }
0xb5: {  	_ =	swait.ge [sflag:s29], $0x1  }
0xb6: {  	[sflag:s29] =	ssyncadd.s32 $0xFFFFFFFF  }
0xb7: {  	_ =	strace $0x90000048  }
0xb8: {  	_ =	sfence  }
0xb9: {  	s30 =	sld [smem:$0x0];
	_ =	sdelay $0x2  }
0xba: {  	s31 =	sshll.u32 s1, $0xD;
	s1 =	sshrl.u32 s1, $0x2  }
0xbb: {  	s3 =	sand.u32 $0x4000, s31;
	s1 =	sadd.s32 s1, s30  }
0xbc: {  	s0 =	sor.u32 s3, s0;
	s1 =	sshll.u32 s1, $0x11  }
0xbd: {  	s0 =	sor.u32 s1, s0  }
0xbe: {  	s0 =	sadd.s32 $0x8F2B, s0  }
0xbf: {  	[sflag:s0] =	ssyncadd.remote.s32 $0x1  }
0xc0: {  	_ =	sfence.sel $0xFFFF  }
0xc1: {  	[dreg:$0x0] =	wrdreg $0xFFFFFFFF;
	(pc) =	sbr.abs _section_cstart, $3  }
0xc2: {  	[dreg:$0x1] =	wrdreg $0xFFFFFFFF  }
0xc3: {  	_ =	task.clear_ibuf [dreg:s8], $0x2FFFF;
	_ =	strace $0x9FFFFFFF  }
0xc4: {  	(tm) =	ssettm $0x7FFFFFFF  }
0xc5: {  	_ =	shalt  }
tec
execute0_lowered:
.L_overlay_start_1:
0x0: {  	(tag) =	ssettag $0x1  }
0x1: {  	s5 =	rddreg [dreg:$0x0]  }
0x2: {  	s6 =	rddreg [dreg:$0x1]  }
0x3: {  	s7 =	rddreg [dreg:$0x2]  }
0x4: {  	s0 =	rddreg [dreg:$0x3];
	s2 =	simm.s32 $0x0;
	s4 =	srdreg.scid  }
0x5: {  	s1 =	stileid.u32;
	s12 =	simm.s32 $0x200;
	s13 =	simm.s32 $0x6600  }
0x6: {  	s14 =	simm.s32 $0xA600;
	s15 =	simm.s32 $0x1;
	s16 =	simm.s32 $0x2  }
0x7: {  	s17 =	simm.s32 $0x0;
	[smem:$0x7FF] =	sst s2;
	s3 =	sadd.s32 $0x1E00, s7  }
0x8: {  	s8 =	sand.u32 $0x1, s4;
	s9 =	sshll.u32 s1, $0x1;
	s4 =	sadd.s32 $0x188800, s7  }
0x9: {  	_ =	strace $0x80000047;
	s9 =	sor.u32 s8, s9;
	s8 =	ssub.s32 $0x2, s8  }
0xa: {  	s10 =	sshll.u32 s9, $0xB;
	s11 =	sshrl.u32 s8, $0x1;
	s9 =	sshll.u32 s9, $0x6  }
0xb: {  	s10 =	sadd.s32 s10, s7;
	s11 =	ssub.s32 s8, s11;
	s5 =	sadd.s32 s5, s9  }
0xc: {  	s6 =	sadd.s32 s6, s9;
	s7 =	sadd.s32 $0x2E00, s10;
	s8 =	sadd.s32 $0x12E00, s10  }
0xd: {  	v0 =	vimm.f32 $0.0e+00;
	s9 =	smax.u32 s11, $0x1;
	s10 =	simm.s32 $0x3;
	s11 =	simm.s32 $0x4000  }
.LBB2_1:
0xe: {  	[tilespmem:s2], [sflag:$0x3] =	stream.linear.gather [hbm4b:s5+s2], $0x200, $0x38;
	[tilespmem:$0xE600] =	vst v63  }
0xf: {  	_ =	swait.ge [sflag:s10], $0x200  }
0x10: {  	[sflag:s10] =	ssyncset.done $0x0  }
0x11: {  	[sflag:s10] =	ssyncadd.s32 $0xFFFFFE00  }
0x12: {  	[tilespmem:s12], [sflag:$0x3] =	stream.strided.gather [hbm4b:s6+s12], $0x6400, s11, s12, $0x38;
	[tilespmem:$0xE600] =	vst v63  }
0x13: {  	_ =	swait.ge [sflag:s10], $0x6400  }
0x14: {  	[sflag:s10] =	ssyncset.done $0x0  }
0x15: {  	s18 =	simm.s32 $0xA680;
	[sflag:s10] =	ssyncadd.s32 $0xFFFF9C00  }
0x16: {  	[tilespmem:s13], [sflag:$0x2] =	stream.indirect.gather [hbm4b:s3+s12], $0x20, s2, s12, $0xb8;
	[tilespmem:$0xE600] =	vst v63  }
0x17: {  	[tilespmem:s18+$0xFFFFFF80] =	vst v0  }
0x18: {  	[tilespmem:s18+$0x70] =	vst v0  }
0x19: {  	[tilespmem:s18+$0x60] =	vst v0  }
0x1a: {  	[tilespmem:s18+$0x50] =	vst v0  }
0x1b: {  	[tilespmem:s18+$0x40] =	vst v0  }
0x1c: {  	[tilespmem:s18+$0x30] =	vst v0  }
0x1d: {  	[tilespmem:s18+$0x20] =	vst v0  }
0x1e: {  	[tilespmem:s18+$0x10] =	vst v0  }
0x1f: {  	[tilespmem:s18+$0x0] =	vst v0  }
0x20: {  	[tilespmem:s18+$0xFFFFFFF0] =	vst v0  }
0x21: {  	[tilespmem:s18+$0xFFFFFFE0] =	vst v0  }
0x22: {  	[tilespmem:s18+$0xFFFFFFD0] =	vst v0  }
0x23: {  	[tilespmem:s18+$0xFFFFFFC0] =	vst v0  }
0x24: {  	[tilespmem:s18+$0xFFFFFFB0] =	vst v0  }
0x25: {  	s19 =	simm.s32 $0x0;
	[tilespmem:s18+$0xFFFFFFA0] =	vst v0  }
.LBB2_2:
0x26: {  	s19 =	sadd.s32 $0x8, s19;
	[tilespmem:s18+$0xFFFFFF90] =	vst v0;
	s18 =	sadd.s32 $0x100, s18  }
0x27: {  	[tilespmem:s18+$0xFFFFFF80] =	vst v0;
	p0 =	slt.u32 s19, $0x1F8  }
0x28: {  	[tilespmem:s18+$0x70] =	vst v0  }
0x29: {  	[tilespmem:s18+$0x60] =	vst v0  }
0x2a: {  	[tilespmem:s18+$0x50] =	vst v0  }
0x2b: {  	[tilespmem:s18+$0x40] =	vst v0  }
0x2c: {  	[tilespmem:s18+$0x30] =	vst v0  }
0x2d: {  	[tilespmem:s18+$0x20] =	vst v0  }
0x2e: {  	[tilespmem:s18+$0x10] =	vst v0  }
0x2f: {  	[tilespmem:s18+$0x0] =	vst v0  }
0x30: {  	[tilespmem:s18+$0xFFFFFFF0] =	vst v0  }
.Ltmp0:
0x31: {  	[tilespmem:s18+$0xFFFFFFE0] =	vst v0;
	(pc) =	sbr.rel @p0 .LBB2_2-.Ltmp0, $4  }
0x32: {  	[tilespmem:s18+$0xFFFFFFD0] =	vst v0  }
0x33: {  	[tilespmem:s18+$0xFFFFFFC0] =	vst v0  }
0x34: {  	[tilespmem:s18+$0xFFFFFFB0] =	vst v0  }
0x35: {  	[tilespmem:s18+$0xFFFFFFA0] =	vst v0  }
0x36: {  	[tilespmem:s18+$0xFFFFFF90] =	vst v0;
	s18 =	simm.s32 $0x0  }
.LBB2_4:
0x37: {  	p0 =	sne.s32 s18, $0x18800  }
.Ltmp1:
0x38: {  	_ = 	snop;
	(pc) =	sbr.rel @p0 .LBB2_4-.Ltmp1, $4  }
0x39: {  	_ = 	snop  }
0x3a: {  	s19 =	sshra.s32 s18, $0x2  }
0x3b: {  	s18 =	sadd.s32 $0x800, s18;
	s19 =	sadd.s32 $0x200, s19  }
0x3c: {  	[tilespmem:s14], [sflag:$0x1] =	stream.indirect.gather.add.f32 [hbm:s4], $0x20, s19, s12, $0xb8;
	[tilespmem:$0xE600] =	vst v63  }
0x3d: {  	_ =	swait.ge [sflag:s15], $0x4000  }
0x3e: {  	s18 =	simm.s32 $0x31;
	[sflag:s15] =	ssyncset.done $0x0  }
.LBB2_6:
0x3f: {  	p0 =	sne.s32 s18, $0x1;
	s18 =	sadd.s32 $0xFFFFFFFF, s18;
	[sflag:s15] =	ssyncadd.s32 $0xFFFFC000  }
.Ltmp2:
0x40: {  	(pc) =	sbr.rel @p0 .LBB2_6-.Ltmp2, $3  }
0x41: {  	_ =	sdelay $0x1  }
0x42: {  	_ =	swait.ge [sflag:s15], $0x4000  }
0x43: {  	[sflag:s15] =	ssyncset.done $0x0  }
0x44: {  	[sflag:s15] =	ssyncadd.s32 $0xFFFFC000  }
0x45: {  	_ =	swait.ge [sflag:s16], $0x4000  }
0x46: {  	[sflag:s16] =	ssyncset.done $0x0  }
0x47: {  	[sflag:s16] =	ssyncadd.s32 $0xFFFFC000  }
0x48: {  	[hbm4b:s7+s2] =	stream.linear.scatter [tilespmem:s13], [sflag:$0x2], $0x4000, $0x38;
	[tilespmem:$0xE600] =	vst v63  }
0x49: {  	s17 =	sadd.s32 $0x1, s17  }
0x4a: {  	[hbm4b:s8+s2] =	stream.linear.scatter [tilespmem:s14], [sflag:$0x1], $0x4000, $0x38;
	[tilespmem:$0xE600] =	vst v63  }
0x4b: {  	p0 =	sne.s32 s17, s9;
	_ =	swait.ge [sflag:s16], $0x4000  }
.Ltmp3:
0x4c: {  	[sflag:s16] =	ssyncset.done $0x0;
	(pc) =	sbr.rel @p0 .LBB2_1-.Ltmp3, $4  }
0x4d: {  	[sflag:s16] =	ssyncadd.s32 $0xFFFFC000  }
0x4e: {  	_ =	swait.ge [sflag:s15], $0x4000  }
0x4f: {  	[sflag:s15] =	ssyncset.done $0x0  }
0x50: {  	[sflag:s15] =	ssyncadd.s32 $0xFFFFC000  }
0x51: {  	_ =	sfence.sel $0x180000  }
0x52: {  	[bflag:$0x0] =	sbarrier.arrive $0xFFFF  }
0x53: {  	p0 =	sne.s32 s1, $0x0;
	_ =	strace $0x90000047  }
0x54: {  	s0 =	sadd.s32 @!p0 $0x100000, s0;
	[bflag:$0x2] =	sbarrier.arrive $0xFFFF  }
0x55: {  	[sflag:s0] =	ssyncadd.tile.s32 @!p0 $0x1;
	_ =	shalt  }
.Lfunc_end2:
_tile_overlayer_lowered:
.L_overlay_start_2:
0x56: {  	(tag) =	ssettag $0x2  }
0x57: {  	s0 =	rddreg [dreg:$0x0];
	s2 =	stileid.u32  }
0x58: {  	s1 =	rddreg [dreg:$0x1];
	p0 =	sne.s32 s2, $0x0  }
0x59: {  	s3 =	rddreg [dreg:$0x2];
	[bflag:$0x3] =	sbarrier.arrive $0xFFFF;
	s2 =	simm.s32 @!p0 $0x1C03  }
0x5a: {  	[timem:s3], [sflag:s2] =	dma.local @!p0 [hbm:s0], s1  }
0x5b: {  	s0 =	simm.s32 @!p0 $0x3  }
0x5c: {  	_ =	swait.ge @!p0 [sflag:s0], s1  }
0x5d: {  	s1 =	ssub.s32 @!p0 $0x0, s1;
	[sflag:s0] =	ssyncset.done @!p0 $0x0  }
0x5e: {  	[sflag:s0] =	ssyncadd.s32 @!p0 s1  }
0x5f: {  	[bflag:$0x3] =	sbarrier.arrive $0xFFFF  }
0x60: {  	_ =	shalt  }

// kernel: kernel.8.cloned.1.call-start
scs
__scs_entry_jumppad:
0x0: {  	(pc) =	sbr.rel $0x88, $3  }
0x1: {  	(tag) =	ssettag $0x0;
	lr =	simm.s32 $0x1  }
0x2: {  	[smem:$0x3F99] =	sst lr;
	_ =	strace $0xD0000000  }
0x3: {  	_ = 	snop  }
0x4: {  	_ = 	snop  }
0x5: {  	_ = 	snop  }
0x6: {  	_ = 	snop  }
0x7: {  	_ = 	snop  }
__scs_overlays_trampoline_lowered:
0x8: {  	[smem:$0x3FA8] =	sst s0  }
0x9: {  	[smem:$0x3FA9] =	sst s1  }
0xa: {  	[smem:$0x3FAA] =	sst s2  }
0xb: {  	[smem:$0x3FAB] =	sst s3  }
0xc: {  	[smem:$0x3FAC] =	sst s4  }
0xd: {  	[smem:$0x3FAD] =	sst s5  }
0xe: {  	[smem:$0x3FAE] =	sst s6  }
0xf: {  	[smem:$0x3FAF] =	sst s7  }
0x10: {  	[smem:$0x3FB0] =	sst s8  }
0x11: {  	[smem:$0x3FB1] =	sst s9;
	s0 =	simm.s32 @!p0 $0x0  }
0x12: {  	s1 =	sld [smem:$0x3F97];
	s0 =	simm.s32 @p0 $0x1  }
0x13: {  	[smem:$0x3FB2] =	sst s0;
	s0 =	simm.s32 @!p1 $0x0  }
0x14: {  	s2 =	sld [smem:$0x3F96];
	s0 =	simm.s32 @p1 $0x1  }
0x15: {  	[smem:$0x3FB3] =	sst s0;
	s0 =	simm.s32 @!p2 $0x0  }
0x16: {  	s3 =	sld [smem:$0x3FDB];
	s0 =	simm.s32 @p2 $0x1  }
0x17: {  	s4 =	simm.s32 $0x1BF5;
	[smem:$0x3FB5] =	sst s0  }
0x18: {  	s0 =	sld [smem:$0x3F98];
	_ =	swait.ge [sflag:s4], $0x0  }
0x19: {  	s7 =	sld [smem:$0x3F99]  }
0x1a: {  	s8 =	sadd.s32 $0xFFFFE003, lr  }
0x1b: {  	s9 =	sadd.s32 $0xFFFFFEF7, lr;
	s5 =	simm.s32 $0xFFFFFFFF;
	p2 =	slt.u32 s8, $0xFFFFF086  }
0x1c: {  	p1 =	slt.u32 s9, $0xF7A;
	s5 =	simm.s32 @!p2 $0x0  }
0x1d: {  	s5 =	simm.s32 @p1 $0x1;
	p0 =	seq.s32 s7, s2  }
0x1e: {  	s7 =	smul.u32 @!p0 $0xF7A, s2;
	p2 =	seq.s32 @!p0 s5, $0x0  }
0x1f: {  	s9 =	smul.u32 $0xF7A, s1;
	s8 =	simm.s32 @!p0 $0x1BF5;
	p2 =	por !p2, p0  }
0x20: {  	[sflag:s8] =	ssyncset.s32 @!p0 $0xFFFFF086;
	s6 =	sadd.s32 @!p0 s3, s7;
	s7 =	simm.s32 @!p0 $0x108  }
0x21: {  	s3 =	sadd.s32 s3, s9;
	s6 =	sadd.s32 @!p0 $0x88, s6;
	s7 =	simm.s32 @p2 $0x1082  }
0x22: {  	[simem:s7], [sflag:s8] =	dma.local @!p0 [hbm:s6], $0xF7A  }
0x23: {  	s9 =	sor.u32 $0xD0000000, s2;
	s6 =	simm.s32 $0x108;
	_ =	swait.ge @!p0 [sflag:s8], $0x0  }
0x24: {  	s3 =	sadd.s32 $0x88, s3;
	s6 =	simm.s32 @!p1 $0x1082;
	[sflag:s4] =	ssyncset.s32 $0xFFFFF086  }
0x25: {  	[simem:s6], [sflag:s4] =	dma.local [hbm:s3], $0xF7A  }
0x26: {  	[smem:$0x3F99] =	sst s1;
	(tag) =	ssettag s2;
	_ =	strace s9  }
0x27: {  	s1 =	sld [smem:$0x3FA9]  }
0x28: {  	s2 =	sld [smem:$0x3FAA]  }
0x29: {  	s4 =	sld [smem:$0x3FAC]  }
0x2a: {  	p0 =	seq.s32 s5, $0x0;
	s5 =	sld [smem:$0x3FAD]  }
0x2b: {  	s6 =	sld [smem:$0x3FAE]  }
0x2c: {  	s7 =	sld [smem:$0x3FAF]  }
0x2d: {  	s3 =	simm.s32 $0x108;
	s8 =	sld [smem:$0x3FB0]  }
0x2e: {  	s3 =	simm.s32 @!p0 $0x1082;
	s9 =	sld [smem:$0x3FB1]  }
0x2f: {  	lr =	sadd.s32 s0, s3;
	s0 =	sld [smem:$0x3FA8]  }
0x30: {  	s3 =	sld [smem:$0x3FAB]  }
0x31: {  	[smem:$0x3FB4] =	sst s10  }
0x32: {  	s10 =	sld [smem:$0x3FB2];
	_ =	sdelay $0x3  }
0x33: {  	p0 =	seq.s32 s10, $0x1;
	s10 =	sld [smem:$0x3FB4];
	_ =	sdelay $0x3  }
0x34: {  	[smem:$0x3FB4] =	sst s10  }
0x35: {  	s10 =	sld [smem:$0x3FB3];
	_ =	sdelay $0x3  }
0x36: {  	p1 =	seq.s32 s10, $0x1;
	s10 =	sld [smem:$0x3FB4];
	_ =	sdelay $0x3  }
0x37: {  	[smem:$0x3FB4] =	sst s10  }
0x38: {  	s10 =	sld [smem:$0x3FB5]  }
0x39: {  	_ = 	snop;
	(pc) =	sbr.ind lr, $3  }
0x3a: {  	_ = 	snop  }
0x3b: {  	_ = 	snop  }
0x3c: {  	p2 =	seq.s32 s10, $0x1;
	s10 =	sld [smem:$0x3FB4]  }
0x3d: {  	_ =	shalt  }
0x3e: {  	_ =	shalt  }
0x3f: {  	_ =	shalt  }
0x40: {  	_ =	shalt  }
0x41: {  	_ =	shalt  }
0x42: {  	_ =	shalt  }
0x43: {  	_ =	shalt  }
0x44: {  	_ =	shalt  }
0x45: {  	_ =	shalt  }
0x46: {  	_ =	shalt  }
0x47: {  	_ =	shalt  }
0x48: {  	_ =	shalt  }
0x49: {  	_ =	shalt  }
0x4a: {  	_ =	shalt  }
0x4b: {  	_ =	shalt  }
0x4c: {  	_ =	shalt  }
0x4d: {  	_ =	shalt  }
0x4e: {  	_ =	shalt  }
0x4f: {  	_ =	shalt  }
0x50: {  	_ =	shalt  }
0x51: {  	_ =	shalt  }
0x52: {  	_ =	shalt  }
0x53: {  	_ =	shalt  }
0x54: {  	_ =	shalt  }
0x55: {  	_ =	shalt  }
0x56: {  	_ =	shalt  }
0x57: {  	_ =	shalt  }
0x58: {  	_ =	shalt  }
0x59: {  	_ =	shalt  }
0x5a: {  	_ =	shalt  }
0x5b: {  	_ =	shalt  }
0x5c: {  	_ =	shalt  }
0x5d: {  	_ =	shalt  }
0x5e: {  	_ =	shalt  }
0x5f: {  	_ =	shalt  }
0x60: {  	_ =	shalt  }
0x61: {  	_ =	shalt  }
0x62: {  	_ =	shalt  }
0x63: {  	_ =	shalt  }
0x64: {  	_ =	shalt  }
0x65: {  	_ =	shalt  }
0x66: {  	_ =	shalt  }
0x67: {  	_ =	shalt  }
0x68: {  	_ =	shalt  }
0x69: {  	_ =	shalt  }
0x6a: {  	_ =	shalt  }
0x6b: {  	_ =	shalt  }
0x6c: {  	_ =	shalt  }
0x6d: {  	_ =	shalt  }
0x6e: {  	_ =	shalt  }
0x6f: {  	_ =	shalt  }
0x70: {  	_ =	shalt  }
0x71: {  	_ =	shalt  }
0x72: {  	_ =	shalt  }
0x73: {  	_ =	shalt  }
0x74: {  	_ =	shalt  }
0x75: {  	_ =	shalt  }
0x76: {  	_ =	shalt  }
0x77: {  	_ =	shalt  }
0x78: {  	_ =	shalt  }
0x79: {  	_ =	shalt  }
0x7a: {  	_ =	shalt  }
0x7b: {  	_ =	shalt  }
0x7c: {  	_ =	shalt  }
0x7d: {  	_ =	shalt  }
0x7e: {  	_ =	shalt  }
0x7f: {  	_ =	shalt  }
0x80: {  	_ =	shalt  }
0x81: {  	_ =	shalt  }
0x82: {  	_ =	shalt  }
0x83: {  	_ =	shalt  }
0x84: {  	_ =	shalt  }
0x85: {  	_ =	shalt  }
0x86: {  	_ =	shalt  }
0x87: {  	_ =	shalt  }
.Lfunc_end0:
.L_simem_size_0:
called_computation.1_lowered:
.L_overlay_start_0:
0x88: {  	s2 =	sld [smem:$0x3FD9]  }
0x89: {  	s3 =	sld [smem:$0x3FFE];
	_ =	sdelay $0x1  }
0x8a: {  	s1 =	srdreg.scid  }
0x8b: {  	s0 =	sand.u32 $0x1, s1  }
0x8c: {  	s17 =	sshll.u32 s0, $0xA;
	s2 =	sadd.s32 s3, s2  }
0x8d: {  	s2 =	sadd.s32 s2, s17  }
0x8e: {  	[smem:$0x3FC0] =	sst s2  }
0x8f: {  	_ = 	snop  }
0x90: {  	s18 =	sld [smem:$0x3FC9]  }
0x91: {  	s4 =	sld [smem:$0x3FC6];
	(tm) =	ssettm $0x1  }
0x92: {  	s19 =	sld [smem:$0x3FFB];
	_ =	sdelay $0x3  }
0x93: {  	_ =	strace s19  }
0x94: {  	s2 =	sld [smem:$0x3FFC];
	_ =	sdelay $0x3  }
0x95: {  	_ =	strace s2  }
0x96: {  	s2 =	sld [smem:$0x3FFD];
	_ =	sdelay $0x3  }
0x97: {  	_ =	strace s2  }
0x98: {  	_ =	strace $0x8FFFFFFF  }
0x99: {  	s20 =	sld [smem:$0x3FDB];
	_ =	sdelay $0x1  }
0x9a: {  	s5 =	simm.s32 $_scs_section_size  }
0x9b: {  	s6 =	simm.s32 $_size__tile_overlayer_lowered;
	s7 =	simm.s32 $_tile_overlayer_lowered  }
0x9c: {  	s8 =	simm.s32 $0x1BFF;
	s21 =	sshll.u32 s7, $0x1;
	s5 =	sadd.s32 s5, s20  }
0x9d: {  	s22 =	simm.s32 $0x0;
	s6 =	sshll.u32 s6, $0x1;
	s7 =	sadd.s32 s21, s5  }
0x9e: {  	[timem:s22], [sflag:s8] =	dma.local [hbm:s7], s6  }
0x9f: {  	_ =	swait.ge [sflag:s8], s6  }
0xa0: {  	s6 =	ssub.s32 $0x0, s6;
	[sflag:s8] =	ssyncset.done $0x0  }
0xa1: {  	[sflag:s8] =	ssyncadd.s32 s6;
	_ =	sdelay $0x1  }
0xa2: {  	s23 =	simm.s32 $0x1B8B  }
0xa3: {  	_ =	swait.ge [sflag:s23], $0x1  }
0xa4: {  	[sflag:s23] =	ssyncset.done $0x0  }
0xa5: {  	[sflag:s23] =	ssyncadd.s32 $0xFFFFFFFF  }
0xa6: {  	s6 =	sld [smem:$0x0]  }
0xa7: {  	s7 =	sand.u32 $0xFFFFFFFE, s1  }
0xa8: {  	p0 =	sne.s32 s1, s7  }
0xa9: {  	s7 =	sshll.u32 @p0 s7, $0xE  }
0xaa: {  	s7 =	sadd.s32 @p0 $0x11B8D, s7;
	s8 =	sshll.u32 @p0 s6, $0x11  }
0xab: {  	s7 =	sor.u32 @p0 s8, s7  }
0xac: {  	[sflag:s7] =	ssyncadd.remote.s32 @p0 $0x1;
	_ =	sdelay $0x1  }
0xad: {  	s7 =	simm.s32 @p0 $0x1B8D  }
0xae: {  	_ =	swait.eq @p0 [sflag:s7], $0x1  }
0xaf: {  	[sflag:s7] =	ssyncadd.s32 @p0 $0xFFFFFFFF  }
0xb0: {  	s8 =	sshll.u32 @!p0 s1, $0xE  }
0xb1: {  	s8 =	sor.u32 @!p0 $0x4000, s8;
	s7 =	simm.s32 @!p0 $0x1B8D  }
0xb2: {  	s6 =	sshll.u32 @!p0 s6, $0x11;
	s8 =	sadd.s32 @!p0 $0x11B8D, s8;
	_ =	swait.eq @!p0 [sflag:s7], $0x1  }
0xb3: {  	s6 =	sor.u32 @!p0 s6, s8;
	[sflag:s7] =	ssyncadd.s32 @!p0 $0xFFFFFFFF  }
0xb4: {  	s25 =	simm.s32 $0x1B8E;
	s24 =	sld [smem:$0x3FFE];
	[sflag:s6] =	ssyncadd.remote.s32 @!p0 $0x1  }
0xb5: {  	s26 =	simm.s32 $execute0_lowered;
	[smem:$0x3FD2] =	sst s25  }
0xb6: {  	s7 =	sshll.u32 s26, $0x1;
	_ =	strace $0x80000049;
	[dreg:$0x1] =	wrdreg $0xFFFFFFFF  }
0xb7: {  	s28 =	simm.s32 $_size_execute0_lowered;
	s5 =	sadd.s32 s5, s7;
	[dreg:$0x0] =	wrdreg $0x0  }
0xb8: {  	s7 =	sshll.u32 s28, $0x1;
	[dreg:$0x2] =	wrdreg s5  }
0xb9: {  	[dreg:$0x3] =	wrdreg s7  }
0xba: {  	[dreg:$0x4] =	wrdreg $0xC0  }
0xbb: {  	_ =	task [dreg:s22], $0x5FFFF  }
0xbc: {  	[dreg:$0x1] =	wrdreg $0xFFFFFFFF  }
0xbd: {  	[dreg:$0x0] =	wrdreg $0x60  }
0xbe: {  	[dreg:$0x2] =	wrdreg s18  }
0xbf: {  	[dreg:$0x3] =	wrdreg s4  }
0xc0: {  	[dreg:$0x4] =	wrdreg s24  }
0xc1: {  	[dreg:$0x5] =	wrdreg $0xA  }
0xc2: {  	_ =	task.clear_ibuf [dreg:s22], $0x6FFFF;
	_ =	strace $0x90000049  }
0xc3: {  	s29 =	simm.s32 $0xA;
	_ =	strace $0x8000004B  }
0xc4: {  	_ =	swait.ge [sflag:s29], $0x1  }
0xc5: {  	[sflag:s29] =	ssyncadd.s32 $0xFFFFFFFF  }
0xc6: {  	_ =	strace $0x9000004B  }
0xc7: {  	_ =	sfence  }
0xc8: {  	s30 =	sld [smem:$0x0];
	_ =	sdelay $0x2  }
0xc9: {  	s31 =	sshll.u32 s1, $0xD;
	s1 =	sshrl.u32 s1, $0x2  }
0xca: {  	s4 =	sand.u32 $0x4000, s31;
	s1 =	sadd.s32 s1, s30  }
0xcb: {  	s0 =	sor.u32 s4, s0;
	s1 =	sshll.u32 s1, $0x11  }
0xcc: {  	s0 =	sor.u32 s1, s0  }
0xcd: {  	s0 =	sadd.s32 $0x8F2B, s0  }
0xce: {  	[sflag:s0] =	ssyncadd.remote.s32 $0x1  }
0xcf: {  	_ =	sfence.sel $0xFFFF  }
0xd0: {  	[dreg:$0x0] =	wrdreg $0xFFFFFFFF;
	(pc) =	sbr.abs _section_cstart, $3  }
0xd1: {  	[dreg:$0x1] =	wrdreg $0xFFFFFFFF  }
0xd2: {  	_ =	task.clear_ibuf [dreg:s22], $0x2FFFF;
	_ =	strace $0x9FFFFFFF  }
0xd3: {  	(tm) =	ssettm $0x7FFFFFFF  }
tec
execute0_lowered:
.L_overlay_start_1:
0x0: {  	(tag) =	ssettag $0x1  }
0x1: {  	s0 =	rddreg [dreg:$0x0]  }
0x2: {  	s2 =	rddreg [dreg:$0x1]  }
0x3: {  	s1 =	rddreg [dreg:$0x2]  }
0x4: {  	s3 =	srdreg.scid;
	s8 =	stileid.u32;
	v0 =	vimm.s32 $0x1380;
	vm0 =	vcmask $0x300;
	v1 =	vimm.s32 $0x3380  }
0x5: {  	vm1 =	vcmask $0x704;
	s9 =	simm.s32 $0x280;
	s21 =	simm.s32 $0xE80;
	s22 =	simm.s32 $0x1E80;
	v0 =	vsel vm0, $0x0, v0;
	v1 =	vsel vm0, $0x2000, v1  }
0x6: {  	vm15 =	vcmask $0xB08;
	s28 =	simm.s32 $0x6280;
	s29 =	simm.s32 $0x7280;
	s30 =	simm.s32 $0x4680;
	v0 =	vsel vm1, $0x80, v0;
	v1 =	vsel vm1, $0x2080, v1  }
0x7: {  	vm4 =	vcmask $0xF0C;
	s31 =	simm.s32 $0x5680;
	s10 =	simm.s32 $0x4E80;
	s11 =	simm.s32 $0x5E80;
	v0 =	vsel vm15, $0x100, v0;
	v1 =	vsel vm15, $0x2100, v1  }
0x8: {  	vm5 =	vcmask $0x1310;
	s12 =	simm.s32 $0x6E80;
	s13 =	simm.s32 $0x7E80;
	s16 =	simm.s32 $0x0;
	v0 =	vsel vm4, $0x180, v0;
	v1 =	vsel vm4, $0x2180, v1  }
0x9: {  	vm6 =	vcmask $0x1714;
	s4 =	sand.u32 $0x1, s3;
	s3 =	simm.s32 $0x0;
	s5 =	sshll.u32 s8, $0xF;
	v0 =	vsel vm5, $0x200, v0;
	v1 =	vsel vm5, $0x2200, v1  }
0xa: {  	vm7 =	vcmask $0x1B18;
	s8 =	sshll.u32 s8, $0x7;
	s6 =	sshll.u32 s4, $0xE;
	[smem:$0x7FF] =	sst s3;
	v0 =	vsel vm6, $0x280, v0;
	v1 =	vsel vm6, $0x2280, v1  }
0xb: {  	vm8 =	vcmask $0x1F1C;
	s23 =	ssub.s32 $0x2, s4;
	s4 =	sshll.u32 s4, $0x6;
	s5 =	sor.u32 s6, s5;
	v0 =	vsel vm7, $0x300, v0;
	v1 =	vsel vm7, $0x2300, v1  }
0xc: {  	vm9 =	vcmask $0x2320;
	_ =	strace $0x8000004A;
	s7 =	sshrl.u32 s23, $0x1;
	s4 =	sor.u32 s4, s8;
	v0 =	vsel vm8, $0x380, v0;
	v1 =	vsel vm8, $0x2380, v1  }
0xd: {  	vm10 =	vcmask $0x2724;
	s8 =	simm.s32 $0x1;
	s6 =	simm.s32 $0x6A80;
	s5 =	sshrl.u32 s5, $0x3;
	v0 =	vsel vm9, $0x1000, v0;
	v1 =	vsel vm9, $0x3000, v1  }
0xe: {  	vm11 =	vcmask $0x2B28;
	s24 =	ssub.s32 s23, s7;
	s0 =	sadd.s32 s0, s4;
	s23 =	simm.s32 $0x2E80;
	v0 =	vsel vm10, $0x1080, v0;
	v1 =	vsel vm10, $0x3080, v1  }
.Ltmp0:
0xf: {  	vm12 =	vcmask $0x2F2C;
	s4 =	simm.s32 $0x4A80;
	s7 =	simm.s32 $0x7A80;
	v0 =	vsel vm11, $0x1100, v0;
	v1 =	vsel vm11, $0x3100, v1;
	(pc) =	sbr.rel .LBB2_1-.Ltmp0, $4  }
0x10: {  	vm13 =	vcmask $0x3330;
	s1 =	sadd.s32 s5, s1;
	[dreg:$0x4] =	wrdreg s0;
	s25 =	smax.u32 s24, $0x1;
	v0 =	vsel vm12, $0x1180, v0;
	v1 =	vsel vm12, $0x3180, v1  }
0x11: {  	vm14 =	vcmask $0x3734;
	s24 =	simm.s32 $0x3E80;
	s0 =	simm.s32 $0x6680;
	s5 =	simm.s32 $0x5A80;
	v0 =	vsel vm13, $0x1200, v0;
	v1 =	vsel vm13, $0x3200, v1  }
0x12: {  	vm15 =	vcmask $0x3B38;
	[dreg:$0x5] =	wrdreg s25;
	s26 =	sadd.s32 $0x22E00, s1;
	s25 =	simm.s32 $0x4280;
	v0 =	vsel vm14, $0x1280, v0;
	v1 =	vsel vm14, $0x3280, v1  }
0x13: {  	s1 =	simm.s32 $0x7680;
	[dreg:$0x6] =	wrdreg s26;
	s26 =	simm.s32 $0x5280;
	v0 =	vsel vm15, $0x1300, v0;
	v1 =	vsel vm15, $0x3300, v1  }
.LBB2_5:
0x14: {  	s15 =	simm.s32 $0x2  }
0x15: {  	_ =	swait.ge [sflag:s15], $0x4000  }
0x16: {  	s16 =	rddreg [dreg:$0x7]  }
0x17: {  	s14 =	rddreg [dreg:$0x5];
	s16 =	sadd.s32 $0x1, s16  }
0x18: {  	p0 =	sne.s32 s16, s14  }
.Ltmp1:
0x19: {  	_ = 	snop;
	(pc) =	sbr.rel @!p0 .LBB2_6-.Ltmp1, $3  }
0x1a: {  	_ =	sdelay $0x1  }
0x1b: {  	[sflag:s15] =	ssyncset.done $0x0  }
0x1c: {  	[sflag:s15] =	ssyncadd.s32 $0xFFFFC000  }
.LBB2_1:
0x1d: {  	[dreg:$0x7] =	wrdreg s16  }
0x1e: {  	s14 =	rddreg [dreg:$0x4];
	s17 =	simm.s32 $0x3  }
0x1f: {  	[tilespmem:s3], [sflag:$0x3] =	stream.linear.gather [hbm4b:s14+s3], $0x200, $0x38;
	[tilespmem:$0xC280] =	vst v63  }
0x20: {  	_ =	swait.ge [sflag:s17], $0x200  }
0x21: {  	[sflag:s17] =	ssyncset.done $0x0  }
0x22: {  	[sflag:s17] =	ssyncadd.s32 $0xFFFFFE00  }
0x23: {  	v2 =	vld [tilespmem:$0x0];
	_ =	sdelay $0x4  }
0x24: {  	(v2sf) =	vpush v2, $0x0;
	_ =	sdelay $0xe  }
0x25: {  	s18 =	spop (v2sf)  }
0x26: {  	s15 =	sand.u32 $0x7F, s18  }
0x27: {  	(v2sf) =	vpush v2, $0x1;
	s19 =	sshra.s32 s18, $0x1F;
	p0 =	slt.s32 s18, $0x1;
	p1 =	sne.s32 s15, $0x0  }
0x28: {  	s20 =	sshrl.u32 s19, $0x19;
	p0 =	por !p0, !p1  }
0x29: {  	s15 =	simm.s32 $0x1;
	s14 =	sadd.s32 s20, s18;
	p0 =	por !p0, !p0  }
0x2a: {  	s14 =	sshrl.u32 s14, $0x7;
	s15 =	simm.s32 @!p0 $0x0  }
0x2b: {  	s14 =	ssub.s32 s14, s15  }
0x2c: {  	s14 =	sshll.u32 s14, $0xA  }
0x2d: {  	s16 =	sshrl.u32 s14, $0x3  }
0x2e: {  	s17 =	sadd.s32 $0x7A1400, s14;
	s15 =	sadd.s32 s2, s16  }
0x2f: {  	[tilespmem:s9], [sflag:$0x1] =	stream.linear.gather [hbm4b:s15+s3], $0x400, $0x38;
	[tilespmem:$0xC280] =	vst v63  }
0x30: {  	s15 =	sshrl.u32 s17, $0x3  }
0x31: {  	s18 =	simm.s32 $0x1280;
	s19 =	sadd.s32 $0xF42800, s14;
	s15 =	sadd.s32 s2, s15  }
0x32: {  	[tilespmem:s18], [sflag:$0x1] =	stream.linear.gather [hbm4b:s15+s3], $0x400, $0x38;
	[tilespmem:$0xC280] =	vst v63  }
0x33: {  	s14 =	sadd.s32 $0x16E3C00, s14;
	s15 =	sshrl.u32 s19, $0x3  }
0x34: {  	s20 =	simm.s32 $0x2280;
	s14 =	sshrl.u32 s14, $0x3;
	s15 =	sadd.s32 s2, s15  }
0x35: {  	[tilespmem:s20], [sflag:$0x1] =	stream.linear.gather [hbm4b:s15+s3], $0x400, $0x38;
	[tilespmem:$0xC280] =	vst v63  }
0x36: {  	s14 =	sadd.s32 s2, s14;
	s17 =	simm.s32 $0x3280;
	s18 =	spop (v2sf)  }
0x37: {  	[tilespmem:s17], [sflag:$0x1] =	stream.linear.gather [hbm4b:s14+s3], $0x400, $0x38;
	[tilespmem:$0xC280] =	vst v63  }
0x38: {  	s19 =	sand.u32 $0x7F, s18  }
0x39: {  	(v2sf) =	vpush v2, $0x2;
	s20 =	sshra.s32 s18, $0x1F;
	p1 =	slt.s32 s18, $0x1;
	p2 =	sne.s32 s19, $0x0  }
0x3a: {  	s16 =	sshrl.u32 s20, $0x19;
	p0 =	por !p1, !p2  }
0x3b: {  	s15 =	simm.s32 $0x1;
	s14 =	sadd.s32 s16, s18;
	p0 =	por !p0, !p0  }
0x3c: {  	s14 =	sshrl.u32 s14, $0x7;
	s15 =	simm.s32 @!p0 $0x0  }
0x3d: {  	s14 =	ssub.s32 s14, s15  }
0x3e: {  	s14 =	sshll.u32 s14, $0xA  }
0x3f: {  	s17 =	sshrl.u32 s14, $0x3  }
0x40: {  	s18 =	simm.s32 $0x680;
	s19 =	sadd.s32 $0x7A1400, s14;
	s15 =	sadd.s32 s2, s17  }
0x41: {  	[tilespmem:s18], [sflag:$0x1] =	stream.linear.gather [hbm4b:s15+s3], $0x400, $0x38;
	[tilespmem:$0xC280] =	vst v63  }
0x42: {  	s15 =	sshrl.u32 s19, $0x3  }
0x43: {  	s20 =	simm.s32 $0x1680;
	s17 =	sadd.s32 $0xF42800, s14;
	s15 =	sadd.s32 s2, s15  }
0x44: {  	[tilespmem:s20], [sflag:$0x1] =	stream.linear.gather [hbm4b:s15+s3], $0x400, $0x38;
	[tilespmem:$0xC280] =	vst v63  }
0x45: {  	s14 =	sadd.s32 $0x16E3C00, s14;
	s15 =	sshrl.u32 s17, $0x3  }
0x46: {  	s18 =	simm.s32 $0x2680;
	s14 =	sshrl.u32 s14, $0x3;
	s15 =	sadd.s32 s2, s15  }
0x47: {  	[tilespmem:s18], [sflag:$0x1] =	stream.linear.gather [hbm4b:s15+s3], $0x400, $0x38;
	[tilespmem:$0xC280] =	vst v63  }
0x48: {  	s19 =	simm.s32 $0x3680;
	s14 =	sadd.s32 s2, s14;
	s20 =	spop (v2sf)  }
0x49: {  	[tilespmem:s19], [sflag:$0x1] =	stream.linear.gather [hbm4b:s14+s3], $0x400, $0x38;
	[tilespmem:$0xC280] =	vst v63  }
0x4a: {  	s16 =	sand.u32 $0x7F, s20  }
0x4b: {  	(v2sf) =	vpush v2, $0x3;
	s17 =	sshra.s32 s20, $0x1F;
	p3 =	slt.s32 s20, $0x1;
	p4 =	sne.s32 s16, $0x0  }
0x4c: {  	s18 =	sshrl.u32 s17, $0x19;
	p0 =	por !p3, !p4  }
0x4d: {  	s15 =	simm.s32 $0x1;
	s14 =	sadd.s32 s18, s20;
	p0 =	por !p0, !p0  }
0x4e: {  	s14 =	sshrl.u32 s14, $0x7;
	s15 =	simm.s32 @!p0 $0x0  }
0x4f: {  	s14 =	ssub.s32 s14, s15  }
0x50: {  	s14 =	sshll.u32 s14, $0xA  }
0x51: {  	s19 =	sshrl.u32 s14, $0x3  }
0x52: {  	s20 =	simm.s32 $0xA80;
	s17 =	sadd.s32 $0x7A1400, s14;
	s15 =	sadd.s32 s2, s19  }
0x53: {  	[tilespmem:s20], [sflag:$0x1] =	stream.linear.gather [hbm4b:s15+s3], $0x400, $0x38;
	[tilespmem:$0xC280] =	vst v63  }
0x54: {  	s15 =	sshrl.u32 s17, $0x3  }
0x55: {  	s18 =	simm.s32 $0x1A80;
	s19 =	sadd.s32 $0xF42800, s14;
	s15 =	sadd.s32 s2, s15  }
0x56: {  	[tilespmem:s18], [sflag:$0x1] =	stream.linear.gather [hbm4b:s15+s3], $0x400, $0x38;
	[tilespmem:$0xC280] =	vst v63  }
0x57: {  	s14 =	sadd.s32 $0x16E3C00, s14;
	s15 =	sshrl.u32 s19, $0x3  }
0x58: {  	s20 =	simm.s32 $0x2A80;
	s14 =	sshrl.u32 s14, $0x3;
	s15 =	sadd.s32 s2, s15  }
0x59: {  	[tilespmem:s20], [sflag:$0x1] =	stream.linear.gather [hbm4b:s15+s3], $0x400, $0x38;
	[tilespmem:$0xC280] =	vst v63  }
0x5a: {  	s17 =	simm.s32 $0x3A80;
	s14 =	sadd.s32 s2, s14;
	s18 =	spop (v2sf)  }
0x5b: {  	[tilespmem:s17], [sflag:$0x1] =	stream.linear.gather [hbm4b:s14+s3], $0x400, $0x38;
	[tilespmem:$0xC280] =	vst v63  }
0x5c: {  	s19 =	sand.u32 $0x7F, s18  }
0x5d: {  	s20 =	sshra.s32 s18, $0x1F;
	p5 =	slt.s32 s18, $0x1;
	p6 =	sne.s32 s19, $0x0  }
0x5e: {  	s17 =	sshrl.u32 s20, $0x19;
	p0 =	por !p5, !p6  }
0x5f: {  	s15 =	simm.s32 $0x1;
	s14 =	sadd.s32 s17, s18;
	p0 =	por !p0, !p0  }
0x60: {  	s14 =	sshrl.u32 s14, $0x7;
	s15 =	simm.s32 @!p0 $0x0  }
0x61: {  	s14 =	ssub.s32 s14, s15  }
0x62: {  	s14 =	sshll.u32 s14, $0xA  }
0x63: {  	s18 =	sshrl.u32 s14, $0x3  }
0x64: {  	s19 =	sadd.s32 $0x7A1400, s14;
	s15 =	sadd.s32 s2, s18  }
0x65: {  	[tilespmem:s21], [sflag:$0x1] =	stream.linear.gather [hbm4b:s15+s3], $0x400, $0x38;
	[tilespmem:$0xC280] =	vst v63  }
0x66: {  	s15 =	sshrl.u32 s19, $0x3  }
0x67: {  	s20 =	sadd.s32 $0xF42800, s14;
	s15 =	sadd.s32 s2, s15  }
0x68: {  	[tilespmem:s22], [sflag:$0x1] =	stream.linear.gather [hbm4b:s15+s3], $0x400, $0x38;
	[tilespmem:$0xC280] =	vst v63  }
0x69: {  	s14 =	sadd.s32 $0x16E3C00, s14;
	s15 =	sshrl.u32 s20, $0x3  }
.Ltmp2:
0x6a: {  	s14 =	sshrl.u32 s14, $0x3;
	s15 =	sadd.s32 s2, s15;
	(pc) =	sbr.rel .LBB2_2-.Ltmp2, $4  }
0x6b: {  	[tilespmem:s23], [sflag:$0x1] =	stream.linear.gather [hbm4b:s15+s3], $0x400, $0x38;
	[tilespmem:$0xC280] =	vst v63  }
0x6c: {  	s14 =	sadd.s32 s2, s14  }
0x6d: {  	[tilespmem:s24], [sflag:$0x1] =	stream.linear.gather [hbm4b:s14+s3], $0x400, $0x38;
	[tilespmem:$0xC280] =	vst v63  }
0x6e: {  	s16 =	simm.s32 $0x0;
	s15 =	simm.s32 $0x0;
	s14 =	rddreg [dreg:$0x6]  }
.LBB2_4:
0x6f: {  	_ =	swait.ge [sflag:s8], $0x4000  }
0x70: {  	[sflag:s8] =	ssyncset.done $0x0  }
0x71: {  	[sflag:s8] =	ssyncadd.s32 $0xFFFFC000  }
0x72: {  	v2 =	vld [tilespmem:s15+$0x0];
	_ =	sdelay $0x4  }
0x73: {  	(v2sf) =	vpush v2, $0x4;
	_ =	sdelay $0x8  }
0x74: {  	(v2sf) =	vpush v2, $0x5;
	_ =	sdelay $0x5  }
0x75: {  	s18 =	spop (v2sf)  }
0x76: {  	s19 =	sand.u32 $0x7F, s18  }
0x77: {  	s20 =	sshra.s32 s18, $0x1F;
	p0 =	slt.s32 s18, $0x1;
	p1 =	sne.s32 s19, $0x0  }
0x78: {  	s20 =	sshrl.u32 s20, $0x19;
	p0 =	por !p0, !p1  }
0x79: {  	s19 =	sadd.s32 s20, s18;
	s20 =	simm.s32 $0x1;
	p0 =	por !p0, !p0  }
0x7a: {  	s19 =	sshrl.u32 s19, $0x7;
	s20 =	simm.s32 @!p0 $0x0  }
0x7b: {  	(v2sf) =	vpush v2, $0x6;
	s19 =	ssub.s32 s20, s19  }
0x7c: {  	s19 =	sshll.u32 s19, $0x7  }
0x7d: {  	s18 =	sadd.s32 s18, s19  }
0x7e: {  	v3 =	vmov s18;
	s18 =	spop (v2sf)  }
0x7f: {  	v4 =	vshll.u32 v3, $0x3;
	s19 =	sand.u32 $0x7F, s18  }
0x80: {  	v3 =	vand.u32 $0x7F, v3;
	s20 =	sshra.s32 s18, $0x1F;
	p1 =	slt.s32 s18, $0x1;
	v4 =	vand.u32 $0xFFFFFC00, v4;
	p2 =	sne.s32 s19, $0x0  }
0x81: {  	s20 =	sshrl.u32 s20, $0x19;
	v3 =	vor.u32 v3, v4;
	p0 =	por !p1, !p2  }
0x82: {  	s19 =	sadd.s32 s20, s18;
	s20 =	simm.s32 $0x1;
	v4 =	vadd.s32 v0, v3;
	p0 =	por !p0, !p0  }
0x83: {  	s19 =	sshrl.u32 s19, $0x7;
	s20 =	simm.s32 @!p0 $0x0  }
0x84: {  	s19 =	ssub.s32 s20, s19  }
0x85: {  	s19 =	sshll.u32 s19, $0x7  }
0x86: {  	s18 =	sadd.s32 s18, s19  }
0x87: {  	(v2sf) =	vpush v2, $0x7;
	v4 =	vld.idx.msk [tilespmem:v4+s25+$0x0], $0xffff;
	v5 =	vmov s18  }
0x88: {  	v2 =	vadd.s32 v1, v3;
	v3 =	vadd.s32 $0x80, v5  }
0x89: {  	v3 =	vbroadcast v3, $0x0  }
0x8a: {  	s18 =	spop (v2sf)  }
0x8b: {  	s19 =	sand.u32 $0x7F, s18;
	v56 =	vshll.u32 v3, $0x3  }
0x8c: {  	s20 =	sshra.s32 s18, $0x1F;
	p3 =	slt.s32 s18, $0x1;
	p4 =	sne.s32 s19, $0x0;
	v3 =	vand.u32 $0x7F, v3;
	[tilespmem:s17+$0x8300] =	vst v4;
	v57 =	vand.u32 $0xFFFFFC00, v56  }
0x8d: {  	s20 =	sshrl.u32 s20, $0x19;
	p0 =	por !p3, !p4;
	v2 =	vld.idx.msk [tilespmem:v2+s25+$0x0], $0xffff;
	v3 =	vor.u32 v3, v57  }
0x8e: {  	s19 =	sadd.s32 s20, s18;
	s20 =	simm.s32 $0x1;
	p0 =	por !p0, !p0;
	v4 =	vadd.s32 v0, v3  }
0x8f: {  	s19 =	sshrl.u32 s19, $0x7;
	s20 =	simm.s32 @!p0 $0x0  }
0x90: {  	s19 =	ssub.s32 s20, s19  }
0x91: {  	s19 =	sshll.u32 s19, $0x7  }
0x92: {  	s18 =	sadd.s32 s18, s19;
	[tilespmem:s17+$0x8310] =	vst v2  }
0x93: {  	v58 =	vmov s18;
	v2 =	vld.idx.msk [tilespmem:v4+s25+$0x0], $0xffff  }
0x94: {  	v3 =	vadd.s32 v1, v3;
	v4 =	vadd.s32 $0x100, v58  }
0x95: {  	v4 =	vbroadcast v4, $0x0  }
0x96: {  	s18 =	spop (v2sf)  }
0x97: {  	s19 =	sand.u32 $0x7F, s18;
	v59 =	vshll.u32 v4, $0x3  }
0x98: {  	s20 =	sshra.s32 s18, $0x1F;
	p5 =	slt.s32 s18, $0x1;
	p6 =	sne.s32 s19, $0x0;
	v60 =	vand.u32 $0xFFFFFC00, v59;
	[tilespmem:s17+$0x8320] =	vst v2;
	v2 =	vand.u32 $0x7F, v4  }
0x99: {  	s20 =	sshrl.u32 s20, $0x19;
	p0 =	por !p5, !p6;
	v3 =	vld.idx.msk [tilespmem:v3+s25+$0x0], $0xffff;
	v2 =	vor.u32 v2, v60  }
0x9a: {  	s19 =	sadd.s32 s20, s18;
	s20 =	simm.s32 $0x1;
	p0 =	por !p0, !p0;
	v4 =	vadd.s32 v0, v2  }
0x9b: {  	s19 =	sshrl.u32 s19, $0x7;
	s20 =	simm.s32 @!p0 $0x0  }
0x9c: {  	s19 =	ssub.s32 s20, s19  }
0x9d: {  	s19 =	sshll.u32 s19, $0x7  }
0x9e: {  	s18 =	sadd.s32 s18, s19;
	[tilespmem:s17+$0x8330] =	vst v3  }
0x9f: {  	v61 =	vmov s18;
	v3 =	vld.idx.msk [tilespmem:v4+s25+$0x0], $0xffff  }
0xa0: {  	v2 =	vadd.s32 v1, v2;
	v4 =	vadd.s32 $0x180, v61  }
0xa1: {  	v4 =	vbroadcast v4, $0x0;
	_ =	sdelay $0x1  }
0xa2: {  	v62 =	vshll.u32 v4, $0x3  }
0xa3: {  	v63 =	vand.u32 $0xFFFFFC00, v62;
	[tilespmem:s17+$0x8340] =	vst v3;
	v3 =	vand.u32 $0x7F, v4  }
0xa4: {  	v2 =	vld.idx.msk [tilespmem:v2+s25+$0x0], $0xffff;
	v3 =	vor.u32 v3, v63  }
0xa5: {  	v4 =	vadd.s32 v0, v3;
	_ =	sdelay $0x3  }
0xa6: {  	[tilespmem:s17+$0x8350] =	vst v2  }
0xa7: {  	v2 =	vld.idx.msk [tilespmem:v4+s25+$0x0], $0xffff  }
0xa8: {  	v3 =	vadd.s32 v1, v3;
	_ =	sdelay $0x3  }
0xa9: {  	[tilespmem:s17+$0x8360] =	vst v2  }
0xaa: {  	v2 =	vld.idx.msk [tilespmem:v3+s25+$0x0], $0xffff  }
0xab: {  	s16 =	sadd.s32 $0x400, s16  }
0xac: {  	p0 =	sne.s32 s16, $0x10000  }
.Ltmp3:
0xad: {  	_ = 	snop;
	(pc) =	sbr.rel @!p0 .LBB2_5-.Ltmp3, $4  }
0xae: {  	_ = 	snop  }
0xaf: {  	s20 =	sadd.s32 $0x8280, s17;
	[tilespmem:s17+$0x8370] =	vst v2  }
0xb0: {  	[hbm4b:s14+s3] =	stream.linear.scatter [tilespmem:s20], [sflag:$0x2], $0x100, $0x38;
	[tilespmem:$0xC280] =	vst v63  }
0xb1: {  	s15 =	sadd.s32 $0x8, s15;
	s14 =	sadd.s32 $0x20, s14  }
.LBB2_2:
0xb2: {  	v2 =	vld [tilespmem:s15+$0x0];
	_ =	sdelay $0x4  }
0xb3: {  	(v2sf) =	vpush v2, $0x4;
	_ =	sdelay $0xe  }
0xb4: {  	s17 =	spop (v2sf)  }
0xb5: {  	s18 =	sand.u32 $0x7F, s17  }
0xb6: {  	s19 =	sshra.s32 s17, $0x1F;
	p0 =	slt.s32 s17, $0x1;
	p1 =	sne.s32 s18, $0x0  }
0xb7: {  	s19 =	sshrl.u32 s19, $0x19;
	p0 =	por !p0, !p1  }
0xb8: {  	(v2sf) =	vpush v2, $0x5;
	s18 =	simm.s32 $0x1;
	s17 =	sadd.s32 s19, s17;
	p0 =	por !p0, !p0  }
0xb9: {  	s17 =	sshrl.u32 s17, $0x7;
	s18 =	simm.s32 @!p0 $0x0  }
0xba: {  	s17 =	ssub.s32 s17, s18  }
0xbb: {  	s17 =	sshll.u32 s17, $0xA  }
0xbc: {  	s20 =	sshrl.u32 s17, $0x3  }
0xbd: {  	s19 =	sadd.s32 $0x7A1400, s17;
	s18 =	sadd.s32 s2, s20  }
0xbe: {  	[tilespmem:s25], [sflag:$0x1] =	stream.linear.gather [hbm4b:s18+s3], $0x400, $0x38;
	[tilespmem:$0xC280] =	vst v63  }
0xbf: {  	s18 =	sshrl.u32 s19, $0x3  }
0xc0: {  	s20 =	sadd.s32 $0xF42800, s17;
	s18 =	sadd.s32 s2, s18  }
0xc1: {  	[tilespmem:s26], [sflag:$0x1] =	stream.linear.gather [hbm4b:s18+s3], $0x400, $0x38;
	[tilespmem:$0xC280] =	vst v63  }
0xc2: {  	s17 =	sadd.s32 $0x16E3C00, s17;
	s18 =	sshrl.u32 s20, $0x3  }
0xc3: {  	s17 =	sshrl.u32 s17, $0x3;
	s18 =	sadd.s32 s2, s18  }
0xc4: {  	[tilespmem:s28], [sflag:$0x1] =	stream.linear.gather [hbm4b:s18+s3], $0x400, $0x38;
	[tilespmem:$0xC280] =	vst v63  }
0xc5: {  	s17 =	sadd.s32 s2, s17  }
0xc6: {  	[tilespmem:s29], [sflag:$0x1] =	stream.linear.gather [hbm4b:s17+s3], $0x400, $0x38;
	[tilespmem:$0xC280] =	vst v63  }
0xc7: {  	s17 =	spop (v2sf)  }
0xc8: {  	s19 =	sand.u32 $0x7F, s17  }
0xc9: {  	s20 =	sshra.s32 s17, $0x1F;
	p5 =	slt.s32 s17, $0x1;
	p6 =	sne.s32 s19, $0x0  }
0xca: {  	s19 =	sshrl.u32 s20, $0x19;
	p0 =	por !p5, !p6  }
0xcb: {  	s18 =	simm.s32 $0x1;
	(v2sf) =	vpush v2, $0x6;
	s17 =	sadd.s32 s19, s17;
	p0 =	por !p0, !p0  }
0xcc: {  	s17 =	sshrl.u32 s17, $0x7;
	s18 =	simm.s32 @!p0 $0x0  }
0xcd: {  	s17 =	ssub.s32 s17, s18  }
0xce: {  	s17 =	sshll.u32 s17, $0xA  }
0xcf: {  	s20 =	sshrl.u32 s17, $0x3  }
0xd0: {  	s19 =	sadd.s32 $0x7A1400, s17;
	s18 =	sadd.s32 s2, s20  }
0xd1: {  	[tilespmem:s30], [sflag:$0x1] =	stream.linear.gather [hbm4b:s18+s3], $0x400, $0x38;
	[tilespmem:$0xC280] =	vst v63  }
0xd2: {  	s18 =	sshrl.u32 s19, $0x3  }
0xd3: {  	s20 =	sadd.s32 $0xF42800, s17;
	s18 =	sadd.s32 s2, s18  }
0xd4: {  	[tilespmem:s31], [sflag:$0x1] =	stream.linear.gather [hbm4b:s18+s3], $0x400, $0x38;
	[tilespmem:$0xC280] =	vst v63  }
0xd5: {  	s17 =	sadd.s32 $0x16E3C00, s17;
	s18 =	sshrl.u32 s20, $0x3  }
0xd6: {  	s17 =	sshrl.u32 s17, $0x3;
	s18 =	sadd.s32 s2, s18  }
0xd7: {  	[tilespmem:s0], [sflag:$0x1] =	stream.linear.gather [hbm4b:s18+s3], $0x400, $0x38;
	[tilespmem:$0xC280] =	vst v63  }
0xd8: {  	s17 =	sadd.s32 s2, s17  }
0xd9: {  	[tilespmem:s1], [sflag:$0x1] =	stream.linear.gather [hbm4b:s17+s3], $0x400, $0x38;
	[tilespmem:$0xC280] =	vst v63  }
0xda: {  	s17 =	spop (v2sf)  }
0xdb: {  	s19 =	sand.u32 $0x7F, s17  }
0xdc: {  	s20 =	sshra.s32 s17, $0x1F;
	p1 =	slt.s32 s17, $0x1;
	p2 =	sne.s32 s19, $0x0  }
0xdd: {  	s19 =	sshrl.u32 s20, $0x19;
	p0 =	por !p1, !p2  }
0xde: {  	s18 =	simm.s32 $0x1;
	(v2sf) =	vpush v2, $0x7;
	s17 =	sadd.s32 s19, s17;
	p0 =	por !p0, !p0  }
0xdf: {  	s17 =	sshrl.u32 s17, $0x7;
	s18 =	simm.s32 @!p0 $0x0  }
0xe0: {  	s17 =	ssub.s32 s17, s18  }
0xe1: {  	s17 =	sshll.u32 s17, $0xA  }
0xe2: {  	s20 =	sshrl.u32 s17, $0x3  }
0xe3: {  	s19 =	sadd.s32 $0x7A1400, s17;
	s18 =	sadd.s32 s2, s20  }
0xe4: {  	[tilespmem:s4], [sflag:$0x1] =	stream.linear.gather [hbm4b:s18+s3], $0x400, $0x38;
	[tilespmem:$0xC280] =	vst v63  }
0xe5: {  	s18 =	sshrl.u32 s19, $0x3  }
0xe6: {  	s20 =	sadd.s32 $0xF42800, s17;
	s18 =	sadd.s32 s2, s18  }
0xe7: {  	[tilespmem:s5], [sflag:$0x1] =	stream.linear.gather [hbm4b:s18+s3], $0x400, $0x38;
	[tilespmem:$0xC280] =	vst v63  }
0xe8: {  	s17 =	sadd.s32 $0x16E3C00, s17;
	s18 =	sshrl.u32 s20, $0x3  }
0xe9: {  	s17 =	sshrl.u32 s17, $0x3;
	s18 =	sadd.s32 s2, s18  }
0xea: {  	[tilespmem:s6], [sflag:$0x1] =	stream.linear.gather [hbm4b:s18+s3], $0x400, $0x38;
	[tilespmem:$0xC280] =	vst v63  }
0xeb: {  	s17 =	sadd.s32 s2, s17  }
0xec: {  	[tilespmem:s7], [sflag:$0x1] =	stream.linear.gather [hbm4b:s17+s3], $0x400, $0x38;
	[tilespmem:$0xC280] =	vst v63  }
0xed: {  	s17 =	spop (v2sf)  }
0xee: {  	s19 =	sand.u32 $0x7F, s17  }
0xef: {  	s20 =	sshra.s32 s17, $0x1F;
	p3 =	slt.s32 s17, $0x1;
	p4 =	sne.s32 s19, $0x0  }
0xf0: {  	s19 =	sshrl.u32 s20, $0x19;
	p0 =	por !p3, !p4  }
0xf1: {  	s18 =	simm.s32 $0x1;
	s17 =	sadd.s32 s19, s17;
	p0 =	por !p0, !p0  }
0xf2: {  	s17 =	sshrl.u32 s17, $0x7;
	s18 =	simm.s32 @!p0 $0x0  }
0xf3: {  	s17 =	ssub.s32 s17, s18  }
0xf4: {  	s17 =	sshll.u32 s17, $0xA  }
0xf5: {  	s20 =	sshrl.u32 s17, $0x3  }
0xf6: {  	s19 =	sadd.s32 $0x7A1400, s17;
	s18 =	sadd.s32 s2, s20  }
0xf7: {  	[tilespmem:s10], [sflag:$0x1] =	stream.linear.gather [hbm4b:s18+s3], $0x400, $0x38;
	[tilespmem:$0xC280] =	vst v63  }
0xf8: {  	s18 =	sshrl.u32 s19, $0x3  }
0xf9: {  	s20 =	sadd.s32 $0xF42800, s17;
	s18 =	sadd.s32 s2, s18  }
0xfa: {  	[tilespmem:s11], [sflag:$0x1] =	stream.linear.gather [hbm4b:s18+s3], $0x400, $0x38;
	[tilespmem:$0xC280] =	vst v63  }
0xfb: {  	s17 =	sadd.s32 $0x16E3C00, s17;
	s18 =	sshrl.u32 s20, $0x3  }
0xfc: {  	s17 =	sshrl.u32 s17, $0x3;
	s18 =	sadd.s32 s2, s18  }
0xfd: {  	[tilespmem:s12], [sflag:$0x1] =	stream.linear.gather [hbm4b:s18+s3], $0x400, $0x38;
	[tilespmem:$0xC280] =	vst v63  }
0xfe: {  	s17 =	sadd.s32 s2, s17  }
0xff: {  	[tilespmem:s13], [sflag:$0x1] =	stream.linear.gather [hbm4b:s17+s3], $0x400, $0x38;
	[tilespmem:$0xC280] =	vst v63  }
0x100: {  	_ =	swait.ge [sflag:s8], $0x4000  }
0x101: {  	[sflag:s8] =	ssyncset.done $0x0  }
0x102: {  	[sflag:s8] =	ssyncadd.s32 $0xFFFFC000  }
0x103: {  	v2 =	vld [tilespmem:s15+$0x0];
	_ =	sdelay $0x4  }
0x104: {  	(v2sf) =	vpush v2, $0x0;
	_ =	sdelay $0x8  }
0x105: {  	(v2sf) =	vpush v2, $0x1;
	_ =	sdelay $0x5  }
0x106: {  	s17 =	spop (v2sf)  }
0x107: {  	s19 =	sand.u32 $0x7F, s17  }
0x108: {  	s20 =	sshra.s32 s17, $0x1F;
	p5 =	slt.s32 s17, $0x1;
	p6 =	sne.s32 s19, $0x0  }
0x109: {  	s20 =	sshrl.u32 s20, $0x19;
	p0 =	por !p5, !p6  }
0x10a: {  	s19 =	simm.s32 $0x1;
	s18 =	sadd.s32 s20, s17;
	p0 =	por !p0, !p0  }
0x10b: {  	s18 =	sshrl.u32 s18, $0x7;
	s19 =	simm.s32 @!p0 $0x0  }
0x10c: {  	(v2sf) =	vpush v2, $0x2;
	s18 =	ssub.s32 s19, s18  }
0x10d: {  	s18 =	sshll.u32 s18, $0x7  }
0x10e: {  	s17 =	sadd.s32 s17, s18  }
0x10f: {  	v3 =	vmov s17;
	s17 =	spop (v2sf)  }
0x110: {  	v4 =	vshll.u32 v3, $0x3;
	s19 =	sand.u32 $0x7F, s17  }
0x111: {  	v3 =	vand.u32 $0x7F, v3;
	s20 =	sshra.s32 s17, $0x1F;
	p1 =	slt.s32 s17, $0x1;
	v4 =	vand.u32 $0xFFFFFC00, v4;
	p2 =	sne.s32 s19, $0x0  }
0x112: {  	s19 =	sshrl.u32 s20, $0x19;
	v3 =	vor.u32 v3, v4;
	p0 =	por !p1, !p2  }
0x113: {  	s18 =	sadd.s32 s19, s17;
	s19 =	simm.s32 $0x1;
	v4 =	vadd.s32 v0, v3;
	p0 =	por !p0, !p0  }
0x114: {  	s18 =	sshrl.u32 s18, $0x7;
	s19 =	simm.s32 @!p0 $0x0  }
0x115: {  	s18 =	ssub.s32 s19, s18  }
0x116: {  	s18 =	sshll.u32 s18, $0x7  }
0x117: {  	s17 =	sadd.s32 s17, s18  }
0x118: {  	(v2sf) =	vpush v2, $0x3;
	v4 =	vld.idx.msk [tilespmem:v4+s9+$0x0], $0xffff;
	v5 =	vmov s17  }
0x119: {  	v2 =	vadd.s32 v1, v3;
	v3 =	vadd.s32 $0x80, v5  }
0x11a: {  	v3 =	vbroadcast v3, $0x0  }
0x11b: {  	s18 =	spop (v2sf)  }
0x11c: {  	s17 =	sshra.s32 s16, $0x2;
	s19 =	sand.u32 $0x7F, s18;
	v56 =	vshll.u32 v3, $0x3  }
0x11d: {  	s20 =	sshra.s32 s18, $0x1F;
	p3 =	slt.s32 s18, $0x1;
	p4 =	sne.s32 s19, $0x0;
	v3 =	vand.u32 $0x7F, v3;
	[tilespmem:s17+$0x8280] =	vst v4;
	v57 =	vand.u32 $0xFFFFFC00, v56  }
0x11e: {  	s20 =	sshrl.u32 s20, $0x19;
	p0 =	por !p3, !p4;
	v2 =	vld.idx.msk [tilespmem:v2+s9+$0x0], $0xffff;
	v3 =	vor.u32 v3, v57  }
0x11f: {  	s19 =	sadd.s32 s20, s18;
	s20 =	simm.s32 $0x1;
	p0 =	por !p0, !p0;
	v4 =	vadd.s32 v0, v3  }
0x120: {  	s19 =	sshrl.u32 s19, $0x7;
	s20 =	simm.s32 @!p0 $0x0  }
0x121: {  	s19 =	ssub.s32 s20, s19  }
0x122: {  	s19 =	sshll.u32 s19, $0x7  }
0x123: {  	s18 =	sadd.s32 s18, s19;
	[tilespmem:s17+$0x8290] =	vst v2  }
0x124: {  	v58 =	vmov s18;
	v2 =	vld.idx.msk [tilespmem:v4+s9+$0x0], $0xffff  }
0x125: {  	v3 =	vadd.s32 v1, v3;
	v4 =	vadd.s32 $0x100, v58  }
0x126: {  	v4 =	vbroadcast v4, $0x0  }
0x127: {  	s18 =	spop (v2sf)  }
0x128: {  	s19 =	sand.u32 $0x7F, s18;
	v59 =	vshll.u32 v4, $0x3  }
0x129: {  	s20 =	sshra.s32 s18, $0x1F;
	p5 =	slt.s32 s18, $0x1;
	p6 =	sne.s32 s19, $0x0;
	v60 =	vand.u32 $0xFFFFFC00, v59;
	[tilespmem:s17+$0x82A0] =	vst v2;
	v2 =	vand.u32 $0x7F, v4  }
0x12a: {  	s20 =	sshrl.u32 s20, $0x19;
	p0 =	por !p5, !p6;
	v3 =	vld.idx.msk [tilespmem:v3+s9+$0x0], $0xffff;
	v2 =	vor.u32 v2, v60  }
0x12b: {  	s19 =	sadd.s32 s20, s18;
	s20 =	simm.s32 $0x1;
	p0 =	por !p0, !p0;
	v4 =	vadd.s32 v0, v2  }
0x12c: {  	s19 =	sshrl.u32 s19, $0x7;
	s20 =	simm.s32 @!p0 $0x0  }
0x12d: {  	s19 =	ssub.s32 s20, s19  }
0x12e: {  	s19 =	sshll.u32 s19, $0x7  }
0x12f: {  	s18 =	sadd.s32 s18, s19;
	[tilespmem:s17+$0x82B0] =	vst v3  }
0x130: {  	v61 =	vmov s18;
	v3 =	vld.idx.msk [tilespmem:v4+s9+$0x0], $0xffff  }
0x131: {  	v2 =	vadd.s32 v1, v2;
	v4 =	vadd.s32 $0x180, v61  }
0x132: {  	v4 =	vbroadcast v4, $0x0;
	_ =	sdelay $0x1  }
0x133: {  	v62 =	vshll.u32 v4, $0x3  }
0x134: {  	v63 =	vand.u32 $0xFFFFFC00, v62;
	[tilespmem:s17+$0x82C0] =	vst v3;
	v3 =	vand.u32 $0x7F, v4  }
0x135: {  	v2 =	vld.idx.msk [tilespmem:v2+s9+$0x0], $0xffff;
	v3 =	vor.u32 v3, v63  }
0x136: {  	v4 =	vadd.s32 v0, v3;
	_ =	sdelay $0x3  }
0x137: {  	[tilespmem:s17+$0x82D0] =	vst v2  }
0x138: {  	v2 =	vld.idx.msk [tilespmem:v4+s9+$0x0], $0xffff  }
0x139: {  	v3 =	vadd.s32 v1, v3;
	_ =	sdelay $0x3  }
0x13a: {  	[tilespmem:s17+$0x82E0] =	vst v2  }
0x13b: {  	p0 =	seq.s32 s16, $0xFC00;
	v2 =	vld.idx.msk [tilespmem:v3+s9+$0x0], $0xffff  }
.Ltmp4:
0x13c: {  	_ = 	snop;
	(pc) =	sbr.rel @p0 .LBB2_4-.Ltmp4, $2  }
0x13d: {  	_ =	sdelay $0x2  }
0x13e: {  	[tilespmem:s17+$0x82F0] =	vst v2  }
0x13f: {  	v2 =	vld [tilespmem:s15+$0x8];
	_ =	sdelay $0x4  }
0x140: {  	(v2sf) =	vpush v2, $0x0;
	_ =	sdelay $0xe  }
0x141: {  	s18 =	spop (v2sf)  }
0x142: {  	s19 =	sand.u32 $0x7F, s18  }
0x143: {  	s20 =	sshra.s32 s18, $0x1F;
	p1 =	slt.s32 s18, $0x1;
	p0 =	sne.s32 s19, $0x0  }
0x144: {  	s19 =	sshrl.u32 s20, $0x19;
	p0 =	por !p1, !p0  }
0x145: {  	s18 =	sadd.s32 s19, s18;
	s19 =	simm.s32 $0x1;
	p0 =	por !p0, !p0  }
0x146: {  	(v2sf) =	vpush v2, $0x1;
	s18 =	sshrl.u32 s18, $0x7;
	s19 =	simm.s32 @!p0 $0x0  }
0x147: {  	s18 =	ssub.s32 s18, s19  }
0x148: {  	s18 =	sshll.u32 s18, $0xA  }
0x149: {  	s20 =	sshrl.u32 s18, $0x3  }
0x14a: {  	s19 =	sadd.s32 s2, s20;
	s20 =	sadd.s32 $0x7A1400, s18  }
0x14b: {  	[tilespmem:s9], [sflag:$0x1] =	stream.linear.gather [hbm4b:s19+s3], $0x400, $0x38;
	[tilespmem:$0xC280] =	vst v63  }
0x14c: {  	s19 =	sshrl.u32 s20, $0x3  }
0x14d: {  	s20 =	simm.s32 $0x1280;
	s19 =	sadd.s32 s2, s19  }
0x14e: {  	[tilespmem:s20], [sflag:$0x1] =	stream.linear.gather [hbm4b:s19+s3], $0x400, $0x38;
	[tilespmem:$0xC280] =	vst v63  }
0x14f: {  	s20 =	sadd.s32 $0xF42800, s18  }
0x150: {  	s18 =	sadd.s32 $0x16E3C00, s18;
	s19 =	sshrl.u32 s20, $0x3  }
0x151: {  	s20 =	simm.s32 $0x2280;
	s18 =	sshrl.u32 s18, $0x3;
	s19 =	sadd.s32 s2, s19  }
0x152: {  	[tilespmem:s20], [sflag:$0x1] =	stream.linear.gather [hbm4b:s19+s3], $0x400, $0x38;
	[tilespmem:$0xC280] =	vst v63  }
0x153: {  	s18 =	sadd.s32 s2, s18;
	s20 =	simm.s32 $0x3280  }
0x154: {  	[tilespmem:s20], [sflag:$0x1] =	stream.linear.gather [hbm4b:s18+s3], $0x400, $0x38;
	[tilespmem:$0xC280] =	vst v63  }
0x155: {  	s18 =	spop (v2sf)  }
0x156: {  	s20 =	sand.u32 $0x7F, s18  }
0x157: {  	p2 =	slt.s32 s18, $0x1;
	p1 =	sne.s32 s20, $0x0;
	s20 =	sshra.s32 s18, $0x1F  }
0x158: {  	s19 =	sshrl.u32 s20, $0x19;
	p0 =	por !p2, !p1  }
0x159: {  	s18 =	sadd.s32 s19, s18;
	p0 =	por !p0, !p0;
	s19 =	simm.s32 $0x1  }
0x15a: {  	s18 =	sshrl.u32 s18, $0x7;
	s19 =	simm.s32 @!p0 $0x0  }
0x15b: {  	(v2sf) =	vpush v2, $0x2;
	s18 =	ssub.s32 s18, s19  }
0x15c: {  	s18 =	sshll.u32 s18, $0xA  }
0x15d: {  	s20 =	sshrl.u32 s18, $0x3  }
0x15e: {  	s19 =	sadd.s32 s2, s20;
	s20 =	simm.s32 $0x680  }
0x15f: {  	[tilespmem:s20], [sflag:$0x1] =	stream.linear.gather [hbm4b:s19+s3], $0x400, $0x38;
	[tilespmem:$0xC280] =	vst v63  }
0x160: {  	s20 =	sadd.s32 $0x7A1400, s18  }
0x161: {  	s19 =	sshrl.u32 s20, $0x3  }
0x162: {  	s20 =	simm.s32 $0x1680;
	s19 =	sadd.s32 s2, s19  }
0x163: {  	[tilespmem:s20], [sflag:$0x1] =	stream.linear.gather [hbm4b:s19+s3], $0x400, $0x38;
	[tilespmem:$0xC280] =	vst v63  }
0x164: {  	s20 =	sadd.s32 $0xF42800, s18  }
0x165: {  	s18 =	sadd.s32 $0x16E3C00, s18;
	s19 =	sshrl.u32 s20, $0x3  }
0x166: {  	s20 =	simm.s32 $0x2680;
	s18 =	sshrl.u32 s18, $0x3;
	s19 =	sadd.s32 s2, s19  }
0x167: {  	[tilespmem:s20], [sflag:$0x1] =	stream.linear.gather [hbm4b:s19+s3], $0x400, $0x38;
	[tilespmem:$0xC280] =	vst v63  }
0x168: {  	s18 =	sadd.s32 s2, s18;
	s20 =	simm.s32 $0x3680  }
0x169: {  	[tilespmem:s20], [sflag:$0x1] =	stream.linear.gather [hbm4b:s18+s3], $0x400, $0x38;
	[tilespmem:$0xC280] =	vst v63  }
0x16a: {  	s18 =	spop (v2sf)  }
0x16b: {  	s20 =	sand.u32 $0x7F, s18  }
0x16c: {  	p4 =	slt.s32 s18, $0x1;
	p3 =	sne.s32 s20, $0x0;
	s20 =	sshra.s32 s18, $0x1F  }
0x16d: {  	s19 =	sshrl.u32 s20, $0x19;
	p0 =	por !p4, !p3  }
0x16e: {  	s18 =	sadd.s32 s19, s18;
	p0 =	por !p0, !p0;
	s19 =	simm.s32 $0x1  }
0x16f: {  	s18 =	sshrl.u32 s18, $0x7;
	s19 =	simm.s32 @!p0 $0x0  }
0x170: {  	(v2sf) =	vpush v2, $0x3;
	s18 =	ssub.s32 s18, s19  }
0x171: {  	s18 =	sshll.u32 s18, $0xA  }
0x172: {  	s20 =	sshrl.u32 s18, $0x3  }
0x173: {  	s19 =	sadd.s32 s2, s20;
	s20 =	simm.s32 $0xA80  }
0x174: {  	[tilespmem:s20], [sflag:$0x1] =	stream.linear.gather [hbm4b:s19+s3], $0x400, $0x38;
	[tilespmem:$0xC280] =	vst v63  }
0x175: {  	s20 =	sadd.s32 $0x7A1400, s18  }
0x176: {  	s19 =	sshrl.u32 s20, $0x3  }
0x177: {  	s20 =	simm.s32 $0x1A80;
	s19 =	sadd.s32 s2, s19  }
0x178: {  	[tilespmem:s20], [sflag:$0x1] =	stream.linear.gather [hbm4b:s19+s3], $0x400, $0x38;
	[tilespmem:$0xC280] =	vst v63  }
0x179: {  	s20 =	sadd.s32 $0xF42800, s18  }
0x17a: {  	s18 =	sadd.s32 $0x16E3C00, s18;
	s19 =	sshrl.u32 s20, $0x3  }
0x17b: {  	s20 =	simm.s32 $0x2A80;
	s18 =	sshrl.u32 s18, $0x3;
	s19 =	sadd.s32 s2, s19  }
0x17c: {  	[tilespmem:s20], [sflag:$0x1] =	stream.linear.gather [hbm4b:s19+s3], $0x400, $0x38;
	[tilespmem:$0xC280] =	vst v63  }
0x17d: {  	s18 =	sadd.s32 s2, s18;
	s20 =	simm.s32 $0x3A80  }
0x17e: {  	[tilespmem:s20], [sflag:$0x1] =	stream.linear.gather [hbm4b:s18+s3], $0x400, $0x38;
	[tilespmem:$0xC280] =	vst v63  }
0x17f: {  	s18 =	spop (v2sf)  }
0x180: {  	s20 =	sand.u32 $0x7F, s18  }
0x181: {  	p6 =	slt.s32 s18, $0x1;
	p5 =	sne.s32 s20, $0x0;
	s20 =	sshra.s32 s18, $0x1F  }
0x182: {  	s19 =	sshrl.u32 s20, $0x19;
	p0 =	por !p6, !p5  }
0x183: {  	s18 =	sadd.s32 s19, s18;
	p0 =	por !p0, !p0;
	s19 =	simm.s32 $0x1  }
0x184: {  	s18 =	sshrl.u32 s18, $0x7;
	s19 =	simm.s32 @!p0 $0x0  }
0x185: {  	s18 =	ssub.s32 s18, s19  }
0x186: {  	s18 =	sshll.u32 s18, $0xA  }
0x187: {  	s20 =	sshrl.u32 s18, $0x3  }
0x188: {  	s19 =	sadd.s32 s2, s20;
	s20 =	sadd.s32 $0x7A1400, s18  }
0x189: {  	[tilespmem:s21], [sflag:$0x1] =	stream.linear.gather [hbm4b:s19+s3], $0x400, $0x38;
	[tilespmem:$0xC280] =	vst v63  }
0x18a: {  	s19 =	sshrl.u32 s20, $0x3  }
0x18b: {  	s20 =	sadd.s32 $0xF42800, s18;
	s19 =	sadd.s32 s2, s19  }
0x18c: {  	[tilespmem:s22], [sflag:$0x1] =	stream.linear.gather [hbm4b:s19+s3], $0x400, $0x38;
	[tilespmem:$0xC280] =	vst v63  }
.Ltmp5:
0x18d: {  	s18 =	sadd.s32 $0x16E3C00, s18;
	s19 =	sshrl.u32 s20, $0x3;
	(pc) =	sbr.rel .LBB2_4-.Ltmp5, $4  }
0x18e: {  	s18 =	sshrl.u32 s18, $0x3;
	s19 =	sadd.s32 s2, s19  }
0x18f: {  	[tilespmem:s23], [sflag:$0x1] =	stream.linear.gather [hbm4b:s19+s3], $0x400, $0x38;
	[tilespmem:$0xC280] =	vst v63  }
0x190: {  	s18 =	sadd.s32 s2, s18  }
0x191: {  	[tilespmem:s24], [sflag:$0x1] =	stream.linear.gather [hbm4b:s18+s3], $0x400, $0x38;
	[tilespmem:$0xC280] =	vst v63  }
.LBB2_6:
0x192: {  	_ =	sfence.sel $0x180000  }
0x193: {  	[bflag:$0x0] =	sbarrier.arrive $0xFFFF  }
0x194: {  	_ =	strace $0x9000004A  }
0x195: {  	s0 =	stileid.u32;
	[bflag:$0x2] =	sbarrier.arrive $0xFFFF  }
0x196: {  	p0 =	sne.s32 s0, $0x0;
	s0 =	rddreg [dreg:$0x3]  }
0x197: {  	s0 =	sadd.s32 @!p0 $0x100000, s0  }
0x198: {  	[sflag:s0] =	ssyncadd.tile.s32 @!p0 $0x1;
	_ =	shalt  }
.Lfunc_end2:
_tile_overlayer_lowered:
.L_overlay_start_2:
0x199: {  	(tag) =	ssettag $0x2  }
0x19a: {  	s0 =	rddreg [dreg:$0x0];
	s2 =	stileid.u32  }
0x19b: {  	s1 =	rddreg [dreg:$0x1];
	p0 =	sne.s32 s2, $0x0  }
0x19c: {  	s3 =	rddreg [dreg:$0x2];
	[bflag:$0x3] =	sbarrier.arrive $0xFFFF;
	s2 =	simm.s32 @!p0 $0x1C03  }
0x19d: {  	[timem:s3], [sflag:s2] =	dma.local @!p0 [hbm:s0], s1  }
0x19e: {  	s0 =	simm.s32 @!p0 $0x3  }
0x19f: {  	_ =	swait.ge @!p0 [sflag:s0], s1  }
0x1a0: {  	s1 =	ssub.s32 @!p0 $0x0, s1;
	[sflag:s0] =	ssyncset.done @!p0 $0x0  }
0x1a1: {  	[sflag:s0] =	ssyncadd.s32 @!p0 s1  }
0x1a2: {  	[bflag:$0x3] =	sbarrier.arrive $0xFFFF  }
0x1a3: {  	_ =	shalt  }

</sc_bundles>
